<compile_context>
chip_gen: v7x
topology: tpu7x:2x2x1
jax: 0.10.2.dev20260603
libtpu: 0.0.44.dev20260713+nightly
codegen_flags: <defaults>
</compile_context>

<pallas_src>
import functools

import jax
import jax.numpy as jnp
from jax import lax
from jax.experimental import pallas as pl
from jax.experimental.pallas import tpu as pltpu
from jax.experimental.pallas import tpu_sc as plsc

_LAMBDA_SSI = 0.5
_TOP_K_MASKING = 0.1
_EPS = 1e-06

_B = 16
_N = 384 * 384
_HALF = _N // 2
_NVEC = _HALF // 16
_C = 18432
_NCHUNK = _N // _C

_SHIFTS = (23, 15, 7, 0)
_NBINS = (256, 256, 256, 128)


def _body_a(p_ref, t_ref, d_ref, kidx_ref, nv_ref, nv_scr):
    i = pl.program_id(0)
    p = p_ref[...]
    t = t_ref[...]
    mask = (t > _EPS)
    d = jnp.log(jnp.maximum(p, _EPS)) - jnp.log(jnp.maximum(t, _EPS))
    d = jnp.where(mask, d, 0.0)
    d_ref[...] = d

    @pl.when(i == 0)
    def _init():
        nv_scr[...] = jnp.zeros_like(nv_scr)

    nv_scr[...] += jnp.sum(mask.astype(jnp.float32), axis=1, keepdims=True)

    @pl.when(i == _NCHUNK - 1)
    def _final():
        nv = nv_scr[...]
        k = (nv * _TOP_K_MASKING).astype(jnp.int32)
        k = jnp.minimum(k, _N - 1)
        kidx_ref[...] = jnp.broadcast_to(k, (_B, 128))
        nv_ref[...] = jnp.broadcast_to(nv, (_B, 8))


def _sc_body(d_hbm, kidx_hbm, out_hbm, d_buf, hist, pbuf, xveci, state,
             kbuf, stbuf, sh_hist, sh_x):
    c = lax.axis_index("c")
    s = lax.axis_index("s")
    row = c * 8 + s // 2
    half = s % 2
    is_scan = half == 0
    lanes = lax.iota(jnp.int32, 16)
    ones = jnp.ones((16,), jnp.float32)

    pltpu.sync_copy(d_hbm.at[row, pl.ds(half * _HALF, _HALF)], d_buf)

    @pl.when(is_scan)
    def _load_k():
        pltpu.sync_copy(kidx_hbm.at[row], kbuf)
        state[...] = jnp.full((16,), kbuf[pl.ds(0, 16)][0].astype(jnp.float32))

    def load_u(i):
        d = d_buf[pl.ds(i * 16, 16)]
        u = lax.bitcast_convert_type(d, jnp.int32) & 0x7FFFFFFF
        return d, u

    def unrolled(n, fn, unroll=16):
        plsc.parallel_loop(0, n, unroll=unroll)(fn)

    for p in range(4):
        shift = _SHIFTS[p]
        nb = _NBINS[p]

        def zfn(j):
            hist[pl.ds(j * 16, 16)] = jnp.zeros((16,), jnp.float32)
        unrolled(256, zfn)

        if p == 0:
            def sfn(i):
                _, u = load_u(i)
                b = lax.shift_right_logical(u, 23)
                plsc.addupdate_scatter(hist, [b * 16 + lanes], ones)
        else:
            pfx = xveci[...][0]
            pr_shift = _SHIFTS[p - 1]

            def sfn(i, pfx=pfx, shift=shift, pr_shift=pr_shift, mb=nb - 1):
                _, u = load_u(i)
                m = lax.shift_right_logical(u, pr_shift) == pfx
                b = lax.shift_right_logical(u, shift) & mb
                plsc.addupdate_scatter(hist, [b * 16 + lanes], ones, mask=m)
        unrolled(_NVEC, sfn)

        pltpu.sync_copy(hist, sh_hist.at[pl.ds(s * 4096, 4096)])
        plsc.subcore_barrier()

        @pl.when(is_scan)
        def _scan(p=p, nb=nb):
            pltpu.sync_copy(sh_hist.at[pl.ds((s + 1) * 4096, 4096)], pbuf)
            rank = state[...][0]

            init = (jnp.int32(0), jnp.int32(0), jnp.float32(0.0),
                    jnp.float32(0.0))

            @plsc.parallel_loop(0, nb, unroll=4, carry=init)
            def scbody(j, carry):
                found, bf, cgt, rn = carry
                b = (nb - 1) - j
                cb = (jnp.sum(hist[pl.ds(b * 16, 16)]) +
                      jnp.sum(pbuf[pl.ds(b * 16, 16)]))
                take = jnp.logical_and(found == 0, cgt + cb > rank)
                bf = jnp.where(take, b, bf)
                rn = jnp.where(take, rank - cgt, rn)
                found = jnp.where(take, 1, found)
                cgt = jnp.where(found > 0, cgt, cgt + cb)
                return found, bf, cgt, rn

            _, bf, _, rn = scbody
            state[...] = jnp.full((16,), rn)
            if p == 0:
                pfx_new = bf
            elif p < 3:
                pfx_new = xveci[...][0] * 256 + bf
            else:
                pfx_new = xveci[...][0] * 128 + bf
            xveci[...] = jnp.full((16,), pfx_new)
            pltpu.sync_copy(xveci, sh_x.at[pl.ds(s * 16, 16)])

        plsc.subcore_barrier()

        @pl.when(jnp.logical_not(is_scan))
        def _recv():
            pltpu.sync_copy(sh_x.at[pl.ds((s - 1) * 16, 16)], xveci)

    thr = xveci[...][0]

    z = jnp.zeros((16,), jnp.float32)

    @plsc.parallel_loop(0, _NVEC, unroll=16, carry=(z, z, z))
    def facc(i, carry):
        sv, ssv, cxv = carry
        d, u = load_u(i)
        m = u < thr
        dm = jnp.where(m, d, 0.0)
        return sv + dm, ssv + dm * dm, cxv + jnp.where(m, 0.0, 1.0)

    sv, ssv, cxv = facc
    stbuf[pl.ds(0, 16)] = sv
    stbuf[pl.ds(16, 16)] = ssv
    stbuf[pl.ds(32, 16)] = cxv
    pltpu.sync_copy(stbuf, out_hbm.at[half * 16 + row])


@functools.cache
def _sc_select():
    return pl.kernel(
        _sc_body,
        out_type=jax.ShapeDtypeStruct((2 * _B, 128), jnp.float32),
        mesh=plsc.VectorSubcoreMesh(core_axis_name="c", subcore_axis_name="s",
                                    num_cores=2, num_subcores=16),
        compiler_params=pltpu.CompilerParams(needs_layout_passes=False),
        scratch_types=[
        pltpu.VMEM((_HALF,), jnp.float32),
        pltpu.VMEM((4096,), jnp.float32),
        pltpu.VMEM((4096,), jnp.float32),
        pltpu.VMEM((16,), jnp.int32),
        pltpu.VMEM((16,), jnp.float32),
        pltpu.VMEM((128,), jnp.int32),
        pltpu.VMEM((128,), jnp.float32),
            pltpu.VMEM_SHARED((65536,), jnp.float32),
            pltpu.VMEM_SHARED((256,), jnp.int32),
        ],
    )


def _body_c(stats_ref, nv_ref, out_ref):
    st = stats_ref[0:_B, :] + stats_ref[_B:2 * _B, :]
    s = jnp.sum(st[:, 0:16], axis=1, keepdims=True)
    ss = jnp.sum(st[:, 16:32], axis=1, keepdims=True)
    cex = jnp.sum(st[:, 32:48], axis=1, keepdims=True)
    nv = nv_ref[:, 0:1]
    n = jnp.maximum(nv - cex, 1.0)
    v = ss / n - _LAMBDA_SSI * (s * s) / (n * n)
    row = jnp.sqrt(jnp.maximum(v, _EPS))
    out_ref[...] = jnp.mean(row).reshape(1, 1)


def kernel(prediction, target):
    p = prediction.reshape(_B, _N)
    t = target.reshape(_B, _N)
    d, kidx, nv = pl.pallas_call(
        _body_a,
        grid=(_NCHUNK,),
        in_specs=[
            pl.BlockSpec((_B, _C), lambda i: (0, i)),
            pl.BlockSpec((_B, _C), lambda i: (0, i)),
        ],
        out_specs=[
            pl.BlockSpec((_B, _C), lambda i: (0, i)),
            pl.BlockSpec((_B, 128), lambda i: (0, 0)),
            pl.BlockSpec((_B, 8), lambda i: (0, 0)),
        ],
        out_shape=[
            jax.ShapeDtypeStruct((_B, _N), jnp.float32),
            jax.ShapeDtypeStruct((_B, 128), jnp.int32),
            jax.ShapeDtypeStruct((_B, 8), jnp.float32),
        ],
        scratch_shapes=[pltpu.VMEM((_B, 1), jnp.float32)],
    )(p, t)

    stats = _sc_select()(d, kidx)

    out = pl.pallas_call(
        _body_c,
        out_specs=pl.BlockSpec((1, 1), lambda: (0, 0)),
        out_shape=jax.ShapeDtypeStruct((1, 1), jnp.float32),
    )(stats, nv)
    return out[0, 0]

# --- scband reference (transcript-rebuilt; emitter-appended) ---
"""Pipeline reference for scband-scale-invariant-loss-27668179321170 (READ-ONLY COPY).

The authoritative reference and input builder live on the scoring server;
editing this copy changes nothing except your own understanding.
"""

import jax, jax.numpy as jnp
import numpy as np

LAMBDA_SSI = 0.5
USE_LOG = True
TOP_K_MASKING = 0.1
EPS = 1e-06


def setup_inputs(seed: int = 0) -> dict:
    key = jax.random.key(seed)
    k1, k2 = jax.random.split(key)
    prediction = jax.random.uniform(k1, (16, 1, 384, 384), dtype=jnp.float32)
    target = jax.random.uniform(k2, (16, 1, 384, 384), dtype=jnp.float32)
    return {"prediction": prediction, "target": target}


def reference(prediction, target):
    B = prediction.shape[0]
    pred = prediction.reshape(B, -1)
    tgt = target.reshape(B, -1)
    # valid_mask is None -> mask = target > eps
    mask = tgt > EPS
    if USE_LOG:
        pred = jnp.log(jnp.maximum(pred, EPS))
        tgt = jnp.log(jnp.maximum(tgt, EPS))
    diff = (pred - tgt) * mask.astype(jnp.float32)
    N = diff.shape[1]
    if TOP_K_MASKING > 0:
        abs_diff = jnp.abs(diff)
        n_valid = mask.sum(axis=1, keepdims=True)
        n_to_mask = (n_valid.astype(jnp.float32) * TOP_K_MASKING).astype(jnp.int32)
        sorted_diff = jnp.sort(abs_diff, axis=1)[:, ::-1]  # descending
        idx = jnp.minimum(n_to_mask, N - 1)
        threshold = jnp.take_along_axis(sorted_diff, idx, axis=1)
        top_k_mask = abs_diff < threshold
        new_mask = mask & top_k_mask
        diff = diff * new_mask.astype(jnp.float32)
        mask = new_mask
    n = jnp.maximum(mask.sum(axis=1), 1).astype(jnp.float32)
    term1 = (diff ** 2).sum(axis=1) / n
    term2 = LAMBDA_SSI * (diff.sum(axis=1) ** 2) / (n ** 2)
    loss = jnp.sqrt(jnp.maximum(term1 - term2, EPS))
    return loss.mean()

if __name__ == "__main__":
    import jax
    _d = setup_inputs()
    print(jax.jit(kernel)(*tuple(_d.values())))

</pallas_src>

<mosaic_0001>
#map = affine_map<(d0, d1) -> (0, 0)>
module attributes {stable_mosaic.version = 14 : i64} {
  func.func @_sc_body(%arg0: i32, %arg1: i32, %arg2: memref<16x147456xf32, #tpu.memory_space<hbm>>, %arg3: memref<16x128xi32, #tpu.memory_space<hbm>>, %arg4: memref<32x128xf32, #tpu.memory_space<hbm>>, %arg5: memref<73728xf32, #tpu.memory_space<vmem>>, %arg6: memref<4096xf32, #tpu.memory_space<vmem>>, %arg7: memref<4096xf32, #tpu.memory_space<vmem>>, %arg8: memref<16xi32, #tpu.memory_space<vmem>>, %arg9: memref<16xf32, #tpu.memory_space<vmem>>, %arg10: memref<128xi32, #tpu.memory_space<vmem>>, %arg11: memref<128xf32, #tpu.memory_space<vmem>>, %arg12: memref<65536xf32, #tpu.memory_space<vmem_shared>>, %arg13: memref<256xi32, #tpu.memory_space<vmem_shared>>) attributes {dimension_semantics = [#tpu.dimension_semantics<core_parallel>, #tpu.dimension_semantics<subcore_parallel>], iteration_bounds = array<i64: 2, 16>, scalar_prefetch = 0 : i64, scratch_operands = 9 : i64, tpu.core_type = #tpu.core_type<sc_vector_subcore>, window_params = [{transform_indices = #map}, {transform_indices = #map}, {transform_indices = #map}]} {
    %mul3A = arith.constant 8 : i32
    %mul3A_0 = arith.muli %arg0, %mul3A : i32
    %jit3A = arith.constant 2 : i32
    %div3A = arith.divsi %arg1, %jit3A : i32
    %sign3A = arith.constant 0 : i32
    %sign3A_1 = arith.cmpi sgt, %arg1, %sign3A : i32
    %sign3A_2 = arith.extui %sign3A_1 : i1 to i32
    %sign3A_3 = arith.constant 0 : i32
    %sign3A_4 = arith.cmpi slt, %arg1, %sign3A_3 : i32
    %sign3A_5 = arith.extui %sign3A_4 : i1 to i32
    %sign3A_6 = arith.subi %sign3A_2, %sign3A_5 : i32
    %sign3A_7 = arith.constant 0 : i32
    %sign3A_8 = arith.cmpi sgt, %jit3A, %sign3A_7 : i32
    %sign3A_9 = arith.extui %sign3A_8 : i1 to i32
    %sign3A_10 = arith.constant 0 : i32
    %sign3A_11 = arith.cmpi slt, %jit3A, %sign3A_10 : i32
    %sign3A_12 = arith.extui %sign3A_11 : i1 to i32
    %sign3A_13 = arith.subi %sign3A_9, %sign3A_12 : i32
    %ne3A = arith.cmpi ne, %sign3A_6, %sign3A_13 : i32
    %rem3A = arith.remsi %arg1, %jit3A : i32
    %ne3A_14 = arith.constant 0 : i32
    %ne3A_15 = arith.cmpi ne, %rem3A, %ne3A_14 : i32
    %and3A = arith.andi %ne3A, %ne3A_15 : i1
    %sub3A = arith.constant 1 : i32
    %sub3A_16 = arith.subi %div3A, %sub3A : i32
    %select_n3A = arith.select %and3A, %sub3A_16, %div3A : i32
    %add3A = arith.addi %mul3A_0, %select_n3A : i32
    %jit3A_17 = arith.constant 2 : i32
    %eq3A = arith.constant 0 : i32
    %eq3A_18 = arith.cmpi eq, %jit3A_17, %eq3A : i32
    %jit3A_19 = arith.constant 1 : i32
    %select_n3A_20 = arith.select %eq3A_18, %jit3A_19, %jit3A_17 : i32
    %rem3A_21 = arith.remsi %arg1, %select_n3A_20 : i32
    %ne3A_22 = arith.constant 0 : i32
    %ne3A_23 = arith.cmpi ne, %rem3A_21, %ne3A_22 : i32
    %lt3A = arith.constant 0 : i32
    %lt3A_24 = arith.cmpi slt, %rem3A_21, %lt3A : i32
    %lt3A_25 = arith.constant 0 : i32
    %lt3A_26 = arith.cmpi slt, %select_n3A_20, %lt3A_25 : i32
    %ne3A_27 = arith.xori %lt3A_24, %lt3A_26 : i1
    %and3A_28 = arith.andi %ne3A_27, %ne3A_23 : i1
    %add3A_29 = arith.addi %rem3A_21, %select_n3A_20 : i32
    %select_n3A_30 = arith.select %and3A_28, %add3A_29, %rem3A_21 : i32
    %eq3A_31 = arith.constant 0 : i32
    %eq3A_32 = arith.cmpi eq, %select_n3A_30, %eq3A_31 : i32
    %iota3A = tpu.iota {dimensions = array<i32: 0>} : vector<16xi32>
    %broadcast_in_dim3A = arith.constant 1.000000e+00 : f32
    %broadcast_in_dim3A_33 = vector.broadcast %broadcast_in_dim3A : f32 to vector<16xf32>
    %mul3A_34 = arith.constant 73728 : i32
    %mul3A_35 = arith.muli %select_n3A_30, %mul3A_34 : i32
    "tpu.region"() ({
      %run_scoped3A = tpu.sem_alloc : memref<!tpu.dma_semaphore, #tpu.memory_space<semaphore_mem>>
      %dma_start3A = tpu.memref_slice %arg2[%add3A, %mul3A_35] : memref<16x147456xf32, #tpu.memory_space<hbm>> -> memref<1x73728xf32, #tpu.memory_space<hbm>>
      %dma_start3A_133 = tpu.memref_squeeze %dma_start3A : memref<1x73728xf32, #tpu.memory_space<hbm>> -> memref<73728xf32, #tpu.memory_space<hbm>>
      %dma_start3A_134 = tpu.memref_slice %arg2[%add3A, %mul3A_35] : memref<16x147456xf32, #tpu.memory_space<hbm>> -> memref<1x73728xf32, #tpu.memory_space<hbm>>
      %dma_start3A_135 = tpu.memref_squeeze %dma_start3A_134 : memref<1x73728xf32, #tpu.memory_space<hbm>> -> memref<73728xf32, #tpu.memory_space<hbm>>
      tpu.enqueue_dma source(%dma_start3A_135 : memref<73728xf32, #tpu.memory_space<hbm>>) target(%arg5 : memref<73728xf32, #tpu.memory_space<vmem>>) target_semaphore(%run_scoped3A : memref<!tpu.dma_semaphore, #tpu.memory_space<semaphore_mem>>)
      %dma_wait3A = tpu.memref_slice %arg2[%add3A, %mul3A_35] : memref<16x147456xf32, #tpu.memory_space<hbm>> -> memref<1x73728xf32, #tpu.memory_space<hbm>>
      %dma_wait3A_136 = tpu.memref_squeeze %dma_wait3A : memref<1x73728xf32, #tpu.memory_space<hbm>> -> memref<73728xf32, #tpu.memory_space<hbm>>
      %dma_wait3A_137 = tpu.memref_slice %arg2[%add3A, %mul3A_35] : memref<16x147456xf32, #tpu.memory_space<hbm>> -> memref<1x73728xf32, #tpu.memory_space<hbm>>
      %dma_wait3A_138 = tpu.memref_squeeze %dma_wait3A_137 : memref<1x73728xf32, #tpu.memory_space<hbm>> -> memref<73728xf32, #tpu.memory_space<hbm>>
      tpu.wait_dma2 semaphore(%run_scoped3A : memref<!tpu.dma_semaphore, #tpu.memory_space<semaphore_mem>>) src(%dma_wait3A_138 : memref<73728xf32, #tpu.memory_space<hbm>>) dst(%arg5 : memref<73728xf32, #tpu.memory_space<vmem>>)
      tpu.yield
    }) : () -> ()
    %convert_element_type3A = arith.extui %eq3A_32 : i1 to i32
    %cond3A = arith.constant 0 : i32
    %cond3A_36 = arith.cmpi ne, %convert_element_type3A, %cond3A : i32
    scf.if %cond3A_36 {
      "tpu.region"() ({
        %run_scoped3A = tpu.sem_alloc : memref<!tpu.dma_semaphore, #tpu.memory_space<semaphore_mem>>
        %dma_start3A = arith.constant 0 : i32
        %dma_start3A_141 = tpu.memref_slice %arg3[%add3A, %dma_start3A] : memref<16x128xi32, #tpu.memory_space<hbm>> -> memref<1x128xi32, #tpu.memory_space<hbm>>
        %dma_start3A_142 = tpu.memref_squeeze %dma_start3A_141 : memref<1x128xi32, #tpu.memory_space<hbm>> -> memref<128xi32, #tpu.memory_space<hbm>>
        %dma_start3A_143 = arith.constant 0 : i32
        %dma_start3A_144 = tpu.memref_slice %arg3[%add3A, %dma_start3A_143] : memref<16x128xi32, #tpu.memory_space<hbm>> -> memref<1x128xi32, #tpu.memory_space<hbm>>
        %dma_start3A_145 = tpu.memref_squeeze %dma_start3A_144 : memref<1x128xi32, #tpu.memory_space<hbm>> -> memref<128xi32, #tpu.memory_space<hbm>>
        tpu.enqueue_dma source(%dma_start3A_145 : memref<128xi32, #tpu.memory_space<hbm>>) target(%arg10 : memref<128xi32, #tpu.memory_space<vmem>>) target_semaphore(%run_scoped3A : memref<!tpu.dma_semaphore, #tpu.memory_space<semaphore_mem>>)
        %dma_wait3A = arith.constant 0 : i32
        %dma_wait3A_146 = tpu.memref_slice %arg3[%add3A, %dma_wait3A] : memref<16x128xi32, #tpu.memory_space<hbm>> -> memref<1x128xi32, #tpu.memory_space<hbm>>
        %dma_wait3A_147 = tpu.memref_squeeze %dma_wait3A_146 : memref<1x128xi32, #tpu.memory_space<hbm>> -> memref<128xi32, #tpu.memory_space<hbm>>
        %dma_wait3A_148 = arith.constant 0 : i32
        %dma_wait3A_149 = tpu.memref_slice %arg3[%add3A, %dma_wait3A_148] : memref<16x128xi32, #tpu.memory_space<hbm>> -> memref<1x128xi32, #tpu.memory_space<hbm>>
        %dma_wait3A_150 = tpu.memref_squeeze %dma_wait3A_149 : memref<1x128xi32, #tpu.memory_space<hbm>> -> memref<128xi32, #tpu.memory_space<hbm>>
        tpu.wait_dma2 semaphore(%run_scoped3A : memref<!tpu.dma_semaphore, #tpu.memory_space<semaphore_mem>>) src(%dma_wait3A_150 : memref<128xi32, #tpu.memory_space<hbm>>) dst(%arg10 : memref<128xi32, #tpu.memory_space<vmem>>)
        tpu.yield
      }) : () -> ()
      %get3A_133 = arith.constant 0 : index
      %get3A_134 = tpu.vector_load %arg10[%get3A_133] {strides = array<i32>} : memref<128xi32, #tpu.memory_space<vmem>>, vector<16xi32>,
      %slice3A_135 = vector.extract_strided_slice %get3A_134 {offsets = [0], sizes = [1], strides = [1]} : vector<16xi32> to vector<1xi32>
      %squeeze3A_136 = vector.extract %slice3A_135[0] : i32 from vector<1xi32>
      %convert_element_type3A_137 = arith.sitofp %squeeze3A_136 : i32 to f32
      %broadcast_in_dim3A_138 = vector.broadcast %convert_element_type3A_137 : f32 to vector<16xf32>
      %swap3A_139 = arith.constant 0 : index
      %swap3A_140 = tpu.vector_load %arg9[%swap3A_139] {strides = array<i32>} : memref<16xf32, #tpu.memory_space<vmem>>, vector<16xf32>,
      tpu.vector_store %arg9[%swap3A_139], %broadcast_in_dim3A_138 {strides = array<i32>} : memref<16xf32, #tpu.memory_space<vmem>>, vector<16xf32>,
    } else {
    }
    %parallel_loop3A = arith.constant 0 : i32
    %parallel_loop3A_37 = arith.constant 256 : i32
    %parallel_loop3A_38 = arith.constant 1 : i32
    scf.for %parallel_loop3A_133 = %parallel_loop3A to %parallel_loop3A_37 step %parallel_loop3A_38  : i32 {
      %parallel_loop3A_134 = arith.constant 0.000000e+00 : f32
      %parallel_loop3A_135 = vector.broadcast %parallel_loop3A_134 : f32 to vector<16xf32>
      %parallel_loop3A_136 = arith.constant 16 : i32
      %parallel_loop3A_137 = arith.muli %parallel_loop3A_133, %parallel_loop3A_136 : i32
      %parallel_loop3A_138 = arith.index_cast %parallel_loop3A_137 : i32 to index
      %parallel_loop3A_139 = tpu.vector_load %arg6[%parallel_loop3A_138] {strides = array<i32>} : memref<4096xf32, #tpu.memory_space<vmem>>, vector<16xf32>,
      tpu.vector_store %arg6[%parallel_loop3A_138], %parallel_loop3A_135 {strides = array<i32>} : memref<4096xf32, #tpu.memory_space<vmem>>, vector<16xf32>,
    } {sc.loop_unroll_factor = 16 : i64, sc.parallel_access}
    %parallel_loop3A_39 = arith.constant 0 : i32
    %parallel_loop3A_40 = arith.constant 4608 : i32
    %parallel_loop3A_41 = arith.constant 1 : i32
    scf.for %parallel_loop3A_133 = %parallel_loop3A_39 to %parallel_loop3A_40 step %parallel_loop3A_41  : i32 {
      %parallel_loop3A_134 = arith.constant 16 : i32
      %parallel_loop3A_135 = arith.muli %parallel_loop3A_133, %parallel_loop3A_134 : i32
      %parallel_loop3A_136 = arith.index_cast %parallel_loop3A_135 : i32 to index
      %parallel_loop3A_137 = tpu.vector_load %arg5[%parallel_loop3A_136] {strides = array<i32>} : memref<73728xf32, #tpu.memory_space<vmem>>, vector<16xf32>,
      %parallel_loop3A_138 = tpu.bitcast %parallel_loop3A_137 : vector<16xf32> -> vector<16xi32>
      %parallel_loop3A_139 = arith.constant 2147483647 : i32
      %parallel_loop3A_140 = vector.broadcast %parallel_loop3A_139 : i32 to vector<16xi32>
      %parallel_loop3A_141 = arith.andi %parallel_loop3A_138, %parallel_loop3A_140 : vector<16xi32>
      %parallel_loop3A_142 = arith.constant 23 : i32
      %parallel_loop3A_143 = vector.broadcast %parallel_loop3A_142 : i32 to vector<16xi32>
      %parallel_loop3A_144 = arith.shrui %parallel_loop3A_141, %parallel_loop3A_143 : vector<16xi32>
      %parallel_loop3A_145 = arith.constant 16 : i32
      %parallel_loop3A_146 = vector.broadcast %parallel_loop3A_145 : i32 to vector<16xi32>
      %parallel_loop3A_147 = arith.muli %parallel_loop3A_144, %parallel_loop3A_146 : vector<16xi32>
      %parallel_loop3A_148 = arith.addi %parallel_loop3A_147, %iota3A : vector<16xi32>
      tpu.vector_store_idx %arg6[%parallel_loop3A_148], %broadcast_in_dim3A_33 {add = true} : memref<4096xf32, #tpu.memory_space<vmem>>[vector<16xi32>], vector<16xf32>,
    } {sc.loop_unroll_factor = 16 : i64, sc.parallel_access}
    %mul3A_42 = arith.constant 4096 : i32
    %mul3A_43 = arith.muli %arg1, %mul3A_42 : i32
    "tpu.region"() ({
      %run_scoped3A = tpu.sem_alloc : memref<!tpu.dma_semaphore, #tpu.memory_space<semaphore_mem>>
      %dma_start3A = tpu.memref_slice %arg12[%mul3A_43] : memref<65536xf32, #tpu.memory_space<vmem_shared>> -> memref<4096xf32, #tpu.memory_space<vmem_shared>>
      %dma_start3A_133 = tpu.memref_slice %arg12[%mul3A_43] : memref<65536xf32, #tpu.memory_space<vmem_shared>> -> memref<4096xf32, #tpu.memory_space<vmem_shared>>
      tpu.enqueue_dma source(%arg6 : memref<4096xf32, #tpu.memory_space<vmem>>) target(%dma_start3A_133 : memref<4096xf32, #tpu.memory_space<vmem_shared>>) target_semaphore(%run_scoped3A : memref<!tpu.dma_semaphore, #tpu.memory_space<semaphore_mem>>)
      %dma_wait3A = tpu.memref_slice %arg12[%mul3A_43] : memref<65536xf32, #tpu.memory_space<vmem_shared>> -> memref<4096xf32, #tpu.memory_space<vmem_shared>>
      %dma_wait3A_134 = tpu.memref_slice %arg12[%mul3A_43] : memref<65536xf32, #tpu.memory_space<vmem_shared>> -> memref<4096xf32, #tpu.memory_space<vmem_shared>>
      tpu.wait_dma2 semaphore(%run_scoped3A : memref<!tpu.dma_semaphore, #tpu.memory_space<semaphore_mem>>) src(%arg6 : memref<4096xf32, #tpu.memory_space<vmem>>) dst(%dma_wait3A_134 : memref<4096xf32, #tpu.memory_space<vmem_shared>>)
      tpu.yield
    }) : () -> ()
    %barrier3A = arith.constant 0 : index
    tpu.barrier barrier_id(%barrier3A)
    %convert_element_type3A_44 = arith.extui %eq3A_32 : i1 to i32
    %cond3A_45 = arith.constant 0 : i32
    %cond3A_46 = arith.cmpi ne, %convert_element_type3A_44, %cond3A_45 : i32
    scf.if %cond3A_46 {
      %add3A_133 = arith.constant 1 : i32
      %add3A_134 = arith.addi %arg1, %add3A_133 : i32
      %mul3A_135 = arith.constant 4096 : i32
      %mul3A_136 = arith.muli %add3A_134, %mul3A_135 : i32
      "tpu.region"() ({
        %run_scoped3A = tpu.sem_alloc : memref<!tpu.dma_semaphore, #tpu.memory_space<semaphore_mem>>
        %dma_start3A = tpu.memref_slice %arg12[%mul3A_136] : memref<65536xf32, #tpu.memory_space<vmem_shared>> -> memref<4096xf32, #tpu.memory_space<vmem_shared>>
        %dma_start3A_157 = tpu.memref_slice %arg12[%mul3A_136] : memref<65536xf32, #tpu.memory_space<vmem_shared>> -> memref<4096xf32, #tpu.memory_space<vmem_shared>>
        tpu.enqueue_dma source(%dma_start3A_157 : memref<4096xf32, #tpu.memory_space<vmem_shared>>) target(%arg7 : memref<4096xf32, #tpu.memory_space<vmem>>) target_semaphore(%run_scoped3A : memref<!tpu.dma_semaphore, #tpu.memory_space<semaphore_mem>>)
        %dma_wait3A = tpu.memref_slice %arg12[%mul3A_136] : memref<65536xf32, #tpu.memory_space<vmem_shared>> -> memref<4096xf32, #tpu.memory_space<vmem_shared>>
        %dma_wait3A_158 = tpu.memref_slice %arg12[%mul3A_136] : memref<65536xf32, #tpu.memory_space<vmem_shared>> -> memref<4096xf32, #tpu.memory_space<vmem_shared>>
        tpu.wait_dma2 semaphore(%run_scoped3A : memref<!tpu.dma_semaphore, #tpu.memory_space<semaphore_mem>>) src(%dma_wait3A_158 : memref<4096xf32, #tpu.memory_space<vmem_shared>>) dst(%arg7 : memref<4096xf32, #tpu.memory_space<vmem>>)
        tpu.yield
      }) : () -> ()
      %get3A_137 = arith.constant 0 : index
      %get3A_138 = tpu.vector_load %arg9[%get3A_137] {strides = array<i32>} : memref<16xf32, #tpu.memory_space<vmem>>, vector<16xf32>,
      %slice3A_139 = vector.extract_strided_slice %get3A_138 {offsets = [0], sizes = [1], strides = [1]} : vector<16xf32> to vector<1xf32>
      %squeeze3A_140 = vector.extract %slice3A_139[0] : f32 from vector<1xf32>
      %parallel_loop3A_141 = arith.constant 0 : i32
      %parallel_loop3A_142 = arith.constant 256 : i32
      %parallel_loop3A_143 = arith.constant 1 : i32
      %parallel_loop3A_144 = arith.constant 0 : i32
      %parallel_loop3A_145 = arith.constant 0 : i32
      %parallel_loop3A_146 = arith.constant 0.000000e+00 : f32
      %parallel_loop3A_147 = arith.constant 0.000000e+00 : f32
      %parallel_loop3A_148:4 = scf.for %parallel_loop3A_157 = %parallel_loop3A_141 to %parallel_loop3A_142 step %parallel_loop3A_143 iter_args(%parallel_loop3A_158 = %parallel_loop3A_144, %parallel_loop3A_159 = %parallel_loop3A_145, %parallel_loop3A_160 = %parallel_loop3A_146, %parallel_loop3A_161 = %parallel_loop3A_147) -> (i32, i32, f32, f32)  : i32 {
        %parallel_loop3A_162 = arith.constant 255 : i32
        %parallel_loop3A_163 = arith.subi %parallel_loop3A_162, %parallel_loop3A_157 : i32
        %parallel_loop3A_164 = arith.constant 16 : i32
        %parallel_loop3A_165 = arith.muli %parallel_loop3A_163, %parallel_loop3A_164 : i32
        %parallel_loop3A_166 = arith.index_cast %parallel_loop3A_165 : i32 to index
        %parallel_loop3A_167 = tpu.vector_load %arg6[%parallel_loop3A_166] {strides = array<i32>} : memref<4096xf32, #tpu.memory_space<vmem>>, vector<16xf32>,
        %parallel_loop3A_168 = arith.constant true
        %parallel_loop3A_169 = vector.broadcast %parallel_loop3A_168 : i1 to vector<16xi1>
        %parallel_loop3A_170 = tpu.scan <sum>, %parallel_loop3A_167 masked %parallel_loop3A_169 : vector<16xf32>, vector<16xi1> -> vector<16xf32>
        %parallel_loop3A_171 = vector.extract %parallel_loop3A_170[15] : f32 from vector<16xf32>
        %parallel_loop3A_172 = arith.constant 16 : i32
        %parallel_loop3A_173 = arith.muli %parallel_loop3A_163, %parallel_loop3A_172 : i32
        %parallel_loop3A_174 = arith.index_cast %parallel_loop3A_173 : i32 to index
        %parallel_loop3A_175 = tpu.vector_load %arg7[%parallel_loop3A_174] {strides = array<i32>} : memref<4096xf32, #tpu.memory_space<vmem>>, vector<16xf32>,
        %parallel_loop3A_176 = arith.constant true
        %parallel_loop3A_177 = vector.broadcast %parallel_loop3A_176 : i1 to vector<16xi1>
        %parallel_loop3A_178 = tpu.scan <sum>, %parallel_loop3A_175 masked %parallel_loop3A_177 : vector<16xf32>, vector<16xi1> -> vector<16xf32>
        %parallel_loop3A_179 = vector.extract %parallel_loop3A_178[15] : f32 from vector<16xf32>
        %parallel_loop3A_180 = arith.addf %parallel_loop3A_171, %parallel_loop3A_179 : f32
        %parallel_loop3A_181 = arith.constant 0 : i32
        %parallel_loop3A_182 = arith.cmpi eq, %parallel_loop3A_158, %parallel_loop3A_181 : i32
        %parallel_loop3A_183 = arith.addf %parallel_loop3A_160, %parallel_loop3A_180 : f32
        %parallel_loop3A_184 = arith.cmpf ogt, %parallel_loop3A_183, %squeeze3A_140 : f32
        %parallel_loop3A_185 = arith.andi %parallel_loop3A_182, %parallel_loop3A_184 : i1
        %parallel_loop3A_186 = arith.select %parallel_loop3A_185, %parallel_loop3A_163, %parallel_loop3A_159 : i32
        %parallel_loop3A_187 = arith.subf %squeeze3A_140, %parallel_loop3A_160 : f32
        %parallel_loop3A_188 = arith.select %parallel_loop3A_185, %parallel_loop3A_187, %parallel_loop3A_161 : f32
        %parallel_loop3A_189 = arith.constant 1 : i32
        %parallel_loop3A_190 = arith.select %parallel_loop3A_185, %parallel_loop3A_189, %parallel_loop3A_158 : i32
        %parallel_loop3A_191 = arith.constant 0 : i32
        %parallel_loop3A_192 = arith.cmpi sgt, %parallel_loop3A_190, %parallel_loop3A_191 : i32
        %parallel_loop3A_193 = arith.addf %parallel_loop3A_160, %parallel_loop3A_180 : f32
        %parallel_loop3A_194 = arith.select %parallel_loop3A_192, %parallel_loop3A_160, %parallel_loop3A_193 : f32
        scf.yield %parallel_loop3A_190, %parallel_loop3A_186, %parallel_loop3A_194, %parallel_loop3A_188 : i32, i32, f32, f32
      } {sc.loop_unroll_factor = 4 : i64, sc.parallel_access}
      %broadcast_in_dim3A_149 = vector.broadcast %parallel_loop3A_148#3 : f32 to vector<16xf32>
      %swap3A_150 = arith.constant 0 : index
      %swap3A_151 = tpu.vector_load %arg9[%swap3A_150] {strides = array<i32>} : memref<16xf32, #tpu.memory_space<vmem>>, vector<16xf32>,
      tpu.vector_store %arg9[%swap3A_150], %broadcast_in_dim3A_149 {strides = array<i32>} : memref<16xf32, #tpu.memory_space<vmem>>, vector<16xf32>,
      %broadcast_in_dim3A_152 = vector.broadcast %parallel_loop3A_148#1 : i32 to vector<16xi32>
      %swap3A_153 = arith.constant 0 : index
      %swap3A_154 = tpu.vector_load %arg8[%swap3A_153] {strides = array<i32>} : memref<16xi32, #tpu.memory_space<vmem>>, vector<16xi32>,
      tpu.vector_store %arg8[%swap3A_153], %broadcast_in_dim3A_152 {strides = array<i32>} : memref<16xi32, #tpu.memory_space<vmem>>, vector<16xi32>,
      %mul3A_155 = arith.constant 16 : i32
      %mul3A_156 = arith.muli %arg1, %mul3A_155 : i32
      "tpu.region"() ({
        %run_scoped3A = tpu.sem_alloc : memref<!tpu.dma_semaphore, #tpu.memory_space<semaphore_mem>>
        %dma_start3A = tpu.memref_slice %arg13[%mul3A_156] : memref<256xi32, #tpu.memory_space<vmem_shared>> -> memref<16xi32, #tpu.memory_space<vmem_shared>>
        %dma_start3A_157 = tpu.memref_slice %arg13[%mul3A_156] : memref<256xi32, #tpu.memory_space<vmem_shared>> -> memref<16xi32, #tpu.memory_space<vmem_shared>>
        tpu.enqueue_dma source(%arg8 : memref<16xi32, #tpu.memory_space<vmem>>) target(%dma_start3A_157 : memref<16xi32, #tpu.memory_space<vmem_shared>>) target_semaphore(%run_scoped3A : memref<!tpu.dma_semaphore, #tpu.memory_space<semaphore_mem>>)
        %dma_wait3A = tpu.memref_slice %arg13[%mul3A_156] : memref<256xi32, #tpu.memory_space<vmem_shared>> -> memref<16xi32, #tpu.memory_space<vmem_shared>>
        %dma_wait3A_158 = tpu.memref_slice %arg13[%mul3A_156] : memref<256xi32, #tpu.memory_space<vmem_shared>> -> memref<16xi32, #tpu.memory_space<vmem_shared>>
        tpu.wait_dma2 semaphore(%run_scoped3A : memref<!tpu.dma_semaphore, #tpu.memory_space<semaphore_mem>>) src(%arg8 : memref<16xi32, #tpu.memory_space<vmem>>) dst(%dma_wait3A_158 : memref<16xi32, #tpu.memory_space<vmem_shared>>)
        tpu.yield
      }) : () -> ()
    } else {
    }
    %barrier3A_47 = arith.constant 0 : index
    tpu.barrier barrier_id(%barrier3A_47)
    %not3A = arith.constant true
    %not3A_48 = arith.xori %eq3A_32, %not3A : i1
    %convert_element_type3A_49 = arith.extui %not3A_48 : i1 to i32
    %cond3A_50 = arith.constant 0 : i32
    %cond3A_51 = arith.cmpi ne, %convert_element_type3A_49, %cond3A_50 : i32
    scf.if %cond3A_51 {
      %sub3A_133 = arith.constant 1 : i32
      %sub3A_134 = arith.subi %arg1, %sub3A_133 : i32
      %mul3A_135 = arith.constant 16 : i32
      %mul3A_136 = arith.muli %sub3A_134, %mul3A_135 : i32
      "tpu.region"() ({
        %run_scoped3A = tpu.sem_alloc : memref<!tpu.dma_semaphore, #tpu.memory_space<semaphore_mem>>
        %dma_start3A = tpu.memref_slice %arg13[%mul3A_136] : memref<256xi32, #tpu.memory_space<vmem_shared>> -> memref<16xi32, #tpu.memory_space<vmem_shared>>
        %dma_start3A_137 = tpu.memref_slice %arg13[%mul3A_136] : memref<256xi32, #tpu.memory_space<vmem_shared>> -> memref<16xi32, #tpu.memory_space<vmem_shared>>
        tpu.enqueue_dma source(%dma_start3A_137 : memref<16xi32, #tpu.memory_space<vmem_shared>>) target(%arg8 : memref<16xi32, #tpu.memory_space<vmem>>) target_semaphore(%run_scoped3A : memref<!tpu.dma_semaphore, #tpu.memory_space<semaphore_mem>>)
        %dma_wait3A = tpu.memref_slice %arg13[%mul3A_136] : memref<256xi32, #tpu.memory_space<vmem_shared>> -> memref<16xi32, #tpu.memory_space<vmem_shared>>
        %dma_wait3A_138 = tpu.memref_slice %arg13[%mul3A_136] : memref<256xi32, #tpu.memory_space<vmem_shared>> -> memref<16xi32, #tpu.memory_space<vmem_shared>>
        tpu.wait_dma2 semaphore(%run_scoped3A : memref<!tpu.dma_semaphore, #tpu.memory_space<semaphore_mem>>) src(%dma_wait3A_138 : memref<16xi32, #tpu.memory_space<vmem_shared>>) dst(%arg8 : memref<16xi32, #tpu.memory_space<vmem>>)
        tpu.yield
      }) : () -> ()
    } else {
    }
    %parallel_loop3A_52 = arith.constant 0 : i32
    %parallel_loop3A_53 = arith.constant 256 : i32
    %parallel_loop3A_54 = arith.constant 1 : i32
    scf.for %parallel_loop3A_133 = %parallel_loop3A_52 to %parallel_loop3A_53 step %parallel_loop3A_54  : i32 {
      %parallel_loop3A_134 = arith.constant 0.000000e+00 : f32
      %parallel_loop3A_135 = vector.broadcast %parallel_loop3A_134 : f32 to vector<16xf32>
      %parallel_loop3A_136 = arith.constant 16 : i32
      %parallel_loop3A_137 = arith.muli %parallel_loop3A_133, %parallel_loop3A_136 : i32
      %parallel_loop3A_138 = arith.index_cast %parallel_loop3A_137 : i32 to index
      %parallel_loop3A_139 = tpu.vector_load %arg6[%parallel_loop3A_138] {strides = array<i32>} : memref<4096xf32, #tpu.memory_space<vmem>>, vector<16xf32>,
      tpu.vector_store %arg6[%parallel_loop3A_138], %parallel_loop3A_135 {strides = array<i32>} : memref<4096xf32, #tpu.memory_space<vmem>>, vector<16xf32>,
    } {sc.loop_unroll_factor = 16 : i64, sc.parallel_access}
    %get3A = arith.constant 0 : index
    %get3A_55 = tpu.vector_load %arg8[%get3A] {strides = array<i32>} : memref<16xi32, #tpu.memory_space<vmem>>, vector<16xi32>,
    %slice3A = vector.extract_strided_slice %get3A_55 {offsets = [0], sizes = [1], strides = [1]} : vector<16xi32> to vector<1xi32>
    %squeeze3A = vector.extract %slice3A[0] : i32 from vector<1xi32>
    %parallel_loop3A_56 = arith.constant 0 : i32
    %parallel_loop3A_57 = arith.constant 4608 : i32
    %parallel_loop3A_58 = arith.constant 1 : i32
    scf.for %parallel_loop3A_133 = %parallel_loop3A_56 to %parallel_loop3A_57 step %parallel_loop3A_58  : i32 {
      %parallel_loop3A_134 = arith.constant 16 : i32
      %parallel_loop3A_135 = arith.muli %parallel_loop3A_133, %parallel_loop3A_134 : i32
      %parallel_loop3A_136 = arith.index_cast %parallel_loop3A_135 : i32 to index
      %parallel_loop3A_137 = tpu.vector_load %arg5[%parallel_loop3A_136] {strides = array<i32>} : memref<73728xf32, #tpu.memory_space<vmem>>, vector<16xf32>,
      %parallel_loop3A_138 = tpu.bitcast %parallel_loop3A_137 : vector<16xf32> -> vector<16xi32>
      %parallel_loop3A_139 = arith.constant 2147483647 : i32
      %parallel_loop3A_140 = vector.broadcast %parallel_loop3A_139 : i32 to vector<16xi32>
      %parallel_loop3A_141 = arith.andi %parallel_loop3A_138, %parallel_loop3A_140 : vector<16xi32>
      %parallel_loop3A_142 = arith.constant 23 : i32
      %parallel_loop3A_143 = vector.broadcast %parallel_loop3A_142 : i32 to vector<16xi32>
      %parallel_loop3A_144 = arith.shrui %parallel_loop3A_141, %parallel_loop3A_143 : vector<16xi32>
      %parallel_loop3A_145 = vector.broadcast %squeeze3A : i32 to vector<16xi32>
      %parallel_loop3A_146 = arith.cmpi eq, %parallel_loop3A_144, %parallel_loop3A_145 : vector<16xi32>
      %parallel_loop3A_147 = arith.constant 15 : i32
      %parallel_loop3A_148 = vector.broadcast %parallel_loop3A_147 : i32 to vector<16xi32>
      %parallel_loop3A_149 = arith.shrui %parallel_loop3A_141, %parallel_loop3A_148 : vector<16xi32>
      %parallel_loop3A_150 = arith.constant 255 : i32
      %parallel_loop3A_151 = vector.broadcast %parallel_loop3A_150 : i32 to vector<16xi32>
      %parallel_loop3A_152 = arith.andi %parallel_loop3A_149, %parallel_loop3A_151 : vector<16xi32>
      %parallel_loop3A_153 = arith.constant 16 : i32
      %parallel_loop3A_154 = vector.broadcast %parallel_loop3A_153 : i32 to vector<16xi32>
      %parallel_loop3A_155 = arith.muli %parallel_loop3A_152, %parallel_loop3A_154 : vector<16xi32>
      %parallel_loop3A_156 = arith.addi %parallel_loop3A_155, %iota3A : vector<16xi32>
      tpu.vector_store_idx %arg6[%parallel_loop3A_156], %broadcast_in_dim3A_33 masked %parallel_loop3A_146 {add = true} : memref<4096xf32, #tpu.memory_space<vmem>>[vector<16xi32>], vector<16xf32>, vector<16xi1>
    } {sc.loop_unroll_factor = 16 : i64, sc.parallel_access}
    %mul3A_59 = arith.constant 4096 : i32
    %mul3A_60 = arith.muli %arg1, %mul3A_59 : i32
    "tpu.region"() ({
      %run_scoped3A = tpu.sem_alloc : memref<!tpu.dma_semaphore, #tpu.memory_space<semaphore_mem>>
      %dma_start3A = tpu.memref_slice %arg12[%mul3A_60] : memref<65536xf32, #tpu.memory_space<vmem_shared>> -> memref<4096xf32, #tpu.memory_space<vmem_shared>>
      %dma_start3A_133 = tpu.memref_slice %arg12[%mul3A_60] : memref<65536xf32, #tpu.memory_space<vmem_shared>> -> memref<4096xf32, #tpu.memory_space<vmem_shared>>
      tpu.enqueue_dma source(%arg6 : memref<4096xf32, #tpu.memory_space<vmem>>) target(%dma_start3A_133 : memref<4096xf32, #tpu.memory_space<vmem_shared>>) target_semaphore(%run_scoped3A : memref<!tpu.dma_semaphore, #tpu.memory_space<semaphore_mem>>)
      %dma_wait3A = tpu.memref_slice %arg12[%mul3A_60] : memref<65536xf32, #tpu.memory_space<vmem_shared>> -> memref<4096xf32, #tpu.memory_space<vmem_shared>>
      %dma_wait3A_134 = tpu.memref_slice %arg12[%mul3A_60] : memref<65536xf32, #tpu.memory_space<vmem_shared>> -> memref<4096xf32, #tpu.memory_space<vmem_shared>>
      tpu.wait_dma2 semaphore(%run_scoped3A : memref<!tpu.dma_semaphore, #tpu.memory_space<semaphore_mem>>) src(%arg6 : memref<4096xf32, #tpu.memory_space<vmem>>) dst(%dma_wait3A_134 : memref<4096xf32, #tpu.memory_space<vmem_shared>>)
      tpu.yield
    }) : () -> ()
    %barrier3A_61 = arith.constant 0 : index
    tpu.barrier barrier_id(%barrier3A_61)
    %convert_element_type3A_62 = arith.extui %eq3A_32 : i1 to i32
    %cond3A_63 = arith.constant 0 : i32
    %cond3A_64 = arith.cmpi ne, %convert_element_type3A_62, %cond3A_63 : i32
    scf.if %cond3A_64 {
      %add3A_133 = arith.constant 1 : i32
      %add3A_134 = arith.addi %arg1, %add3A_133 : i32
      %mul3A_135 = arith.constant 4096 : i32
      %mul3A_136 = arith.muli %add3A_134, %mul3A_135 : i32
      "tpu.region"() ({
        %run_scoped3A = tpu.sem_alloc : memref<!tpu.dma_semaphore, #tpu.memory_space<semaphore_mem>>
        %dma_start3A = tpu.memref_slice %arg12[%mul3A_136] : memref<65536xf32, #tpu.memory_space<vmem_shared>> -> memref<4096xf32, #tpu.memory_space<vmem_shared>>
        %dma_start3A_164 = tpu.memref_slice %arg12[%mul3A_136] : memref<65536xf32, #tpu.memory_space<vmem_shared>> -> memref<4096xf32, #tpu.memory_space<vmem_shared>>
        tpu.enqueue_dma source(%dma_start3A_164 : memref<4096xf32, #tpu.memory_space<vmem_shared>>) target(%arg7 : memref<4096xf32, #tpu.memory_space<vmem>>) target_semaphore(%run_scoped3A : memref<!tpu.dma_semaphore, #tpu.memory_space<semaphore_mem>>)
        %dma_wait3A = tpu.memref_slice %arg12[%mul3A_136] : memref<65536xf32, #tpu.memory_space<vmem_shared>> -> memref<4096xf32, #tpu.memory_space<vmem_shared>>
        %dma_wait3A_165 = tpu.memref_slice %arg12[%mul3A_136] : memref<65536xf32, #tpu.memory_space<vmem_shared>> -> memref<4096xf32, #tpu.memory_space<vmem_shared>>
        tpu.wait_dma2 semaphore(%run_scoped3A : memref<!tpu.dma_semaphore, #tpu.memory_space<semaphore_mem>>) src(%dma_wait3A_165 : memref<4096xf32, #tpu.memory_space<vmem_shared>>) dst(%arg7 : memref<4096xf32, #tpu.memory_space<vmem>>)
        tpu.yield
      }) : () -> ()
      %get3A_137 = arith.constant 0 : index
      %get3A_138 = tpu.vector_load %arg9[%get3A_137] {strides = array<i32>} : memref<16xf32, #tpu.memory_space<vmem>>, vector<16xf32>,
      %slice3A_139 = vector.extract_strided_slice %get3A_138 {offsets = [0], sizes = [1], strides = [1]} : vector<16xf32> to vector<1xf32>
      %squeeze3A_140 = vector.extract %slice3A_139[0] : f32 from vector<1xf32>
      %parallel_loop3A_141 = arith.constant 0 : i32
      %parallel_loop3A_142 = arith.constant 256 : i32
      %parallel_loop3A_143 = arith.constant 1 : i32
      %parallel_loop3A_144 = arith.constant 0 : i32
      %parallel_loop3A_145 = arith.constant 0 : i32
      %parallel_loop3A_146 = arith.constant 0.000000e+00 : f32
      %parallel_loop3A_147 = arith.constant 0.000000e+00 : f32
      %parallel_loop3A_148:4 = scf.for %parallel_loop3A_164 = %parallel_loop3A_141 to %parallel_loop3A_142 step %parallel_loop3A_143 iter_args(%parallel_loop3A_165 = %parallel_loop3A_144, %parallel_loop3A_166 = %parallel_loop3A_145, %parallel_loop3A_167 = %parallel_loop3A_146, %parallel_loop3A_168 = %parallel_loop3A_147) -> (i32, i32, f32, f32)  : i32 {
        %parallel_loop3A_169 = arith.constant 255 : i32
        %parallel_loop3A_170 = arith.subi %parallel_loop3A_169, %parallel_loop3A_164 : i32
        %parallel_loop3A_171 = arith.constant 16 : i32
        %parallel_loop3A_172 = arith.muli %parallel_loop3A_170, %parallel_loop3A_171 : i32
        %parallel_loop3A_173 = arith.index_cast %parallel_loop3A_172 : i32 to index
        %parallel_loop3A_174 = tpu.vector_load %arg6[%parallel_loop3A_173] {strides = array<i32>} : memref<4096xf32, #tpu.memory_space<vmem>>, vector<16xf32>,
        %parallel_loop3A_175 = arith.constant true
        %parallel_loop3A_176 = vector.broadcast %parallel_loop3A_175 : i1 to vector<16xi1>
        %parallel_loop3A_177 = tpu.scan <sum>, %parallel_loop3A_174 masked %parallel_loop3A_176 : vector<16xf32>, vector<16xi1> -> vector<16xf32>
        %parallel_loop3A_178 = vector.extract %parallel_loop3A_177[15] : f32 from vector<16xf32>
        %parallel_loop3A_179 = arith.constant 16 : i32
        %parallel_loop3A_180 = arith.muli %parallel_loop3A_170, %parallel_loop3A_179 : i32
        %parallel_loop3A_181 = arith.index_cast %parallel_loop3A_180 : i32 to index
        %parallel_loop3A_182 = tpu.vector_load %arg7[%parallel_loop3A_181] {strides = array<i32>} : memref<4096xf32, #tpu.memory_space<vmem>>, vector<16xf32>,
        %parallel_loop3A_183 = arith.constant true
        %parallel_loop3A_184 = vector.broadcast %parallel_loop3A_183 : i1 to vector<16xi1>
        %parallel_loop3A_185 = tpu.scan <sum>, %parallel_loop3A_182 masked %parallel_loop3A_184 : vector<16xf32>, vector<16xi1> -> vector<16xf32>
        %parallel_loop3A_186 = vector.extract %parallel_loop3A_185[15] : f32 from vector<16xf32>
        %parallel_loop3A_187 = arith.addf %parallel_loop3A_178, %parallel_loop3A_186 : f32
        %parallel_loop3A_188 = arith.constant 0 : i32
        %parallel_loop3A_189 = arith.cmpi eq, %parallel_loop3A_165, %parallel_loop3A_188 : i32
        %parallel_loop3A_190 = arith.addf %parallel_loop3A_167, %parallel_loop3A_187 : f32
        %parallel_loop3A_191 = arith.cmpf ogt, %parallel_loop3A_190, %squeeze3A_140 : f32
        %parallel_loop3A_192 = arith.andi %parallel_loop3A_189, %parallel_loop3A_191 : i1
        %parallel_loop3A_193 = arith.select %parallel_loop3A_192, %parallel_loop3A_170, %parallel_loop3A_166 : i32
        %parallel_loop3A_194 = arith.subf %squeeze3A_140, %parallel_loop3A_167 : f32
        %parallel_loop3A_195 = arith.select %parallel_loop3A_192, %parallel_loop3A_194, %parallel_loop3A_168 : f32
        %parallel_loop3A_196 = arith.constant 1 : i32
        %parallel_loop3A_197 = arith.select %parallel_loop3A_192, %parallel_loop3A_196, %parallel_loop3A_165 : i32
        %parallel_loop3A_198 = arith.constant 0 : i32
        %parallel_loop3A_199 = arith.cmpi sgt, %parallel_loop3A_197, %parallel_loop3A_198 : i32
        %parallel_loop3A_200 = arith.addf %parallel_loop3A_167, %parallel_loop3A_187 : f32
        %parallel_loop3A_201 = arith.select %parallel_loop3A_199, %parallel_loop3A_167, %parallel_loop3A_200 : f32
        scf.yield %parallel_loop3A_197, %parallel_loop3A_193, %parallel_loop3A_201, %parallel_loop3A_195 : i32, i32, f32, f32
      } {sc.loop_unroll_factor = 4 : i64, sc.parallel_access}
      %broadcast_in_dim3A_149 = vector.broadcast %parallel_loop3A_148#3 : f32 to vector<16xf32>
      %swap3A_150 = arith.constant 0 : index
      %swap3A_151 = tpu.vector_load %arg9[%swap3A_150] {strides = array<i32>} : memref<16xf32, #tpu.memory_space<vmem>>, vector<16xf32>,
      tpu.vector_store %arg9[%swap3A_150], %broadcast_in_dim3A_149 {strides = array<i32>} : memref<16xf32, #tpu.memory_space<vmem>>, vector<16xf32>,
      %get3A_152 = arith.constant 0 : index
      %get3A_153 = tpu.vector_load %arg8[%get3A_152] {strides = array<i32>} : memref<16xi32, #tpu.memory_space<vmem>>, vector<16xi32>,
      %slice3A_154 = vector.extract_strided_slice %get3A_153 {offsets = [0], sizes = [1], strides = [1]} : vector<16xi32> to vector<1xi32>
      %squeeze3A_155 = vector.extract %slice3A_154[0] : i32 from vector<1xi32>
      %mul3A_156 = arith.constant 256 : i32
      %mul3A_157 = arith.muli %squeeze3A_155, %mul3A_156 : i32
      %add3A_158 = arith.addi %mul3A_157, %parallel_loop3A_148#1 : i32
      %broadcast_in_dim3A_159 = vector.broadcast %add3A_158 : i32 to vector<16xi32>
      %swap3A_160 = arith.constant 0 : index
      %swap3A_161 = tpu.vector_load %arg8[%swap3A_160] {strides = array<i32>} : memref<16xi32, #tpu.memory_space<vmem>>, vector<16xi32>,
      tpu.vector_store %arg8[%swap3A_160], %broadcast_in_dim3A_159 {strides = array<i32>} : memref<16xi32, #tpu.memory_space<vmem>>, vector<16xi32>,
      %mul3A_162 = arith.constant 16 : i32
      %mul3A_163 = arith.muli %arg1, %mul3A_162 : i32
      "tpu.region"() ({
        %run_scoped3A = tpu.sem_alloc : memref<!tpu.dma_semaphore, #tpu.memory_space<semaphore_mem>>
        %dma_start3A = tpu.memref_slice %arg13[%mul3A_163] : memref<256xi32, #tpu.memory_space<vmem_shared>> -> memref<16xi32, #tpu.memory_space<vmem_shared>>
        %dma_start3A_164 = tpu.memref_slice %arg13[%mul3A_163] : memref<256xi32, #tpu.memory_space<vmem_shared>> -> memref<16xi32, #tpu.memory_space<vmem_shared>>
        tpu.enqueue_dma source(%arg8 : memref<16xi32, #tpu.memory_space<vmem>>) target(%dma_start3A_164 : memref<16xi32, #tpu.memory_space<vmem_shared>>) target_semaphore(%run_scoped3A : memref<!tpu.dma_semaphore, #tpu.memory_space<semaphore_mem>>)
        %dma_wait3A = tpu.memref_slice %arg13[%mul3A_163] : memref<256xi32, #tpu.memory_space<vmem_shared>> -> memref<16xi32, #tpu.memory_space<vmem_shared>>
        %dma_wait3A_165 = tpu.memref_slice %arg13[%mul3A_163] : memref<256xi32, #tpu.memory_space<vmem_shared>> -> memref<16xi32, #tpu.memory_space<vmem_shared>>
        tpu.wait_dma2 semaphore(%run_scoped3A : memref<!tpu.dma_semaphore, #tpu.memory_space<semaphore_mem>>) src(%arg8 : memref<16xi32, #tpu.memory_space<vmem>>) dst(%dma_wait3A_165 : memref<16xi32, #tpu.memory_space<vmem_shared>>)
        tpu.yield
      }) : () -> ()
    } else {
    }
    %barrier3A_65 = arith.constant 0 : index
    tpu.barrier barrier_id(%barrier3A_65)
    %not3A_66 = arith.constant true
    %not3A_67 = arith.xori %eq3A_32, %not3A_66 : i1
    %convert_element_type3A_68 = arith.extui %not3A_67 : i1 to i32
    %cond3A_69 = arith.constant 0 : i32
    %cond3A_70 = arith.cmpi ne, %convert_element_type3A_68, %cond3A_69 : i32
    scf.if %cond3A_70 {
      %sub3A_133 = arith.constant 1 : i32
      %sub3A_134 = arith.subi %arg1, %sub3A_133 : i32
      %mul3A_135 = arith.constant 16 : i32
      %mul3A_136 = arith.muli %sub3A_134, %mul3A_135 : i32
      "tpu.region"() ({
        %run_scoped3A = tpu.sem_alloc : memref<!tpu.dma_semaphore, #tpu.memory_space<semaphore_mem>>
        %dma_start3A = tpu.memref_slice %arg13[%mul3A_136] : memref<256xi32, #tpu.memory_space<vmem_shared>> -> memref<16xi32, #tpu.memory_space<vmem_shared>>
        %dma_start3A_137 = tpu.memref_slice %arg13[%mul3A_136] : memref<256xi32, #tpu.memory_space<vmem_shared>> -> memref<16xi32, #tpu.memory_space<vmem_shared>>
        tpu.enqueue_dma source(%dma_start3A_137 : memref<16xi32, #tpu.memory_space<vmem_shared>>) target(%arg8 : memref<16xi32, #tpu.memory_space<vmem>>) target_semaphore(%run_scoped3A : memref<!tpu.dma_semaphore, #tpu.memory_space<semaphore_mem>>)
        %dma_wait3A = tpu.memref_slice %arg13[%mul3A_136] : memref<256xi32, #tpu.memory_space<vmem_shared>> -> memref<16xi32, #tpu.memory_space<vmem_shared>>
        %dma_wait3A_138 = tpu.memref_slice %arg13[%mul3A_136] : memref<256xi32, #tpu.memory_space<vmem_shared>> -> memref<16xi32, #tpu.memory_space<vmem_shared>>
        tpu.wait_dma2 semaphore(%run_scoped3A : memref<!tpu.dma_semaphore, #tpu.memory_space<semaphore_mem>>) src(%dma_wait3A_138 : memref<16xi32, #tpu.memory_space<vmem_shared>>) dst(%arg8 : memref<16xi32, #tpu.memory_space<vmem>>)
        tpu.yield
      }) : () -> ()
    } else {
    }
    %parallel_loop3A_71 = arith.constant 0 : i32
    %parallel_loop3A_72 = arith.constant 256 : i32
    %parallel_loop3A_73 = arith.constant 1 : i32
    scf.for %parallel_loop3A_133 = %parallel_loop3A_71 to %parallel_loop3A_72 step %parallel_loop3A_73  : i32 {
      %parallel_loop3A_134 = arith.constant 0.000000e+00 : f32
      %parallel_loop3A_135 = vector.broadcast %parallel_loop3A_134 : f32 to vector<16xf32>
      %parallel_loop3A_136 = arith.constant 16 : i32
      %parallel_loop3A_137 = arith.muli %parallel_loop3A_133, %parallel_loop3A_136 : i32
      %parallel_loop3A_138 = arith.index_cast %parallel_loop3A_137 : i32 to index
      %parallel_loop3A_139 = tpu.vector_load %arg6[%parallel_loop3A_138] {strides = array<i32>} : memref<4096xf32, #tpu.memory_space<vmem>>, vector<16xf32>,
      tpu.vector_store %arg6[%parallel_loop3A_138], %parallel_loop3A_135 {strides = array<i32>} : memref<4096xf32, #tpu.memory_space<vmem>>, vector<16xf32>,
    } {sc.loop_unroll_factor = 16 : i64, sc.parallel_access}
    %get3A_74 = arith.constant 0 : index
    %get3A_75 = tpu.vector_load %arg8[%get3A_74] {strides = array<i32>} : memref<16xi32, #tpu.memory_space<vmem>>, vector<16xi32>,
    %slice3A_76 = vector.extract_strided_slice %get3A_75 {offsets = [0], sizes = [1], strides = [1]} : vector<16xi32> to vector<1xi32>
    %squeeze3A_77 = vector.extract %slice3A_76[0] : i32 from vector<1xi32>
    %parallel_loop3A_78 = arith.constant 0 : i32
    %parallel_loop3A_79 = arith.constant 4608 : i32
    %parallel_loop3A_80 = arith.constant 1 : i32
    scf.for %parallel_loop3A_133 = %parallel_loop3A_78 to %parallel_loop3A_79 step %parallel_loop3A_80  : i32 {
      %parallel_loop3A_134 = arith.constant 16 : i32
      %parallel_loop3A_135 = arith.muli %parallel_loop3A_133, %parallel_loop3A_134 : i32
      %parallel_loop3A_136 = arith.index_cast %parallel_loop3A_135 : i32 to index
      %parallel_loop3A_137 = tpu.vector_load %arg5[%parallel_loop3A_136] {strides = array<i32>} : memref<73728xf32, #tpu.memory_space<vmem>>, vector<16xf32>,
      %parallel_loop3A_138 = tpu.bitcast %parallel_loop3A_137 : vector<16xf32> -> vector<16xi32>
      %parallel_loop3A_139 = arith.constant 2147483647 : i32
      %parallel_loop3A_140 = vector.broadcast %parallel_loop3A_139 : i32 to vector<16xi32>
      %parallel_loop3A_141 = arith.andi %parallel_loop3A_138, %parallel_loop3A_140 : vector<16xi32>
      %parallel_loop3A_142 = arith.constant 15 : i32
      %parallel_loop3A_143 = vector.broadcast %parallel_loop3A_142 : i32 to vector<16xi32>
      %parallel_loop3A_144 = arith.shrui %parallel_loop3A_141, %parallel_loop3A_143 : vector<16xi32>
      %parallel_loop3A_145 = vector.broadcast %squeeze3A_77 : i32 to vector<16xi32>
      %parallel_loop3A_146 = arith.cmpi eq, %parallel_loop3A_144, %parallel_loop3A_145 : vector<16xi32>
      %parallel_loop3A_147 = arith.constant 7 : i32
      %parallel_loop3A_148 = vector.broadcast %parallel_loop3A_147 : i32 to vector<16xi32>
      %parallel_loop3A_149 = arith.shrui %parallel_loop3A_141, %parallel_loop3A_148 : vector<16xi32>
      %parallel_loop3A_150 = arith.constant 255 : i32
      %parallel_loop3A_151 = vector.broadcast %parallel_loop3A_150 : i32 to vector<16xi32>
      %parallel_loop3A_152 = arith.andi %parallel_loop3A_149, %parallel_loop3A_151 : vector<16xi32>
      %parallel_loop3A_153 = arith.constant 16 : i32
      %parallel_loop3A_154 = vector.broadcast %parallel_loop3A_153 : i32 to vector<16xi32>
      %parallel_loop3A_155 = arith.muli %parallel_loop3A_152, %parallel_loop3A_154 : vector<16xi32>
      %parallel_loop3A_156 = arith.addi %parallel_loop3A_155, %iota3A : vector<16xi32>
      tpu.vector_store_idx %arg6[%parallel_loop3A_156], %broadcast_in_dim3A_33 masked %parallel_loop3A_146 {add = true} : memref<4096xf32, #tpu.memory_space<vmem>>[vector<16xi32>], vector<16xf32>, vector<16xi1>
    } {sc.loop_unroll_factor = 16 : i64, sc.parallel_access}
    %mul3A_81 = arith.constant 4096 : i32
    %mul3A_82 = arith.muli %arg1, %mul3A_81 : i32
    "tpu.region"() ({
      %run_scoped3A = tpu.sem_alloc : memref<!tpu.dma_semaphore, #tpu.memory_space<semaphore_mem>>
      %dma_start3A = tpu.memref_slice %arg12[%mul3A_82] : memref<65536xf32, #tpu.memory_space<vmem_shared>> -> memref<4096xf32, #tpu.memory_space<vmem_shared>>
      %dma_start3A_133 = tpu.memref_slice %arg12[%mul3A_82] : memref<65536xf32, #tpu.memory_space<vmem_shared>> -> memref<4096xf32, #tpu.memory_space<vmem_shared>>
      tpu.enqueue_dma source(%arg6 : memref<4096xf32, #tpu.memory_space<vmem>>) target(%dma_start3A_133 : memref<4096xf32, #tpu.memory_space<vmem_shared>>) target_semaphore(%run_scoped3A : memref<!tpu.dma_semaphore, #tpu.memory_space<semaphore_mem>>)
      %dma_wait3A = tpu.memref_slice %arg12[%mul3A_82] : memref<65536xf32, #tpu.memory_space<vmem_shared>> -> memref<4096xf32, #tpu.memory_space<vmem_shared>>
      %dma_wait3A_134 = tpu.memref_slice %arg12[%mul3A_82] : memref<65536xf32, #tpu.memory_space<vmem_shared>> -> memref<4096xf32, #tpu.memory_space<vmem_shared>>
      tpu.wait_dma2 semaphore(%run_scoped3A : memref<!tpu.dma_semaphore, #tpu.memory_space<semaphore_mem>>) src(%arg6 : memref<4096xf32, #tpu.memory_space<vmem>>) dst(%dma_wait3A_134 : memref<4096xf32, #tpu.memory_space<vmem_shared>>)
      tpu.yield
    }) : () -> ()
    %barrier3A_83 = arith.constant 0 : index
    tpu.barrier barrier_id(%barrier3A_83)
    %convert_element_type3A_84 = arith.extui %eq3A_32 : i1 to i32
    %cond3A_85 = arith.constant 0 : i32
    %cond3A_86 = arith.cmpi ne, %convert_element_type3A_84, %cond3A_85 : i32
    scf.if %cond3A_86 {
      %add3A_133 = arith.constant 1 : i32
      %add3A_134 = arith.addi %arg1, %add3A_133 : i32
      %mul3A_135 = arith.constant 4096 : i32
      %mul3A_136 = arith.muli %add3A_134, %mul3A_135 : i32
      "tpu.region"() ({
        %run_scoped3A = tpu.sem_alloc : memref<!tpu.dma_semaphore, #tpu.memory_space<semaphore_mem>>
        %dma_start3A = tpu.memref_slice %arg12[%mul3A_136] : memref<65536xf32, #tpu.memory_space<vmem_shared>> -> memref<4096xf32, #tpu.memory_space<vmem_shared>>
        %dma_start3A_164 = tpu.memref_slice %arg12[%mul3A_136] : memref<65536xf32, #tpu.memory_space<vmem_shared>> -> memref<4096xf32, #tpu.memory_space<vmem_shared>>
        tpu.enqueue_dma source(%dma_start3A_164 : memref<4096xf32, #tpu.memory_space<vmem_shared>>) target(%arg7 : memref<4096xf32, #tpu.memory_space<vmem>>) target_semaphore(%run_scoped3A : memref<!tpu.dma_semaphore, #tpu.memory_space<semaphore_mem>>)
        %dma_wait3A = tpu.memref_slice %arg12[%mul3A_136] : memref<65536xf32, #tpu.memory_space<vmem_shared>> -> memref<4096xf32, #tpu.memory_space<vmem_shared>>
        %dma_wait3A_165 = tpu.memref_slice %arg12[%mul3A_136] : memref<65536xf32, #tpu.memory_space<vmem_shared>> -> memref<4096xf32, #tpu.memory_space<vmem_shared>>
        tpu.wait_dma2 semaphore(%run_scoped3A : memref<!tpu.dma_semaphore, #tpu.memory_space<semaphore_mem>>) src(%dma_wait3A_165 : memref<4096xf32, #tpu.memory_space<vmem_shared>>) dst(%arg7 : memref<4096xf32, #tpu.memory_space<vmem>>)
        tpu.yield
      }) : () -> ()
      %get3A_137 = arith.constant 0 : index
      %get3A_138 = tpu.vector_load %arg9[%get3A_137] {strides = array<i32>} : memref<16xf32, #tpu.memory_space<vmem>>, vector<16xf32>,
      %slice3A_139 = vector.extract_strided_slice %get3A_138 {offsets = [0], sizes = [1], strides = [1]} : vector<16xf32> to vector<1xf32>
      %squeeze3A_140 = vector.extract %slice3A_139[0] : f32 from vector<1xf32>
      %parallel_loop3A_141 = arith.constant 0 : i32
      %parallel_loop3A_142 = arith.constant 256 : i32
      %parallel_loop3A_143 = arith.constant 1 : i32
      %parallel_loop3A_144 = arith.constant 0 : i32
      %parallel_loop3A_145 = arith.constant 0 : i32
      %parallel_loop3A_146 = arith.constant 0.000000e+00 : f32
      %parallel_loop3A_147 = arith.constant 0.000000e+00 : f32
      %parallel_loop3A_148:4 = scf.for %parallel_loop3A_164 = %parallel_loop3A_141 to %parallel_loop3A_142 step %parallel_loop3A_143 iter_args(%parallel_loop3A_165 = %parallel_loop3A_144, %parallel_loop3A_166 = %parallel_loop3A_145, %parallel_loop3A_167 = %parallel_loop3A_146, %parallel_loop3A_168 = %parallel_loop3A_147) -> (i32, i32, f32, f32)  : i32 {
        %parallel_loop3A_169 = arith.constant 255 : i32
        %parallel_loop3A_170 = arith.subi %parallel_loop3A_169, %parallel_loop3A_164 : i32
        %parallel_loop3A_171 = arith.constant 16 : i32
        %parallel_loop3A_172 = arith.muli %parallel_loop3A_170, %parallel_loop3A_171 : i32
        %parallel_loop3A_173 = arith.index_cast %parallel_loop3A_172 : i32 to index
        %parallel_loop3A_174 = tpu.vector_load %arg6[%parallel_loop3A_173] {strides = array<i32>} : memref<4096xf32, #tpu.memory_space<vmem>>, vector<16xf32>,
        %parallel_loop3A_175 = arith.constant true
        %parallel_loop3A_176 = vector.broadcast %parallel_loop3A_175 : i1 to vector<16xi1>
        %parallel_loop3A_177 = tpu.scan <sum>, %parallel_loop3A_174 masked %parallel_loop3A_176 : vector<16xf32>, vector<16xi1> -> vector<16xf32>
        %parallel_loop3A_178 = vector.extract %parallel_loop3A_177[15] : f32 from vector<16xf32>
        %parallel_loop3A_179 = arith.constant 16 : i32
        %parallel_loop3A_180 = arith.muli %parallel_loop3A_170, %parallel_loop3A_179 : i32
        %parallel_loop3A_181 = arith.index_cast %parallel_loop3A_180 : i32 to index
        %parallel_loop3A_182 = tpu.vector_load %arg7[%parallel_loop3A_181] {strides = array<i32>} : memref<4096xf32, #tpu.memory_space<vmem>>, vector<16xf32>,
        %parallel_loop3A_183 = arith.constant true
        %parallel_loop3A_184 = vector.broadcast %parallel_loop3A_183 : i1 to vector<16xi1>
        %parallel_loop3A_185 = tpu.scan <sum>, %parallel_loop3A_182 masked %parallel_loop3A_184 : vector<16xf32>, vector<16xi1> -> vector<16xf32>
        %parallel_loop3A_186 = vector.extract %parallel_loop3A_185[15] : f32 from vector<16xf32>
        %parallel_loop3A_187 = arith.addf %parallel_loop3A_178, %parallel_loop3A_186 : f32
        %parallel_loop3A_188 = arith.constant 0 : i32
        %parallel_loop3A_189 = arith.cmpi eq, %parallel_loop3A_165, %parallel_loop3A_188 : i32
        %parallel_loop3A_190 = arith.addf %parallel_loop3A_167, %parallel_loop3A_187 : f32
        %parallel_loop3A_191 = arith.cmpf ogt, %parallel_loop3A_190, %squeeze3A_140 : f32
        %parallel_loop3A_192 = arith.andi %parallel_loop3A_189, %parallel_loop3A_191 : i1
        %parallel_loop3A_193 = arith.select %parallel_loop3A_192, %parallel_loop3A_170, %parallel_loop3A_166 : i32
        %parallel_loop3A_194 = arith.subf %squeeze3A_140, %parallel_loop3A_167 : f32
        %parallel_loop3A_195 = arith.select %parallel_loop3A_192, %parallel_loop3A_194, %parallel_loop3A_168 : f32
        %parallel_loop3A_196 = arith.constant 1 : i32
        %parallel_loop3A_197 = arith.select %parallel_loop3A_192, %parallel_loop3A_196, %parallel_loop3A_165 : i32
        %parallel_loop3A_198 = arith.constant 0 : i32
        %parallel_loop3A_199 = arith.cmpi sgt, %parallel_loop3A_197, %parallel_loop3A_198 : i32
        %parallel_loop3A_200 = arith.addf %parallel_loop3A_167, %parallel_loop3A_187 : f32
        %parallel_loop3A_201 = arith.select %parallel_loop3A_199, %parallel_loop3A_167, %parallel_loop3A_200 : f32
        scf.yield %parallel_loop3A_197, %parallel_loop3A_193, %parallel_loop3A_201, %parallel_loop3A_195 : i32, i32, f32, f32
      } {sc.loop_unroll_factor = 4 : i64, sc.parallel_access}
      %broadcast_in_dim3A_149 = vector.broadcast %parallel_loop3A_148#3 : f32 to vector<16xf32>
      %swap3A_150 = arith.constant 0 : index
      %swap3A_151 = tpu.vector_load %arg9[%swap3A_150] {strides = array<i32>} : memref<16xf32, #tpu.memory_space<vmem>>, vector<16xf32>,
      tpu.vector_store %arg9[%swap3A_150], %broadcast_in_dim3A_149 {strides = array<i32>} : memref<16xf32, #tpu.memory_space<vmem>>, vector<16xf32>,
      %get3A_152 = arith.constant 0 : index
      %get3A_153 = tpu.vector_load %arg8[%get3A_152] {strides = array<i32>} : memref<16xi32, #tpu.memory_space<vmem>>, vector<16xi32>,
      %slice3A_154 = vector.extract_strided_slice %get3A_153 {offsets = [0], sizes = [1], strides = [1]} : vector<16xi32> to vector<1xi32>
      %squeeze3A_155 = vector.extract %slice3A_154[0] : i32 from vector<1xi32>
      %mul3A_156 = arith.constant 256 : i32
      %mul3A_157 = arith.muli %squeeze3A_155, %mul3A_156 : i32
      %add3A_158 = arith.addi %mul3A_157, %parallel_loop3A_148#1 : i32
      %broadcast_in_dim3A_159 = vector.broadcast %add3A_158 : i32 to vector<16xi32>
      %swap3A_160 = arith.constant 0 : index
      %swap3A_161 = tpu.vector_load %arg8[%swap3A_160] {strides = array<i32>} : memref<16xi32, #tpu.memory_space<vmem>>, vector<16xi32>,
      tpu.vector_store %arg8[%swap3A_160], %broadcast_in_dim3A_159 {strides = array<i32>} : memref<16xi32, #tpu.memory_space<vmem>>, vector<16xi32>,
      %mul3A_162 = arith.constant 16 : i32
      %mul3A_163 = arith.muli %arg1, %mul3A_162 : i32
      "tpu.region"() ({
        %run_scoped3A = tpu.sem_alloc : memref<!tpu.dma_semaphore, #tpu.memory_space<semaphore_mem>>
        %dma_start3A = tpu.memref_slice %arg13[%mul3A_163] : memref<256xi32, #tpu.memory_space<vmem_shared>> -> memref<16xi32, #tpu.memory_space<vmem_shared>>
        %dma_start3A_164 = tpu.memref_slice %arg13[%mul3A_163] : memref<256xi32, #tpu.memory_space<vmem_shared>> -> memref<16xi32, #tpu.memory_space<vmem_shared>>
        tpu.enqueue_dma source(%arg8 : memref<16xi32, #tpu.memory_space<vmem>>) target(%dma_start3A_164 : memref<16xi32, #tpu.memory_space<vmem_shared>>) target_semaphore(%run_scoped3A : memref<!tpu.dma_semaphore, #tpu.memory_space<semaphore_mem>>)
        %dma_wait3A = tpu.memref_slice %arg13[%mul3A_163] : memref<256xi32, #tpu.memory_space<vmem_shared>> -> memref<16xi32, #tpu.memory_space<vmem_shared>>
        %dma_wait3A_165 = tpu.memref_slice %arg13[%mul3A_163] : memref<256xi32, #tpu.memory_space<vmem_shared>> -> memref<16xi32, #tpu.memory_space<vmem_shared>>
        tpu.wait_dma2 semaphore(%run_scoped3A : memref<!tpu.dma_semaphore, #tpu.memory_space<semaphore_mem>>) src(%arg8 : memref<16xi32, #tpu.memory_space<vmem>>) dst(%dma_wait3A_165 : memref<16xi32, #tpu.memory_space<vmem_shared>>)
        tpu.yield
      }) : () -> ()
    } else {
    }
    %barrier3A_87 = arith.constant 0 : index
    tpu.barrier barrier_id(%barrier3A_87)
    %not3A_88 = arith.constant true
    %not3A_89 = arith.xori %eq3A_32, %not3A_88 : i1
    %convert_element_type3A_90 = arith.extui %not3A_89 : i1 to i32
    %cond3A_91 = arith.constant 0 : i32
    %cond3A_92 = arith.cmpi ne, %convert_element_type3A_90, %cond3A_91 : i32
    scf.if %cond3A_92 {
      %sub3A_133 = arith.constant 1 : i32
      %sub3A_134 = arith.subi %arg1, %sub3A_133 : i32
      %mul3A_135 = arith.constant 16 : i32
      %mul3A_136 = arith.muli %sub3A_134, %mul3A_135 : i32
      "tpu.region"() ({
        %run_scoped3A = tpu.sem_alloc : memref<!tpu.dma_semaphore, #tpu.memory_space<semaphore_mem>>
        %dma_start3A = tpu.memref_slice %arg13[%mul3A_136] : memref<256xi32, #tpu.memory_space<vmem_shared>> -> memref<16xi32, #tpu.memory_space<vmem_shared>>
        %dma_start3A_137 = tpu.memref_slice %arg13[%mul3A_136] : memref<256xi32, #tpu.memory_space<vmem_shared>> -> memref<16xi32, #tpu.memory_space<vmem_shared>>
        tpu.enqueue_dma source(%dma_start3A_137 : memref<16xi32, #tpu.memory_space<vmem_shared>>) target(%arg8 : memref<16xi32, #tpu.memory_space<vmem>>) target_semaphore(%run_scoped3A : memref<!tpu.dma_semaphore, #tpu.memory_space<semaphore_mem>>)
        %dma_wait3A = tpu.memref_slice %arg13[%mul3A_136] : memref<256xi32, #tpu.memory_space<vmem_shared>> -> memref<16xi32, #tpu.memory_space<vmem_shared>>
        %dma_wait3A_138 = tpu.memref_slice %arg13[%mul3A_136] : memref<256xi32, #tpu.memory_space<vmem_shared>> -> memref<16xi32, #tpu.memory_space<vmem_shared>>
        tpu.wait_dma2 semaphore(%run_scoped3A : memref<!tpu.dma_semaphore, #tpu.memory_space<semaphore_mem>>) src(%dma_wait3A_138 : memref<16xi32, #tpu.memory_space<vmem_shared>>) dst(%arg8 : memref<16xi32, #tpu.memory_space<vmem>>)
        tpu.yield
      }) : () -> ()
    } else {
    }
    %parallel_loop3A_93 = arith.constant 0 : i32
    %parallel_loop3A_94 = arith.constant 256 : i32
    %parallel_loop3A_95 = arith.constant 1 : i32
    scf.for %parallel_loop3A_133 = %parallel_loop3A_93 to %parallel_loop3A_94 step %parallel_loop3A_95  : i32 {
      %parallel_loop3A_134 = arith.constant 0.000000e+00 : f32
      %parallel_loop3A_135 = vector.broadcast %parallel_loop3A_134 : f32 to vector<16xf32>
      %parallel_loop3A_136 = arith.constant 16 : i32
      %parallel_loop3A_137 = arith.muli %parallel_loop3A_133, %parallel_loop3A_136 : i32
      %parallel_loop3A_138 = arith.index_cast %parallel_loop3A_137 : i32 to index
      %parallel_loop3A_139 = tpu.vector_load %arg6[%parallel_loop3A_138] {strides = array<i32>} : memref<4096xf32, #tpu.memory_space<vmem>>, vector<16xf32>,
      tpu.vector_store %arg6[%parallel_loop3A_138], %parallel_loop3A_135 {strides = array<i32>} : memref<4096xf32, #tpu.memory_space<vmem>>, vector<16xf32>,
    } {sc.loop_unroll_factor = 16 : i64, sc.parallel_access}
    %get3A_96 = arith.constant 0 : index
    %get3A_97 = tpu.vector_load %arg8[%get3A_96] {strides = array<i32>} : memref<16xi32, #tpu.memory_space<vmem>>, vector<16xi32>,
    %slice3A_98 = vector.extract_strided_slice %get3A_97 {offsets = [0], sizes = [1], strides = [1]} : vector<16xi32> to vector<1xi32>
    %squeeze3A_99 = vector.extract %slice3A_98[0] : i32 from vector<1xi32>
    %parallel_loop3A_100 = arith.constant 0 : i32
    %parallel_loop3A_101 = arith.constant 4608 : i32
    %parallel_loop3A_102 = arith.constant 1 : i32
    scf.for %parallel_loop3A_133 = %parallel_loop3A_100 to %parallel_loop3A_101 step %parallel_loop3A_102  : i32 {
      %parallel_loop3A_134 = arith.constant 16 : i32
      %parallel_loop3A_135 = arith.muli %parallel_loop3A_133, %parallel_loop3A_134 : i32
      %parallel_loop3A_136 = arith.index_cast %parallel_loop3A_135 : i32 to index
      %parallel_loop3A_137 = tpu.vector_load %arg5[%parallel_loop3A_136] {strides = array<i32>} : memref<73728xf32, #tpu.memory_space<vmem>>, vector<16xf32>,
      %parallel_loop3A_138 = tpu.bitcast %parallel_loop3A_137 : vector<16xf32> -> vector<16xi32>
      %parallel_loop3A_139 = arith.constant 2147483647 : i32
      %parallel_loop3A_140 = vector.broadcast %parallel_loop3A_139 : i32 to vector<16xi32>
      %parallel_loop3A_141 = arith.andi %parallel_loop3A_138, %parallel_loop3A_140 : vector<16xi32>
      %parallel_loop3A_142 = arith.constant 7 : i32
      %parallel_loop3A_143 = vector.broadcast %parallel_loop3A_142 : i32 to vector<16xi32>
      %parallel_loop3A_144 = arith.shrui %parallel_loop3A_141, %parallel_loop3A_143 : vector<16xi32>
      %parallel_loop3A_145 = vector.broadcast %squeeze3A_99 : i32 to vector<16xi32>
      %parallel_loop3A_146 = arith.cmpi eq, %parallel_loop3A_144, %parallel_loop3A_145 : vector<16xi32>
      %parallel_loop3A_147 = arith.constant 0 : i32
      %parallel_loop3A_148 = vector.broadcast %parallel_loop3A_147 : i32 to vector<16xi32>
      %parallel_loop3A_149 = arith.shrui %parallel_loop3A_141, %parallel_loop3A_148 : vector<16xi32>
      %parallel_loop3A_150 = arith.constant 127 : i32
      %parallel_loop3A_151 = vector.broadcast %parallel_loop3A_150 : i32 to vector<16xi32>
      %parallel_loop3A_152 = arith.andi %parallel_loop3A_149, %parallel_loop3A_151 : vector<16xi32>
      %parallel_loop3A_153 = arith.constant 16 : i32
      %parallel_loop3A_154 = vector.broadcast %parallel_loop3A_153 : i32 to vector<16xi32>
      %parallel_loop3A_155 = arith.muli %parallel_loop3A_152, %parallel_loop3A_154 : vector<16xi32>
      %parallel_loop3A_156 = arith.addi %parallel_loop3A_155, %iota3A : vector<16xi32>
      tpu.vector_store_idx %arg6[%parallel_loop3A_156], %broadcast_in_dim3A_33 masked %parallel_loop3A_146 {add = true} : memref<4096xf32, #tpu.memory_space<vmem>>[vector<16xi32>], vector<16xf32>, vector<16xi1>
    } {sc.loop_unroll_factor = 16 : i64, sc.parallel_access}
    %mul3A_103 = arith.constant 4096 : i32
    %mul3A_104 = arith.muli %arg1, %mul3A_103 : i32
    "tpu.region"() ({
      %run_scoped3A = tpu.sem_alloc : memref<!tpu.dma_semaphore, #tpu.memory_space<semaphore_mem>>
      %dma_start3A = tpu.memref_slice %arg12[%mul3A_104] : memref<65536xf32, #tpu.memory_space<vmem_shared>> -> memref<4096xf32, #tpu.memory_space<vmem_shared>>
      %dma_start3A_133 = tpu.memref_slice %arg12[%mul3A_104] : memref<65536xf32, #tpu.memory_space<vmem_shared>> -> memref<4096xf32, #tpu.memory_space<vmem_shared>>
      tpu.enqueue_dma source(%arg6 : memref<4096xf32, #tpu.memory_space<vmem>>) target(%dma_start3A_133 : memref<4096xf32, #tpu.memory_space<vmem_shared>>) target_semaphore(%run_scoped3A : memref<!tpu.dma_semaphore, #tpu.memory_space<semaphore_mem>>)
      %dma_wait3A = tpu.memref_slice %arg12[%mul3A_104] : memref<65536xf32, #tpu.memory_space<vmem_shared>> -> memref<4096xf32, #tpu.memory_space<vmem_shared>>
      %dma_wait3A_134 = tpu.memref_slice %arg12[%mul3A_104] : memref<65536xf32, #tpu.memory_space<vmem_shared>> -> memref<4096xf32, #tpu.memory_space<vmem_shared>>
      tpu.wait_dma2 semaphore(%run_scoped3A : memref<!tpu.dma_semaphore, #tpu.memory_space<semaphore_mem>>) src(%arg6 : memref<4096xf32, #tpu.memory_space<vmem>>) dst(%dma_wait3A_134 : memref<4096xf32, #tpu.memory_space<vmem_shared>>)
      tpu.yield
    }) : () -> ()
    %barrier3A_105 = arith.constant 0 : index
    tpu.barrier barrier_id(%barrier3A_105)
    %convert_element_type3A_106 = arith.extui %eq3A_32 : i1 to i32
    %cond3A_107 = arith.constant 0 : i32
    %cond3A_108 = arith.cmpi ne, %convert_element_type3A_106, %cond3A_107 : i32
    scf.if %cond3A_108 {
      %add3A_133 = arith.constant 1 : i32
      %add3A_134 = arith.addi %arg1, %add3A_133 : i32
      %mul3A_135 = arith.constant 4096 : i32
      %mul3A_136 = arith.muli %add3A_134, %mul3A_135 : i32
      "tpu.region"() ({
        %run_scoped3A = tpu.sem_alloc : memref<!tpu.dma_semaphore, #tpu.memory_space<semaphore_mem>>
        %dma_start3A = tpu.memref_slice %arg12[%mul3A_136] : memref<65536xf32, #tpu.memory_space<vmem_shared>> -> memref<4096xf32, #tpu.memory_space<vmem_shared>>
        %dma_start3A_164 = tpu.memref_slice %arg12[%mul3A_136] : memref<65536xf32, #tpu.memory_space<vmem_shared>> -> memref<4096xf32, #tpu.memory_space<vmem_shared>>
        tpu.enqueue_dma source(%dma_start3A_164 : memref<4096xf32, #tpu.memory_space<vmem_shared>>) target(%arg7 : memref<4096xf32, #tpu.memory_space<vmem>>) target_semaphore(%run_scoped3A : memref<!tpu.dma_semaphore, #tpu.memory_space<semaphore_mem>>)
        %dma_wait3A = tpu.memref_slice %arg12[%mul3A_136] : memref<65536xf32, #tpu.memory_space<vmem_shared>> -> memref<4096xf32, #tpu.memory_space<vmem_shared>>
        %dma_wait3A_165 = tpu.memref_slice %arg12[%mul3A_136] : memref<65536xf32, #tpu.memory_space<vmem_shared>> -> memref<4096xf32, #tpu.memory_space<vmem_shared>>
        tpu.wait_dma2 semaphore(%run_scoped3A : memref<!tpu.dma_semaphore, #tpu.memory_space<semaphore_mem>>) src(%dma_wait3A_165 : memref<4096xf32, #tpu.memory_space<vmem_shared>>) dst(%arg7 : memref<4096xf32, #tpu.memory_space<vmem>>)
        tpu.yield
      }) : () -> ()
      %get3A_137 = arith.constant 0 : index
      %get3A_138 = tpu.vector_load %arg9[%get3A_137] {strides = array<i32>} : memref<16xf32, #tpu.memory_space<vmem>>, vector<16xf32>,
      %slice3A_139 = vector.extract_strided_slice %get3A_138 {offsets = [0], sizes = [1], strides = [1]} : vector<16xf32> to vector<1xf32>
      %squeeze3A_140 = vector.extract %slice3A_139[0] : f32 from vector<1xf32>
      %parallel_loop3A_141 = arith.constant 0 : i32
      %parallel_loop3A_142 = arith.constant 128 : i32
      %parallel_loop3A_143 = arith.constant 1 : i32
      %parallel_loop3A_144 = arith.constant 0 : i32
      %parallel_loop3A_145 = arith.constant 0 : i32
      %parallel_loop3A_146 = arith.constant 0.000000e+00 : f32
      %parallel_loop3A_147 = arith.constant 0.000000e+00 : f32
      %parallel_loop3A_148:4 = scf.for %parallel_loop3A_164 = %parallel_loop3A_141 to %parallel_loop3A_142 step %parallel_loop3A_143 iter_args(%parallel_loop3A_165 = %parallel_loop3A_144, %parallel_loop3A_166 = %parallel_loop3A_145, %parallel_loop3A_167 = %parallel_loop3A_146, %parallel_loop3A_168 = %parallel_loop3A_147) -> (i32, i32, f32, f32)  : i32 {
        %parallel_loop3A_169 = arith.constant 127 : i32
        %parallel_loop3A_170 = arith.subi %parallel_loop3A_169, %parallel_loop3A_164 : i32
        %parallel_loop3A_171 = arith.constant 16 : i32
        %parallel_loop3A_172 = arith.muli %parallel_loop3A_170, %parallel_loop3A_171 : i32
        %parallel_loop3A_173 = arith.index_cast %parallel_loop3A_172 : i32 to index
        %parallel_loop3A_174 = tpu.vector_load %arg6[%parallel_loop3A_173] {strides = array<i32>} : memref<4096xf32, #tpu.memory_space<vmem>>, vector<16xf32>,
        %parallel_loop3A_175 = arith.constant true
        %parallel_loop3A_176 = vector.broadcast %parallel_loop3A_175 : i1 to vector<16xi1>
        %parallel_loop3A_177 = tpu.scan <sum>, %parallel_loop3A_174 masked %parallel_loop3A_176 : vector<16xf32>, vector<16xi1> -> vector<16xf32>
        %parallel_loop3A_178 = vector.extract %parallel_loop3A_177[15] : f32 from vector<16xf32>
        %parallel_loop3A_179 = arith.constant 16 : i32
        %parallel_loop3A_180 = arith.muli %parallel_loop3A_170, %parallel_loop3A_179 : i32
        %parallel_loop3A_181 = arith.index_cast %parallel_loop3A_180 : i32 to index
        %parallel_loop3A_182 = tpu.vector_load %arg7[%parallel_loop3A_181] {strides = array<i32>} : memref<4096xf32, #tpu.memory_space<vmem>>, vector<16xf32>,
        %parallel_loop3A_183 = arith.constant true
        %parallel_loop3A_184 = vector.broadcast %parallel_loop3A_183 : i1 to vector<16xi1>
        %parallel_loop3A_185 = tpu.scan <sum>, %parallel_loop3A_182 masked %parallel_loop3A_184 : vector<16xf32>, vector<16xi1> -> vector<16xf32>
        %parallel_loop3A_186 = vector.extract %parallel_loop3A_185[15] : f32 from vector<16xf32>
        %parallel_loop3A_187 = arith.addf %parallel_loop3A_178, %parallel_loop3A_186 : f32
        %parallel_loop3A_188 = arith.constant 0 : i32
        %parallel_loop3A_189 = arith.cmpi eq, %parallel_loop3A_165, %parallel_loop3A_188 : i32
        %parallel_loop3A_190 = arith.addf %parallel_loop3A_167, %parallel_loop3A_187 : f32
        %parallel_loop3A_191 = arith.cmpf ogt, %parallel_loop3A_190, %squeeze3A_140 : f32
        %parallel_loop3A_192 = arith.andi %parallel_loop3A_189, %parallel_loop3A_191 : i1
        %parallel_loop3A_193 = arith.select %parallel_loop3A_192, %parallel_loop3A_170, %parallel_loop3A_166 : i32
        %parallel_loop3A_194 = arith.subf %squeeze3A_140, %parallel_loop3A_167 : f32
        %parallel_loop3A_195 = arith.select %parallel_loop3A_192, %parallel_loop3A_194, %parallel_loop3A_168 : f32
        %parallel_loop3A_196 = arith.constant 1 : i32
        %parallel_loop3A_197 = arith.select %parallel_loop3A_192, %parallel_loop3A_196, %parallel_loop3A_165 : i32
        %parallel_loop3A_198 = arith.constant 0 : i32
        %parallel_loop3A_199 = arith.cmpi sgt, %parallel_loop3A_197, %parallel_loop3A_198 : i32
        %parallel_loop3A_200 = arith.addf %parallel_loop3A_167, %parallel_loop3A_187 : f32
        %parallel_loop3A_201 = arith.select %parallel_loop3A_199, %parallel_loop3A_167, %parallel_loop3A_200 : f32
        scf.yield %parallel_loop3A_197, %parallel_loop3A_193, %parallel_loop3A_201, %parallel_loop3A_195 : i32, i32, f32, f32
      } {sc.loop_unroll_factor = 4 : i64, sc.parallel_access}
      %broadcast_in_dim3A_149 = vector.broadcast %parallel_loop3A_148#3 : f32 to vector<16xf32>
      %swap3A_150 = arith.constant 0 : index
      %swap3A_151 = tpu.vector_load %arg9[%swap3A_150] {strides = array<i32>} : memref<16xf32, #tpu.memory_space<vmem>>, vector<16xf32>,
      tpu.vector_store %arg9[%swap3A_150], %broadcast_in_dim3A_149 {strides = array<i32>} : memref<16xf32, #tpu.memory_space<vmem>>, vector<16xf32>,
      %get3A_152 = arith.constant 0 : index
      %get3A_153 = tpu.vector_load %arg8[%get3A_152] {strides = array<i32>} : memref<16xi32, #tpu.memory_space<vmem>>, vector<16xi32>,
      %slice3A_154 = vector.extract_strided_slice %get3A_153 {offsets = [0], sizes = [1], strides = [1]} : vector<16xi32> to vector<1xi32>
      %squeeze3A_155 = vector.extract %slice3A_154[0] : i32 from vector<1xi32>
      %mul3A_156 = arith.constant 128 : i32
      %mul3A_157 = arith.muli %squeeze3A_155, %mul3A_156 : i32
      %add3A_158 = arith.addi %mul3A_157, %parallel_loop3A_148#1 : i32
      %broadcast_in_dim3A_159 = vector.broadcast %add3A_158 : i32 to vector<16xi32>
      %swap3A_160 = arith.constant 0 : index
      %swap3A_161 = tpu.vector_load %arg8[%swap3A_160] {strides = array<i32>} : memref<16xi32, #tpu.memory_space<vmem>>, vector<16xi32>,
      tpu.vector_store %arg8[%swap3A_160], %broadcast_in_dim3A_159 {strides = array<i32>} : memref<16xi32, #tpu.memory_space<vmem>>, vector<16xi32>,
      %mul3A_162 = arith.constant 16 : i32
      %mul3A_163 = arith.muli %arg1, %mul3A_162 : i32
      "tpu.region"() ({
        %run_scoped3A = tpu.sem_alloc : memref<!tpu.dma_semaphore, #tpu.memory_space<semaphore_mem>>
        %dma_start3A = tpu.memref_slice %arg13[%mul3A_163] : memref<256xi32, #tpu.memory_space<vmem_shared>> -> memref<16xi32, #tpu.memory_space<vmem_shared>>
        %dma_start3A_164 = tpu.memref_slice %arg13[%mul3A_163] : memref<256xi32, #tpu.memory_space<vmem_shared>> -> memref<16xi32, #tpu.memory_space<vmem_shared>>
        tpu.enqueue_dma source(%arg8 : memref<16xi32, #tpu.memory_space<vmem>>) target(%dma_start3A_164 : memref<16xi32, #tpu.memory_space<vmem_shared>>) target_semaphore(%run_scoped3A : memref<!tpu.dma_semaphore, #tpu.memory_space<semaphore_mem>>)
        %dma_wait3A = tpu.memref_slice %arg13[%mul3A_163] : memref<256xi32, #tpu.memory_space<vmem_shared>> -> memref<16xi32, #tpu.memory_space<vmem_shared>>
        %dma_wait3A_165 = tpu.memref_slice %arg13[%mul3A_163] : memref<256xi32, #tpu.memory_space<vmem_shared>> -> memref<16xi32, #tpu.memory_space<vmem_shared>>
        tpu.wait_dma2 semaphore(%run_scoped3A : memref<!tpu.dma_semaphore, #tpu.memory_space<semaphore_mem>>) src(%arg8 : memref<16xi32, #tpu.memory_space<vmem>>) dst(%dma_wait3A_165 : memref<16xi32, #tpu.memory_space<vmem_shared>>)
        tpu.yield
      }) : () -> ()
    } else {
    }
    %barrier3A_109 = arith.constant 0 : index
    tpu.barrier barrier_id(%barrier3A_109)
    %not3A_110 = arith.constant true
    %not3A_111 = arith.xori %eq3A_32, %not3A_110 : i1
    %convert_element_type3A_112 = arith.extui %not3A_111 : i1 to i32
    %cond3A_113 = arith.constant 0 : i32
    %cond3A_114 = arith.cmpi ne, %convert_element_type3A_112, %cond3A_113 : i32
    scf.if %cond3A_114 {
      %sub3A_133 = arith.constant 1 : i32
      %sub3A_134 = arith.subi %arg1, %sub3A_133 : i32
      %mul3A_135 = arith.constant 16 : i32
      %mul3A_136 = arith.muli %sub3A_134, %mul3A_135 : i32
      "tpu.region"() ({
        %run_scoped3A = tpu.sem_alloc : memref<!tpu.dma_semaphore, #tpu.memory_space<semaphore_mem>>
        %dma_start3A = tpu.memref_slice %arg13[%mul3A_136] : memref<256xi32, #tpu.memory_space<vmem_shared>> -> memref<16xi32, #tpu.memory_space<vmem_shared>>
        %dma_start3A_137 = tpu.memref_slice %arg13[%mul3A_136] : memref<256xi32, #tpu.memory_space<vmem_shared>> -> memref<16xi32, #tpu.memory_space<vmem_shared>>
        tpu.enqueue_dma source(%dma_start3A_137 : memref<16xi32, #tpu.memory_space<vmem_shared>>) target(%arg8 : memref<16xi32, #tpu.memory_space<vmem>>) target_semaphore(%run_scoped3A : memref<!tpu.dma_semaphore, #tpu.memory_space<semaphore_mem>>)
        %dma_wait3A = tpu.memref_slice %arg13[%mul3A_136] : memref<256xi32, #tpu.memory_space<vmem_shared>> -> memref<16xi32, #tpu.memory_space<vmem_shared>>
        %dma_wait3A_138 = tpu.memref_slice %arg13[%mul3A_136] : memref<256xi32, #tpu.memory_space<vmem_shared>> -> memref<16xi32, #tpu.memory_space<vmem_shared>>
        tpu.wait_dma2 semaphore(%run_scoped3A : memref<!tpu.dma_semaphore, #tpu.memory_space<semaphore_mem>>) src(%dma_wait3A_138 : memref<16xi32, #tpu.memory_space<vmem_shared>>) dst(%arg8 : memref<16xi32, #tpu.memory_space<vmem>>)
        tpu.yield
      }) : () -> ()
    } else {
    }
    %get3A_115 = arith.constant 0 : index
    %get3A_116 = tpu.vector_load %arg8[%get3A_115] {strides = array<i32>} : memref<16xi32, #tpu.memory_space<vmem>>, vector<16xi32>,
    %slice3A_117 = vector.extract_strided_slice %get3A_116 {offsets = [0], sizes = [1], strides = [1]} : vector<16xi32> to vector<1xi32>
    %squeeze3A_118 = vector.extract %slice3A_117[0] : i32 from vector<1xi32>
    %broadcast_in_dim3A_119 = arith.constant 0.000000e+00 : f32
    %broadcast_in_dim3A_120 = vector.broadcast %broadcast_in_dim3A_119 : f32 to vector<16xf32>
    %parallel_loop3A_121 = arith.constant 0 : i32
    %parallel_loop3A_122 = arith.constant 4608 : i32
    %parallel_loop3A_123 = arith.constant 1 : i32
    %parallel_loop3A_124:3 = scf.for %parallel_loop3A_133 = %parallel_loop3A_121 to %parallel_loop3A_122 step %parallel_loop3A_123 iter_args(%parallel_loop3A_134 = %broadcast_in_dim3A_120, %parallel_loop3A_135 = %broadcast_in_dim3A_120, %parallel_loop3A_136 = %broadcast_in_dim3A_120) -> (vector<16xf32>, vector<16xf32>, vector<16xf32>)  : i32 {
      %parallel_loop3A_137 = arith.constant 16 : i32
      %parallel_loop3A_138 = arith.muli %parallel_loop3A_133, %parallel_loop3A_137 : i32
      %parallel_loop3A_139 = arith.index_cast %parallel_loop3A_138 : i32 to index
      %parallel_loop3A_140 = tpu.vector_load %arg5[%parallel_loop3A_139] {strides = array<i32>} : memref<73728xf32, #tpu.memory_space<vmem>>, vector<16xf32>,
      %parallel_loop3A_141 = tpu.bitcast %parallel_loop3A_140 : vector<16xf32> -> vector<16xi32>
      %parallel_loop3A_142 = arith.constant 2147483647 : i32
      %parallel_loop3A_143 = vector.broadcast %parallel_loop3A_142 : i32 to vector<16xi32>
      %parallel_loop3A_144 = arith.andi %parallel_loop3A_141, %parallel_loop3A_143 : vector<16xi32>
      %parallel_loop3A_145 = vector.broadcast %squeeze3A_118 : i32 to vector<16xi32>
      %parallel_loop3A_146 = arith.cmpi slt, %parallel_loop3A_144, %parallel_loop3A_145 : vector<16xi32>
      %parallel_loop3A_147 = arith.constant 0.000000e+00 : f32
      %parallel_loop3A_148 = vector.broadcast %parallel_loop3A_147 : f32 to vector<16xf32>
      %parallel_loop3A_149 = arith.select %parallel_loop3A_146, %parallel_loop3A_140, %parallel_loop3A_148 : vector<16xi1>, vector<16xf32>
      %parallel_loop3A_150 = arith.addf %parallel_loop3A_134, %parallel_loop3A_149 : vector<16xf32>
      %parallel_loop3A_151 = arith.mulf %parallel_loop3A_149, %parallel_loop3A_149 : vector<16xf32>
      %parallel_loop3A_152 = arith.addf %parallel_loop3A_135, %parallel_loop3A_151 : vector<16xf32>
      %parallel_loop3A_153 = arith.constant 0.000000e+00 : f32
      %parallel_loop3A_154 = arith.constant 1.000000e+00 : f32
      %parallel_loop3A_155 = vector.broadcast %parallel_loop3A_153 : f32 to vector<16xf32>
      %parallel_loop3A_156 = vector.broadcast %parallel_loop3A_154 : f32 to vector<16xf32>
      %parallel_loop3A_157 = arith.select %parallel_loop3A_146, %parallel_loop3A_155, %parallel_loop3A_156 : vector<16xi1>, vector<16xf32>
      %parallel_loop3A_158 = arith.addf %parallel_loop3A_136, %parallel_loop3A_157 : vector<16xf32>
      scf.yield %parallel_loop3A_150, %parallel_loop3A_152, %parallel_loop3A_158 : vector<16xf32>, vector<16xf32>, vector<16xf32>
    } {sc.loop_unroll_factor = 16 : i64, sc.parallel_access}
    %swap3A = arith.constant 0 : index
    %swap3A_125 = tpu.vector_load %arg11[%swap3A] {strides = array<i32>} : memref<128xf32, #tpu.memory_space<vmem>>, vector<16xf32>,
    tpu.vector_store %arg11[%swap3A], %parallel_loop3A_124#0 {strides = array<i32>} : memref<128xf32, #tpu.memory_space<vmem>>, vector<16xf32>,
    %swap3A_126 = arith.constant 16 : index
    %swap3A_127 = tpu.vector_load %arg11[%swap3A_126] {strides = array<i32>} : memref<128xf32, #tpu.memory_space<vmem>>, vector<16xf32>,
    tpu.vector_store %arg11[%swap3A_126], %parallel_loop3A_124#1 {strides = array<i32>} : memref<128xf32, #tpu.memory_space<vmem>>, vector<16xf32>,
    %swap3A_128 = arith.constant 32 : index
    %swap3A_129 = tpu.vector_load %arg11[%swap3A_128] {strides = array<i32>} : memref<128xf32, #tpu.memory_space<vmem>>, vector<16xf32>,
    tpu.vector_store %arg11[%swap3A_128], %parallel_loop3A_124#2 {strides = array<i32>} : memref<128xf32, #tpu.memory_space<vmem>>, vector<16xf32>,
    %mul3A_130 = arith.constant 16 : i32
    %mul3A_131 = arith.muli %select_n3A_30, %mul3A_130 : i32
    %add3A_132 = arith.addi %mul3A_131, %add3A : i32
    "tpu.region"() ({
      %run_scoped3A = tpu.sem_alloc : memref<!tpu.dma_semaphore, #tpu.memory_space<semaphore_mem>>
      %dma_start3A = arith.constant 0 : i32
      %dma_start3A_133 = tpu.memref_slice %arg4[%add3A_132, %dma_start3A] : memref<32x128xf32, #tpu.memory_space<hbm>> -> memref<1x128xf32, #tpu.memory_space<hbm>>
      %dma_start3A_134 = tpu.memref_squeeze %dma_start3A_133 : memref<1x128xf32, #tpu.memory_space<hbm>> -> memref<128xf32, #tpu.memory_space<hbm>>
      %dma_start3A_135 = arith.constant 0 : i32
      %dma_start3A_136 = tpu.memref_slice %arg4[%add3A_132, %dma_start3A_135] : memref<32x128xf32, #tpu.memory_space<hbm>> -> memref<1x128xf32, #tpu.memory_space<hbm>>
      %dma_start3A_137 = tpu.memref_squeeze %dma_start3A_136 : memref<1x128xf32, #tpu.memory_space<hbm>> -> memref<128xf32, #tpu.memory_space<hbm>>
      tpu.enqueue_dma source(%arg11 : memref<128xf32, #tpu.memory_space<vmem>>) target(%dma_start3A_137 : memref<128xf32, #tpu.memory_space<hbm>>) target_semaphore(%run_scoped3A : memref<!tpu.dma_semaphore, #tpu.memory_space<semaphore_mem>>)
      %dma_wait3A = arith.constant 0 : i32
      %dma_wait3A_138 = tpu.memref_slice %arg4[%add3A_132, %dma_wait3A] : memref<32x128xf32, #tpu.memory_space<hbm>> -> memref<1x128xf32, #tpu.memory_space<hbm>>
      %dma_wait3A_139 = tpu.memref_squeeze %dma_wait3A_138 : memref<1x128xf32, #tpu.memory_space<hbm>> -> memref<128xf32, #tpu.memory_space<hbm>>
      %dma_wait3A_140 = arith.constant 0 : i32
      %dma_wait3A_141 = tpu.memref_slice %arg4[%add3A_132, %dma_wait3A_140] : memref<32x128xf32, #tpu.memory_space<hbm>> -> memref<1x128xf32, #tpu.memory_space<hbm>>
      %dma_wait3A_142 = tpu.memref_squeeze %dma_wait3A_141 : memref<1x128xf32, #tpu.memory_space<hbm>> -> memref<128xf32, #tpu.memory_space<hbm>>
      tpu.wait_dma2 semaphore(%run_scoped3A : memref<!tpu.dma_semaphore, #tpu.memory_space<semaphore_mem>>) src(%arg11 : memref<128xf32, #tpu.memory_space<vmem>>) dst(%dma_wait3A_142 : memref<128xf32, #tpu.memory_space<hbm>>)
      tpu.yield
    }) : () -> ()
    return
  }
}

module attributes {stable_mosaic.version = 14 : i64} {
  func.func @_body_a(%arg0: i32, %arg1: memref<16x18432xf32, #tpu.memory_space<vmem>>, %arg2: memref<16x18432xf32, #tpu.memory_space<vmem>>, %arg3: memref<16x18432xf32, #tpu.memory_space<vmem>>, %arg4: memref<16x128xi32, #tpu.memory_space<vmem>>, %arg5: memref<16x8xf32, #tpu.memory_space<vmem>>, %arg6: memref<16x1xf32, #tpu.memory_space<vmem>>) attributes {dimension_semantics = [#tpu.dimension_semantics<arbitrary>], iteration_bounds = array<i64: 8>, scalar_prefetch = 0 : i64, scratch_operands = 1 : i64, tpu.core_type = #tpu.core_type<tc>, window_params = [{transform_indices = @transform_0, window_bounds = array<i64: 16, 18432>}, {transform_indices = @transform_1, window_bounds = array<i64: 16, 18432>}, {transform_indices = @transform_2, window_bounds = array<i64: 16, 18432>}, {pipeline_mode = #tpu.pipeline_mode<synchronous>, transform_indices = @transform_3, window_bounds = array<i64: 16, 128>}, {pipeline_mode = #tpu.pipeline_mode<synchronous>, transform_indices = @transform_4, window_bounds = array<i64: 16, 8>}]} {
    %get3A = arith.constant 0 : index
    %get3A_0 = arith.constant 0 : index
    %get3A_1 = vector.load %arg1[%get3A, %get3A_0] : memref<16x18432xf32, #tpu.memory_space<vmem>>, vector<16x18432xf32>
    %get3A_2 = arith.constant 0 : index
    %get3A_3 = arith.constant 0 : index
    %get3A_4 = vector.load %arg2[%get3A_2, %get3A_3] : memref<16x18432xf32, #tpu.memory_space<vmem>>, vector<16x18432xf32>
    %gt3A = arith.constant 9.99999997E-7 : f32
    %gt3A_5 = vector.broadcast %gt3A : f32 to vector<16x18432xf32>
    %gt3A_6 = arith.cmpf ogt, %get3A_4, %gt3A_5 : vector<16x18432xf32>
    %max3A = arith.constant 9.99999997E-7 : f32
    %max3A_7 = vector.broadcast %max3A : f32 to vector<16x18432xf32>
    %max3A_8 = arith.maximumf %get3A_1, %max3A_7 : vector<16x18432xf32>
    %log3A = math.log %max3A_8 : vector<16x18432xf32>
    %max3A_9 = arith.constant 9.99999997E-7 : f32
    %max3A_10 = vector.broadcast %max3A_9 : f32 to vector<16x18432xf32>
    %max3A_11 = arith.maximumf %get3A_4, %max3A_10 : vector<16x18432xf32>
    %log3A_12 = math.log %max3A_11 : vector<16x18432xf32>
    %sub3A = arith.subf %log3A, %log3A_12 : vector<16x18432xf32>
    %jit3A = arith.constant 0.000000e+00 : f32
    %broadcast_in_dim3A = vector.broadcast %jit3A : f32 to vector<16x18432xf32>
    %select_n3A = arith.select %gt3A_6, %sub3A, %broadcast_in_dim3A : vector<16x18432xi1>, vector<16x18432xf32>
    %swap3A = arith.constant 0 : index
    %swap3A_13 = arith.constant 0 : index
    %swap3A_14 = vector.load %arg3[%swap3A, %swap3A_13] : memref<16x18432xf32, #tpu.memory_space<vmem>>, vector<16x18432xf32>
    tpu.vector_store %arg3[%swap3A, %swap3A_13], %select_n3A {strides = array<i32>} : memref<16x18432xf32, #tpu.memory_space<vmem>>, vector<16x18432xf32>,
    %eq3A = arith.constant 0 : i32
    %eq3A_15 = arith.cmpi eq, %arg0, %eq3A : i32
    %convert_element_type3A = arith.extui %eq3A_15 : i1 to i32
    %cond3A = arith.constant 0 : i32
    %cond3A_16 = arith.cmpi ne, %convert_element_type3A, %cond3A : i32
    scf.if %cond3A_16 {
      %broadcast_in_dim3A_32 = arith.constant 0.000000e+00 : f32
      %broadcast_in_dim3A_33 = vector.broadcast %broadcast_in_dim3A_32 : f32 to vector<16x1xf32>
      %swap3A_34 = arith.constant 0 : index
      %swap3A_35 = arith.constant 0 : index
      %swap3A_36 = vector.load %arg6[%swap3A_34, %swap3A_35] : memref<16x1xf32, #tpu.memory_space<vmem>>, vector<16x1xf32>
      tpu.vector_store %arg6[%swap3A_34, %swap3A_35], %broadcast_in_dim3A_33 {strides = array<i32>} : memref<16x1xf32, #tpu.memory_space<vmem>>, vector<16x1xf32>,
    } else {
    }
    %get3A_17 = arith.constant 0 : index
    %get3A_18 = arith.constant 0 : index
    %get3A_19 = vector.load %arg6[%get3A_17, %get3A_18] : memref<16x1xf32, #tpu.memory_space<vmem>>, vector<16x1xf32>
    %convert_element_type3A_20 = arith.extui %gt3A_6 : vector<16x18432xi1> to vector<16x18432xi32>
    %convert_element_type3A_21 = arith.sitofp %convert_element_type3A_20 : vector<16x18432xi32> to vector<16x18432xf32>
    %reduce_sum3A = arith.constant dense<0.000000e+00> : vector<16xf32>
    %reduce_sum3A_22 = vector.multi_reduction <add>, %convert_element_type3A_21, %reduce_sum3A [1] : vector<16x18432xf32> to vector<16xf32>
    %broadcast_in_dim3A_23 = vector.shape_cast %reduce_sum3A_22 : vector<16xf32> to vector<16x1xf32>
    %add3A = arith.addf %get3A_19, %broadcast_in_dim3A_23 : vector<16x1xf32>
    %swap3A_24 = arith.constant 0 : index
    %swap3A_25 = arith.constant 0 : index
    %swap3A_26 = vector.load %arg6[%swap3A_24, %swap3A_25] : memref<16x1xf32, #tpu.memory_space<vmem>>, vector<16x1xf32>
    tpu.vector_store %arg6[%swap3A_24, %swap3A_25], %add3A {strides = array<i32>} : memref<16x1xf32, #tpu.memory_space<vmem>>, vector<16x1xf32>,
    %eq3A_27 = arith.constant 7 : i32
    %eq3A_28 = arith.cmpi eq, %arg0, %eq3A_27 : i32
    %convert_element_type3A_29 = arith.extui %eq3A_28 : i1 to i32
    %cond3A_30 = arith.constant 0 : i32
    %cond3A_31 = arith.cmpi ne, %convert_element_type3A_29, %cond3A_30 : i32
    scf.if %cond3A_31 {
      %get3A_32 = arith.constant 0 : index
      %get3A_33 = arith.constant 0 : index
      %get3A_34 = vector.load %arg6[%get3A_32, %get3A_33] : memref<16x1xf32, #tpu.memory_space<vmem>>, vector<16x1xf32>
      %mul3A = arith.constant 1.000000e-01 : f32
      %mul3A_35 = vector.broadcast %mul3A : f32 to vector<16x1xf32>
      %mul3A_36 = arith.mulf %get3A_34, %mul3A_35 : vector<16x1xf32>
      %convert_element_type3A_37 = arith.fptosi %mul3A_36 : vector<16x1xf32> to vector<16x1xi32>
      %min3A = arith.constant 147455 : i32
      %min3A_38 = vector.broadcast %min3A : i32 to vector<16x1xi32>
      %min3A_39 = arith.minsi %convert_element_type3A_37, %min3A_38 : vector<16x1xi32>
      %broadcast_in_dim3A_40 = vector.shape_cast %min3A_39 : vector<16x1xi32> to vector<16x1xi32>
      %broadcast_in_dim3A_41 = vector.broadcast %broadcast_in_dim3A_40 : vector<16x1xi32> to vector<16x128xi32>
      %swap3A_42 = arith.constant 0 : index
      %swap3A_43 = arith.constant 0 : index
      %swap3A_44 = vector.load %arg4[%swap3A_42, %swap3A_43] : memref<16x128xi32, #tpu.memory_space<vmem>>, vector<16x128xi32>
      tpu.vector_store %arg4[%swap3A_42, %swap3A_43], %broadcast_in_dim3A_41 {strides = array<i32>} : memref<16x128xi32, #tpu.memory_space<vmem>>, vector<16x128xi32>,
      %broadcast_in_dim3A_45 = vector.shape_cast %get3A_34 : vector<16x1xf32> to vector<16x1xf32>
      %broadcast_in_dim3A_46 = vector.broadcast %broadcast_in_dim3A_45 : vector<16x1xf32> to vector<16x8xf32>
      %swap3A_47 = arith.constant 0 : index
      %swap3A_48 = arith.constant 0 : index
      %swap3A_49 = vector.load %arg5[%swap3A_47, %swap3A_48] : memref<16x8xf32, #tpu.memory_space<vmem>>, vector<16x8xf32>
      tpu.vector_store %arg5[%swap3A_47, %swap3A_48], %broadcast_in_dim3A_46 {strides = array<i32>} : memref<16x8xf32, #tpu.memory_space<vmem>>, vector<16x8xf32>,
    } else {
    }
    return
  }
  func.func @transform_0(%arg0: i32) -> (i32, i32) {
    %c0_i32 = arith.constant 0 : i32
    %c0_i32_0 = arith.constant 0 : i32
    return %c0_i32, %arg0 : i32, i32
  }
  func.func @transform_1(%arg0: i32) -> (i32, i32) {
    %c0_i32 = arith.constant 0 : i32
    %c0_i32_0 = arith.constant 0 : i32
    return %c0_i32, %arg0 : i32, i32
  }
  func.func @transform_2(%arg0: i32) -> (i32, i32) {
    %c0_i32 = arith.constant 0 : i32
    %c0_i32_0 = arith.constant 0 : i32
    return %c0_i32, %arg0 : i32, i32
  }
  func.func @transform_3(%arg0: i32) -> (i32, i32) {
    %c0_i32 = arith.constant 0 : i32
    %c0_i32_0 = arith.constant 0 : i32
    %c0_i32_1 = arith.constant 0 : i32
    return %c0_i32, %c0_i32_0 : i32, i32
  }
  func.func @transform_4(%arg0: i32) -> (i32, i32) {
    %c0_i32 = arith.constant 0 : i32
    %c0_i32_0 = arith.constant 0 : i32
    %c0_i32_1 = arith.constant 0 : i32
    return %c0_i32, %c0_i32_0 : i32, i32
  }
}

module attributes {stable_mosaic.version = 14 : i64} {
  func.func @_body_c(%arg0: memref<32x128xf32, #tpu.memory_space<vmem>>, %arg1: memref<16x8xf32, #tpu.memory_space<vmem>>, %arg2: memref<1x1xf32, #tpu.memory_space<vmem>>) attributes {dimension_semantics = [], scalar_prefetch = 0 : i64, scratch_operands = 0 : i64, tpu.core_type = #tpu.core_type<tc>} {
    %get3A = arith.constant 0 : index
    %get3A_0 = arith.constant 0 : index
    %get3A_1 = vector.load %arg0[%get3A, %get3A_0] : memref<32x128xf32, #tpu.memory_space<vmem>>, vector<16x128xf32>
    %get3A_2 = arith.constant 16 : index
    %get3A_3 = arith.constant 0 : index
    %get3A_4 = vector.load %arg0[%get3A_2, %get3A_3] : memref<32x128xf32, #tpu.memory_space<vmem>>, vector<16x128xf32>
    %add3A = arith.addf %get3A_1, %get3A_4 : vector<16x128xf32>
    %slice3A = vector.extract_strided_slice %add3A {offsets = [0, 0], sizes = [16, 16], strides = [1, 1]} : vector<16x128xf32> to vector<16x16xf32>
    %reduce_sum3A = arith.constant dense<0.000000e+00> : vector<16xf32>
    %reduce_sum3A_5 = vector.multi_reduction <add>, %slice3A, %reduce_sum3A [1] : vector<16x16xf32> to vector<16xf32>
    %broadcast_in_dim3A = vector.shape_cast %reduce_sum3A_5 : vector<16xf32> to vector<16x1xf32>
    %slice3A_6 = vector.extract_strided_slice %add3A {offsets = [0, 16], sizes = [16, 16], strides = [1, 1]} : vector<16x128xf32> to vector<16x16xf32>
    %reduce_sum3A_7 = arith.constant dense<0.000000e+00> : vector<16xf32>
    %reduce_sum3A_8 = vector.multi_reduction <add>, %slice3A_6, %reduce_sum3A_7 [1] : vector<16x16xf32> to vector<16xf32>
    %broadcast_in_dim3A_9 = vector.shape_cast %reduce_sum3A_8 : vector<16xf32> to vector<16x1xf32>
    %slice3A_10 = vector.extract_strided_slice %add3A {offsets = [0, 32], sizes = [16, 16], strides = [1, 1]} : vector<16x128xf32> to vector<16x16xf32>
    %reduce_sum3A_11 = arith.constant dense<0.000000e+00> : vector<16xf32>
    %reduce_sum3A_12 = vector.multi_reduction <add>, %slice3A_10, %reduce_sum3A_11 [1] : vector<16x16xf32> to vector<16xf32>
    %broadcast_in_dim3A_13 = vector.shape_cast %reduce_sum3A_12 : vector<16xf32> to vector<16x1xf32>
    %get3A_14 = arith.constant 0 : index
    %get3A_15 = arith.constant 0 : index
    %get3A_16 = vector.load %arg1[%get3A_14, %get3A_15] : memref<16x8xf32, #tpu.memory_space<vmem>>, vector<16x1xf32>
    %sub3A = arith.subf %get3A_16, %broadcast_in_dim3A_13 : vector<16x1xf32>
    %max3A = arith.constant 1.000000e+00 : f32
    %max3A_17 = vector.broadcast %max3A : f32 to vector<16x1xf32>
    %max3A_18 = arith.maximumf %sub3A, %max3A_17 : vector<16x1xf32>
    %div3A = arith.divf %broadcast_in_dim3A_9, %max3A_18 : vector<16x1xf32>
    %mul3A = arith.mulf %broadcast_in_dim3A, %broadcast_in_dim3A : vector<16x1xf32>
    %mul3A_19 = arith.constant 5.000000e-01 : f32
    %mul3A_20 = vector.broadcast %mul3A_19 : f32 to vector<16x1xf32>
    %mul3A_21 = arith.mulf %mul3A_20, %mul3A : vector<16x1xf32>
    %mul3A_22 = arith.mulf %max3A_18, %max3A_18 : vector<16x1xf32>
    %div3A_23 = arith.divf %mul3A_21, %mul3A_22 : vector<16x1xf32>
    %sub3A_24 = arith.subf %div3A, %div3A_23 : vector<16x1xf32>
    %max3A_25 = arith.constant 9.99999997E-7 : f32
    %max3A_26 = vector.broadcast %max3A_25 : f32 to vector<16x1xf32>
    %max3A_27 = arith.maximumf %sub3A_24, %max3A_26 : vector<16x1xf32>
    %sqrt3A = math.sqrt %max3A_27 : vector<16x1xf32>
    %reduce_sum3A_28 = vector.shape_cast %sqrt3A : vector<16x1xf32> to vector<1x16x1xf32>
    %reduce_sum3A_29 = arith.constant dense<0.000000e+00> : vector<1xf32>
    %reduce_sum3A_30 = vector.multi_reduction <add>, %reduce_sum3A_28, %reduce_sum3A_29 [1, 2] : vector<1x16x1xf32> to vector<1xf32>
    %reduce_sum3A_31 = vector.shape_cast %reduce_sum3A_30 : vector<1xf32> to vector<1x1x1xf32>
    %reduce_sum3A_32 = vector.extract %reduce_sum3A_31[0, 0, 0] : f32 from vector<1x1x1xf32>
    %div3A_33 = arith.constant 1.600000e+01 : f32
    %div3A_34 = arith.divf %reduce_sum3A_32, %div3A_33 : f32
    %reshape3A = vector.broadcast %div3A_34 : f32 to vector<1x1xf32>
    %swap3A = arith.constant 0 : index
    %swap3A_35 = arith.constant 0 : index
    %swap3A_36 = vector.load %arg2[%swap3A, %swap3A_35] : memref<1x1xf32, #tpu.memory_space<vmem>>, vector<1x1xf32>
    tpu.vector_store %arg2[%swap3A, %swap3A_35], %reshape3A {strides = array<i32>} : memref<1x1xf32, #tpu.memory_space<vmem>>, vector<1x1xf32>,
    return
  }
}

</mosaic_0001>

<sc_bundles>
// kernel: kernel.5.cloned.1.call-start
scs
__scs_entry_jumppad:
0x0: {  	(pc) =	sbr.rel $0x88, $3  }
0x1: {  	(tag) =	ssettag $0x0;
	lr =	simm.s32 $0x1  }
0x2: {  	[smem:$0x3F9F] =	sst lr;
	_ =	strace $0xD0000000  }
0x3: {  	_ = 	snop  }
0x4: {  	_ = 	snop  }
0x5: {  	_ = 	snop  }
0x6: {  	_ = 	snop  }
0x7: {  	_ = 	snop  }
__scs_overlays_trampoline_lowered:
0x8: {  	[smem:$0x3FAE] =	sst s0  }
0x9: {  	[smem:$0x3FAF] =	sst s1  }
0xa: {  	[smem:$0x3FB0] =	sst s2  }
0xb: {  	[smem:$0x3FB1] =	sst s3  }
0xc: {  	[smem:$0x3FB2] =	sst s4  }
0xd: {  	[smem:$0x3FB3] =	sst s5  }
0xe: {  	[smem:$0x3FB4] =	sst s6  }
0xf: {  	[smem:$0x3FB5] =	sst s7  }
0x10: {  	[smem:$0x3FB6] =	sst s8  }
0x11: {  	[smem:$0x3FB7] =	sst s9;
	s0 =	simm.s32 @!p0 $0x0  }
0x12: {  	s1 =	sld [smem:$0x3F9D];
	s0 =	simm.s32 @p0 $0x1  }
0x13: {  	[smem:$0x3FB8] =	sst s0;
	s0 =	simm.s32 @!p1 $0x0  }
0x14: {  	s2 =	sld [smem:$0x3F9C];
	s0 =	simm.s32 @p1 $0x1  }
0x15: {  	[smem:$0x3FB9] =	sst s0;
	s0 =	simm.s32 @!p2 $0x0  }
0x16: {  	s3 =	sld [smem:$0x3FDB];
	s0 =	simm.s32 @p2 $0x1  }
0x17: {  	s4 =	simm.s32 $0x1BF5;
	[smem:$0x3FBB] =	sst s0  }
0x18: {  	s0 =	sld [smem:$0x3F9E];
	_ =	swait.ge [sflag:s4], $0x0  }
0x19: {  	s7 =	sld [smem:$0x3F9F]  }
0x1a: {  	s8 =	sadd.s32 $0xFFFFE003, lr  }
0x1b: {  	s9 =	sadd.s32 $0xFFFFFEF7, lr;
	s5 =	simm.s32 $0xFFFFFFFF;
	p2 =	slt.u32 s8, $0xFFFFF086  }
0x1c: {  	p1 =	slt.u32 s9, $0xF7A;
	s5 =	simm.s32 @!p2 $0x0  }
0x1d: {  	s5 =	simm.s32 @p1 $0x1;
	p0 =	seq.s32 s7, s2  }
0x1e: {  	s7 =	smul.u32 @!p0 $0xF7A, s2;
	p2 =	seq.s32 @!p0 s5, $0x0  }
0x1f: {  	s9 =	smul.u32 $0xF7A, s1;
	s8 =	simm.s32 @!p0 $0x1BF5;
	p2 =	por !p2, p0  }
0x20: {  	[sflag:s8] =	ssyncset.s32 @!p0 $0xFFFFF086;
	s6 =	sadd.s32 @!p0 s3, s7;
	s7 =	simm.s32 @!p0 $0x108  }
0x21: {  	s3 =	sadd.s32 s3, s9;
	s6 =	sadd.s32 @!p0 $0x88, s6;
	s7 =	simm.s32 @p2 $0x1082  }
0x22: {  	[simem:s7], [sflag:s8] =	dma.local @!p0 [hbm:s6], $0xF7A  }
0x23: {  	s9 =	sor.u32 $0xD0000000, s2;
	s6 =	simm.s32 $0x108;
	_ =	swait.ge @!p0 [sflag:s8], $0x0  }
0x24: {  	s3 =	sadd.s32 $0x88, s3;
	s6 =	simm.s32 @!p1 $0x1082;
	[sflag:s4] =	ssyncset.s32 $0xFFFFF086  }
0x25: {  	[simem:s6], [sflag:s4] =	dma.local [hbm:s3], $0xF7A  }
0x26: {  	[smem:$0x3F9F] =	sst s1;
	(tag) =	ssettag s2;
	_ =	strace s9  }
0x27: {  	s1 =	sld [smem:$0x3FAF]  }
0x28: {  	s2 =	sld [smem:$0x3FB0]  }
0x29: {  	s4 =	sld [smem:$0x3FB2]  }
0x2a: {  	p0 =	seq.s32 s5, $0x0;
	s5 =	sld [smem:$0x3FB3]  }
0x2b: {  	s6 =	sld [smem:$0x3FB4]  }
0x2c: {  	s7 =	sld [smem:$0x3FB5]  }
0x2d: {  	s3 =	simm.s32 $0x108;
	s8 =	sld [smem:$0x3FB6]  }
0x2e: {  	s3 =	simm.s32 @!p0 $0x1082;
	s9 =	sld [smem:$0x3FB7]  }
0x2f: {  	lr =	sadd.s32 s0, s3;
	s0 =	sld [smem:$0x3FAE]  }
0x30: {  	s3 =	sld [smem:$0x3FB1]  }
0x31: {  	[smem:$0x3FBA] =	sst s10  }
0x32: {  	s10 =	sld [smem:$0x3FB8];
	_ =	sdelay $0x3  }
0x33: {  	p0 =	seq.s32 s10, $0x1;
	s10 =	sld [smem:$0x3FBA];
	_ =	sdelay $0x3  }
0x34: {  	[smem:$0x3FBA] =	sst s10  }
0x35: {  	s10 =	sld [smem:$0x3FB9];
	_ =	sdelay $0x3  }
0x36: {  	p1 =	seq.s32 s10, $0x1;
	s10 =	sld [smem:$0x3FBA];
	_ =	sdelay $0x3  }
0x37: {  	[smem:$0x3FBA] =	sst s10  }
0x38: {  	s10 =	sld [smem:$0x3FBB]  }
0x39: {  	_ = 	snop;
	(pc) =	sbr.ind lr, $3  }
0x3a: {  	_ = 	snop  }
0x3b: {  	_ = 	snop  }
0x3c: {  	p2 =	seq.s32 s10, $0x1;
	s10 =	sld [smem:$0x3FBA]  }
0x3d: {  	_ =	shalt  }
0x3e: {  	_ =	shalt  }
0x3f: {  	_ =	shalt  }
0x40: {  	_ =	shalt  }
0x41: {  	_ =	shalt  }
0x42: {  	_ =	shalt  }
0x43: {  	_ =	shalt  }
0x44: {  	_ =	shalt  }
0x45: {  	_ =	shalt  }
0x46: {  	_ =	shalt  }
0x47: {  	_ =	shalt  }
0x48: {  	_ =	shalt  }
0x49: {  	_ =	shalt  }
0x4a: {  	_ =	shalt  }
0x4b: {  	_ =	shalt  }
0x4c: {  	_ =	shalt  }
0x4d: {  	_ =	shalt  }
0x4e: {  	_ =	shalt  }
0x4f: {  	_ =	shalt  }
0x50: {  	_ =	shalt  }
0x51: {  	_ =	shalt  }
0x52: {  	_ =	shalt  }
0x53: {  	_ =	shalt  }
0x54: {  	_ =	shalt  }
0x55: {  	_ =	shalt  }
0x56: {  	_ =	shalt  }
0x57: {  	_ =	shalt  }
0x58: {  	_ =	shalt  }
0x59: {  	_ =	shalt  }
0x5a: {  	_ =	shalt  }
0x5b: {  	_ =	shalt  }
0x5c: {  	_ =	shalt  }
0x5d: {  	_ =	shalt  }
0x5e: {  	_ =	shalt  }
0x5f: {  	_ =	shalt  }
0x60: {  	_ =	shalt  }
0x61: {  	_ =	shalt  }
0x62: {  	_ =	shalt  }
0x63: {  	_ =	shalt  }
0x64: {  	_ =	shalt  }
0x65: {  	_ =	shalt  }
0x66: {  	_ =	shalt  }
0x67: {  	_ =	shalt  }
0x68: {  	_ =	shalt  }
0x69: {  	_ =	shalt  }
0x6a: {  	_ =	shalt  }
0x6b: {  	_ =	shalt  }
0x6c: {  	_ =	shalt  }
0x6d: {  	_ =	shalt  }
0x6e: {  	_ =	shalt  }
0x6f: {  	_ =	shalt  }
0x70: {  	_ =	shalt  }
0x71: {  	_ =	shalt  }
0x72: {  	_ =	shalt  }
0x73: {  	_ =	shalt  }
0x74: {  	_ =	shalt  }
0x75: {  	_ =	shalt  }
0x76: {  	_ =	shalt  }
0x77: {  	_ =	shalt  }
0x78: {  	_ =	shalt  }
0x79: {  	_ =	shalt  }
0x7a: {  	_ =	shalt  }
0x7b: {  	_ =	shalt  }
0x7c: {  	_ =	shalt  }
0x7d: {  	_ =	shalt  }
0x7e: {  	_ =	shalt  }
0x7f: {  	_ =	shalt  }
0x80: {  	_ =	shalt  }
0x81: {  	_ =	shalt  }
0x82: {  	_ =	shalt  }
0x83: {  	_ =	shalt  }
0x84: {  	_ =	shalt  }
0x85: {  	_ =	shalt  }
0x86: {  	_ =	shalt  }
0x87: {  	_ =	shalt  }
.Lfunc_end0:
.L_simem_size_0:
called_computation_lowered:
.L_overlay_start_0:
0x88: {  	s2 =	sld [smem:$0x3FD9]  }
0x89: {  	s3 =	sld [smem:$0x3FFE];
	_ =	sdelay $0x1  }
0x8a: {  	s1 =	srdreg.scid  }
0x8b: {  	s0 =	sand.u32 $0x1, s1  }
0x8c: {  	s16 =	sshll.u32 s0, $0xA;
	s2 =	sadd.s32 s3, s2  }
0x8d: {  	s2 =	sadd.s32 s2, s16  }
0x8e: {  	[smem:$0x3FC6] =	sst s2  }
0x8f: {  	_ = 	snop  }
0x90: {  	(tm) =	ssettm $0x1  }
0x91: {  	s17 =	sld [smem:$0x3FFB];
	_ =	sdelay $0x3  }
0x92: {  	_ =	strace s17  }
0x93: {  	s2 =	sld [smem:$0x3FFC];
	_ =	sdelay $0x3  }
0x94: {  	_ =	strace s2  }
0x95: {  	s2 =	sld [smem:$0x3FFD];
	_ =	sdelay $0x3  }
0x96: {  	_ =	strace s2  }
0x97: {  	_ =	strace $0x8FFFFFFF  }
0x98: {  	s18 =	sld [smem:$0x3FDB];
	_ =	sdelay $0x1  }
0x99: {  	s19 =	simm.s32 $_scs_section_size  }
0x9a: {  	s4 =	simm.s32 $_size__tile_overlayer_lowered;
	s5 =	simm.s32 $_tile_overlayer_lowered  }
0x9b: {  	s22 =	simm.s32 $0x1BFF;
	s21 =	sshll.u32 s5, $0x1;
	s2 =	sadd.s32 s19, s18  }
0x9c: {  	s6 =	simm.s32 $0x0;
	s20 =	sshll.u32 s4, $0x1;
	s4 =	sadd.s32 s21, s2  }
0x9d: {  	[timem:s6], [sflag:s22] =	dma.local [hbm:s4], s20  }
0x9e: {  	_ =	swait.ge [sflag:s22], s20  }
0x9f: {  	s3 =	ssub.s32 $0x0, s20;
	[sflag:s22] =	ssyncset.done $0x0  }
0xa0: {  	[sflag:s22] =	ssyncadd.s32 s3;
	_ =	sdelay $0x1  }
0xa1: {  	s23 =	simm.s32 $0x1B8B  }
0xa2: {  	_ =	swait.ge [sflag:s23], $0x1  }
0xa3: {  	[sflag:s23] =	ssyncset.done $0x0  }
0xa4: {  	s25 =	simm.s32 $0x1B8E;
	s24 =	sld [smem:$0x3FFE];
	[sflag:s23] =	ssyncadd.s32 $0xFFFFFFFF  }
0xa5: {  	s26 =	simm.s32 $execute0_lowered;
	[smem:$0x3FD2] =	sst s25  }
0xa6: {  	s4 =	sshll.u32 s26, $0x1;
	_ =	strace $0x80000046;
	[dreg:$0x1] =	wrdreg $0xFFFFFFFF  }
0xa7: {  	s28 =	simm.s32 $_size_execute0_lowered;
	s2 =	sadd.s32 s2, s4;
	[dreg:$0x0] =	wrdreg $0x0  }
0xa8: {  	s4 =	sshll.u32 s28, $0x1;
	[dreg:$0x2] =	wrdreg s2  }
0xa9: {  	[dreg:$0x3] =	wrdreg s4  }
0xaa: {  	[dreg:$0x4] =	wrdreg $0xC0  }
0xab: {  	_ =	task [dreg:s6], $0x5FFFF  }
0xac: {  	[dreg:$0x1] =	wrdreg $0xFFFFFFFF  }
0xad: {  	[dreg:$0x0] =	wrdreg $0x60  }
0xae: {  	[dreg:$0x2] =	wrdreg s24  }
0xaf: {  	[dreg:$0x3] =	wrdreg $0x142000  }
0xb0: {  	[dreg:$0x4] =	wrdreg $0x152000  }
0xb1: {  	[dreg:$0x5] =	wrdreg $0x9  }
0xb2: {  	_ =	task.clear_ibuf [dreg:s6], $0x6FFFF;
	_ =	strace $0x90000046  }
0xb3: {  	s29 =	simm.s32 $0x9;
	_ =	strace $0x80000048  }
0xb4: {  	_ =	swait.ge [sflag:s29], $0x1  }
0xb5: {  	[sflag:s29] =	ssyncadd.s32 $0xFFFFFFFF  }
0xb6: {  	_ =	strace $0x90000048  }
0xb7: {  	_ =	sfence  }
0xb8: {  	s30 =	sld [smem:$0x0];
	_ =	sdelay $0x2  }
0xb9: {  	s31 =	sshll.u32 s1, $0xD;
	s1 =	sshrl.u32 s1, $0x2  }
0xba: {  	s3 =	sand.u32 $0x4000, s31;
	s1 =	sadd.s32 s1, s30  }
0xbb: {  	s0 =	sor.u32 s3, s0;
	s1 =	sshll.u32 s1, $0x11  }
0xbc: {  	s0 =	sor.u32 s1, s0  }
0xbd: {  	s0 =	sadd.s32 $0x8F2B, s0  }
0xbe: {  	[sflag:s0] =	ssyncadd.remote.s32 $0x1  }
0xbf: {  	_ =	sfence.sel $0xFFFF  }
0xc0: {  	[dreg:$0x0] =	wrdreg $0xFFFFFFFF;
	(pc) =	sbr.abs _section_cstart, $3  }
0xc1: {  	[dreg:$0x1] =	wrdreg $0xFFFFFFFF  }
0xc2: {  	_ =	task.clear_ibuf [dreg:s6], $0x2FFFF;
	_ =	strace $0x9FFFFFFF  }
0xc3: {  	(tm) =	ssettm $0x7FFFFFFF  }
tec
execute0_lowered:
.L_overlay_start_1:
0x0: {  	(tag) =	ssettag $0x1  }
0x1: {  	s3 =	rddreg [dreg:$0x0]  }
0x2: {  	s1 =	srdreg.scid;
	s4 =	rddreg [dreg:$0x1]  }
0x3: {  	s0 =	stileid.u32;
	s6 =	rddreg [dreg:$0x2]  }
0x4: {  	s2 =	simm.s32 $0x0;
	s11 =	simm.s32 $0x80;
	s12 =	simm.s32 $0x400  }
0x5: {  	s13 =	simm.s32 $0x1;
	s14 =	simm.s32 $0x12000;
	s16 =	simm.s32 $0x14000  }
0x6: {  	s17 =	simm.s32 $0x14180;
	s18 =	simm.s32 $0x0;
	s1 =	sand.u32 $0x1, s1  }
0x7: {  	s15 =	sand.u32 $0x1, s0;
	s8 =	sshll.u32 s0, $0x6;
	s5 =	smul.u32 $0x120000, s1  }
0x8: {  	[smem:$0x7FF] =	sst s2;
	s31 =	sshll.u32 s0, $0xC;
	s7 =	smul.u32 $0x90000, s15  }
0x9: {  	s9 =	sand.u32 $0x380, s8;
	s29 =	sshll.u32 s1, $0xA;
	s10 =	sshll.u32 s15, $0xB  }
0xa: {  	_ =	strace $0x80000047;
	s1 =	ssub.s32 $0x2, s1;
	s4 =	sadd.s32 s31, s4  }
0xb: {  	p0 =	sne.s32 s15, $0x0;
	p1 =	seq.s32 s15, $0x0;
	s15 =	simm.s32 $0x13000  }
0xc: {  	s10 =	sor.u32 s29, s10;
	s30 =	sshrl.u32 s1, $0x1;
	s5 =	sadd.s32 s5, s7  }
0xd: {  	s7 =	sor.u32 s8, s29;
	s1 =	ssub.s32 s1, s30;
	s8 =	sshrl.u32 s8, $0x2  }
0xe: {  	s5 =	sor.u32 s9, s5;
	s9 =	sor.u32 s9, s10;
	s7 =	sshrl.u32 s7, $0x3  }
0xf: {  	s10 =	smax.u32 s1, $0x1;
	s5 =	sshrl.u32 s5, $0x3;
	s9 =	sshrl.u32 s9, $0x3  }
0x10: {  	s7 =	sadd.s32 s7, s3;
	s5 =	sadd.s32 s5, s3;
	s9 =	sadd.s32 s9, s3  }
0x11: {  	s3 =	sadd.s32 $0xE00, s5;
	s5 =	sadd.s32 s8, s6;
	s6 =	sadd.s32 $0x48E00, s7  }
0x12: {  	v0 =	vimm.f32 $0.0e+00;
	v1 =	vlaneseq.u32;
	v2 =	vimm.f32 $1.000000000e+00;
	s8 =	sadd.s32 $0x1000, s4;
	s9 =	sadd.s32 $0x49000, s9;
	s7 =	sadd.s32 $0xFFFFFFF0, s5  }
.LBB2_1:
0x13: {  	[tilespmem:s2], [sflag:$0x1] =	stream.strided.gather [hbm4b:s3+s11], $0x12000, s12, s11, $0x38;
	[tilespmem:$0x15210] =	vst v63  }
0x14: {  	_ =	swait.ge [sflag:s13], $0x12000  }
0x15: {  	[sflag:s13] =	ssyncset.done $0x0  }
0x16: {  	s1 =	simm.s32 @!p0 $0x0;
	s19 =	simm.s32 @!p0 $0x14100;
	[sflag:s13] =	ssyncadd.s32 $0xFFFEE000  }
0x17: {  	[tilespmem:s19], [sflag:$0x1] =	stream.linear.gather @!p0 [hbm4b:s6+s1], $0x80, $0x38;
	[tilespmem:$0x15210] =	vst v63  }
0x18: {  	s1 =	simm.s32 @!p0 $0x1  }
0x19: {  	_ =	swait.ge @!p0 [sflag:s1], $0x80  }
0x1a: {  	[sflag:s1] =	ssyncset.done @!p0 $0x0  }
0x1b: {  	[sflag:s1] =	ssyncadd.s32 @!p0 $0xFFFFFF80  }
0x1c: {  	v3 =	vld @!p0 [tilespmem:$0x14100];
	_ =	sdelay $0x4  }
0x1d: {  	(v2sf) =	vpush @!p0 v3, $0x0;
	_ =	sdelay $0xe  }
0x1e: {  	s1 =	spop @!p0 (v2sf)  }
0x1f: {  	s1 =	scvt.s32.f32 @!p0 s1;
	_ =	sdelay $0x1  }
0x20: {  	v3 =	vmov @!p0 s1  }
0x21: {  	s19 =	simm.s32 $0x12080;
	[tilespmem:$0x14080] =	vst @!p0 v3  }
0x22: {  	[tilespmem:s19+$0xFFFFFF80] =	vst v0  }
0x23: {  	[tilespmem:s19+$0x70] =	vst v0  }
0x24: {  	[tilespmem:s19+$0x60] =	vst v0  }
0x25: {  	[tilespmem:s19+$0x50] =	vst v0  }
0x26: {  	[tilespmem:s19+$0x40] =	vst v0  }
0x27: {  	[tilespmem:s19+$0x30] =	vst v0  }
0x28: {  	[tilespmem:s19+$0x20] =	vst v0  }
0x29: {  	[tilespmem:s19+$0x10] =	vst v0  }
0x2a: {  	[tilespmem:s19+$0x0] =	vst v0  }
0x2b: {  	[tilespmem:s19+$0xFFFFFFF0] =	vst v0  }
0x2c: {  	[tilespmem:s19+$0xFFFFFFE0] =	vst v0  }
0x2d: {  	[tilespmem:s19+$0xFFFFFFD0] =	vst v0  }
0x2e: {  	[tilespmem:s19+$0xFFFFFFC0] =	vst v0  }
0x2f: {  	[tilespmem:s19+$0xFFFFFFB0] =	vst v0  }
0x30: {  	s20 =	simm.s32 $0x0;
	[tilespmem:s19+$0xFFFFFFA0] =	vst v0  }
.LBB2_2:
0x31: {  	s20 =	sadd.s32 $0x10, s20;
	[tilespmem:s19+$0xFFFFFF90] =	vst v0;
	s19 =	sadd.s32 $0x100, s19  }
0x32: {  	[tilespmem:s19+$0xFFFFFF80] =	vst v0;
	p2 =	slt.u32 s20, $0xF0  }
0x33: {  	[tilespmem:s19+$0x70] =	vst v0  }
0x34: {  	[tilespmem:s19+$0x60] =	vst v0  }
0x35: {  	[tilespmem:s19+$0x50] =	vst v0  }
0x36: {  	[tilespmem:s19+$0x40] =	vst v0  }
0x37: {  	[tilespmem:s19+$0x30] =	vst v0  }
0x38: {  	[tilespmem:s19+$0x20] =	vst v0  }
0x39: {  	[tilespmem:s19+$0x10] =	vst v0  }
0x3a: {  	[tilespmem:s19+$0x0] =	vst v0  }
0x3b: {  	[tilespmem:s19+$0xFFFFFFF0] =	vst v0  }
.Ltmp0:
0x3c: {  	[tilespmem:s19+$0xFFFFFFE0] =	vst v0;
	(pc) =	sbr.rel @p2 .LBB2_2-.Ltmp0, $4  }
0x3d: {  	[tilespmem:s19+$0xFFFFFFD0] =	vst v0  }
0x3e: {  	[tilespmem:s19+$0xFFFFFFC0] =	vst v0  }
0x3f: {  	[tilespmem:s19+$0xFFFFFFB0] =	vst v0  }
0x40: {  	[tilespmem:s19+$0xFFFFFFA0] =	vst v0  }
0x41: {  	[tilespmem:s19+$0xFFFFFF90] =	vst v0;
	s19 =	simm.s32 $0x80  }
0x42: {  	v3 =	vld [tilespmem:s19+$0xFFFFFF80]  }
0x43: {  	v4 =	vld [tilespmem:s19+$0xFFFFFFB0]  }
0x44: {  	v5 =	vld [tilespmem:s19+$0x70]  }
0x45: {  	v8 =	vld [tilespmem:s19+$0x40]  }
0x46: {  	v6 =	vld [tilespmem:s19+$0x60]  }
0x47: {  	v7 =	vld [tilespmem:s19+$0x50]  }
0x48: {  	v9 =	vld [tilespmem:s19+$0x30]  }
0x49: {  	v10 =	vld [tilespmem:s19+$0x20];
	v5 =	vshrl.u32 v5, $0x13  }
0x4a: {  	v13 =	vld [tilespmem:s19+$0xFFFFFFF0];
	v8 =	vshrl.u32 v8, $0x13;
	v5 =	vand.u32 $0xFF0, v5  }
0x4b: {  	v16 =	vld [tilespmem:s19+$0xFFFFFFC0];
	v8 =	vand.u32 $0xFF0, v8;
	v5 =	vor.u32 v1, v5  }
0x4c: {  	v12 =	vld [tilespmem:s19+$0x0];
	v7 =	vshrl.u32 v7, $0x13;
	v8 =	vor.u32 v1, v8  }
0x4d: {  	v14 =	vld [tilespmem:s19+$0xFFFFFFE0];
	v6 =	vshrl.u32 v6, $0x13;
	v7 =	vand.u32 $0xFF0, v7  }
0x4e: {  	v15 =	vld [tilespmem:s19+$0xFFFFFFD0];
	v9 =	vshrl.u32 v9, $0x13;
	v6 =	vand.u32 $0xFF0, v6;
	v7 =	vor.u32 v1, v7  }
0x4f: {  	v60 =	vld [tilespmem:s19+$0xFFFFFFA0];
	v3 =	vshrl.u32 v3, $0x13;
	v13 =	vshrl.u32 v13, $0x13;
	v6 =	vor.u32 v1, v6  }
0x50: {  	v62 =	vshrl.u32 v16, $0x13;
	v9 =	vand.u32 $0xFF0, v9;
	[tilespmem:v5+s14+$0x0] =	vst.idx.add.f32.msk $0xffff, v2;
	v5 =	vshrl.u32 v10, $0x13  }
0x51: {  	v9 =	vor.u32 v1, v9;
	[tilespmem:v8+s14+$0x0] =	vst.idx.add.f32.msk $0xffff, v2;
	v8 =	vshrl.u32 v12, $0x13;
	v5 =	vand.u32 $0xFF0, v5  }
0x52: {  	v17 =	vld [tilespmem:s19+$0xFFFFFF90];
	v3 =	vand.u32 $0xFF0, v3;
	v8 =	vand.u32 $0xFF0, v8;
	v5 =	vor.u32 v1, v5  }
0x53: {  	v3 =	vor.u32 v1, v3;
	[tilespmem:v7+s14+$0x0] =	vst.idx.add.f32.msk $0xffff, v2;
	v7 =	vor.u32 v1, v8;
	v8 =	vand.u32 $0xFF0, v62  }
0x54: {  	v14 =	vshrl.u32 v14, $0x13;
	v13 =	vand.u32 $0xFF0, v13;
	[tilespmem:v6+s14+$0x0] =	vst.idx.add.f32.msk $0xffff, v2;
	v6 =	vor.u32 v1, v8  }
0x55: {  	v11 =	vld [tilespmem:s19+$0x10];
	v4 =	vshrl.u32 v4, $0x13;
	v61 =	vand.u32 $0xFF0, v14;
	v13 =	vor.u32 v1, v13  }
0x56: {  	v4 =	vand.u32 $0xFF0, v4;
	[tilespmem:v9+s14+$0x0] =	vst.idx.add.f32.msk $0xffff, v2;
	v12 =	vor.u32 v1, v61  }
0x57: {  	v8 =	vor.u32 v1, v4;
	v4 =	vshrl.u32 v15, $0x13;
	[tilespmem:v5+s14+$0x0] =	vst.idx.add.f32.msk $0xffff, v2;
	v5 =	vshrl.u32 v17, $0x13  }
0x58: {  	[tilespmem:v3+s14+$0x0] =	vst.idx.add.f32.msk $0xffff, v2;
	v63 =	vand.u32 $0xFF0, v4;
	v4 =	vand.u32 $0xFF0, v5;
	v5 =	vshrl.u32 v60, $0x13  }
0x59: {  	[tilespmem:v6+s14+$0x0] =	vst.idx.add.f32.msk $0xffff, v2;
	v6 =	vor.u32 v1, v63;
	v5 =	vand.u32 $0xFF0, v5  }
0x5a: {  	v3 =	vshrl.u32 v11, $0x13;
	[tilespmem:v13+s14+$0x0] =	vst.idx.add.f32.msk $0xffff, v2;
	v5 =	vor.u32 v1, v5  }
0x5b: {  	v3 =	vand.u32 $0xFF0, v3;
	[tilespmem:v12+s14+$0x0] =	vst.idx.add.f32.msk $0xffff, v2;
	v4 =	vor.u32 v1, v4  }
0x5c: {  	v3 =	vor.u32 v1, v3;
	[tilespmem:v7+s14+$0x0] =	vst.idx.add.f32.msk $0xffff, v2  }
0x5d: {  	s20 =	simm.s32 $0x0;
	[tilespmem:v8+s14+$0x0] =	vst.idx.add.f32.msk $0xffff, v2  }
.LBB2_4:
0x5e: {  	s20 =	sadd.s32 $0x10, s20;
	[tilespmem:v6+s14+$0x0] =	vst.idx.add.f32.msk $0xffff, v2;
	s19 =	sadd.s32 $0x100, s19  }
0x5f: {  	p2 =	slt.u32 s20, $0x11F0;
	[tilespmem:v5+s14+$0x0] =	vst.idx.add.f32.msk $0xffff, v2  }
0x60: {  	[tilespmem:v4+s14+$0x0] =	vst.idx.add.f32.msk $0xffff, v2  }
0x61: {  	[tilespmem:v3+s14+$0x0] =	vst.idx.add.f32.msk $0xffff, v2  }
0x62: {  	v3 =	vld [tilespmem:s19+$0xFFFFFF80]  }
0x63: {  	v4 =	vld [tilespmem:s19+$0xFFFFFFB0]  }
0x64: {  	v5 =	vld [tilespmem:s19+$0x70]  }
0x65: {  	v6 =	vld [tilespmem:s19+$0x60]  }
0x66: {  	v7 =	vld [tilespmem:s19+$0x50]  }
0x67: {  	v3 =	vshrl.u32 v3, $0x13;
	v8 =	vld [tilespmem:s19+$0x40]  }
0x68: {  	v3 =	vand.u32 $0xFF0, v3;
	v9 =	vld [tilespmem:s19+$0x30]  }
0x69: {  	v10 =	vld [tilespmem:s19+$0x20];
	v5 =	vshrl.u32 v5, $0x13  }
0x6a: {  	v11 =	vld [tilespmem:s19+$0x10];
	v6 =	vshrl.u32 v6, $0x13;
	v5 =	vand.u32 $0xFF0, v5  }
0x6b: {  	v12 =	vld [tilespmem:s19+$0x0];
	v7 =	vshrl.u32 v7, $0x13;
	v5 =	vor.u32 v1, v5  }
0x6c: {  	v3 =	vor.u32 v1, v3;
	v13 =	vld [tilespmem:s19+$0xFFFFFFF0];
	v8 =	vshrl.u32 v8, $0x13;
	v7 =	vand.u32 $0xFF0, v7  }
0x6d: {  	v6 =	vand.u32 $0xFF0, v6;
	v14 =	vld [tilespmem:s19+$0xFFFFFFE0];
	v9 =	vshrl.u32 v9, $0x13;
	v8 =	vand.u32 $0xFF0, v8  }
0x6e: {  	v15 =	vld [tilespmem:s19+$0xFFFFFFD0];
	v10 =	vshrl.u32 v10, $0x13;
	v9 =	vand.u32 $0xFF0, v9;
	v8 =	vor.u32 v1, v8  }
0x6f: {  	v16 =	vld [tilespmem:s19+$0xFFFFFFC0];
	v11 =	vshrl.u32 v11, $0x13;
	v10 =	vand.u32 $0xFF0, v10;
	v9 =	vor.u32 v1, v9  }
0x70: {  	v6 =	vor.u32 v1, v6;
	v7 =	vor.u32 v1, v7;
	[tilespmem:v5+s14+$0x0] =	vst.idx.add.f32.msk $0xffff, v2  }
0x71: {  	v12 =	vshrl.u32 v12, $0x13;
	v11 =	vand.u32 $0xFF0, v11;
	v5 =	vld [tilespmem:s19+$0xFFFFFFA0];
	v13 =	vshrl.u32 v13, $0x13  }
0x72: {  	v12 =	vand.u32 $0xFF0, v12;
	v17 =	vld [tilespmem:s19+$0xFFFFFF90];
	v14 =	vshrl.u32 v14, $0x13;
	v13 =	vand.u32 $0xFF0, v13  }
0x73: {  	v10 =	vor.u32 v1, v10;
	v14 =	vand.u32 $0xFF0, v14;
	v13 =	vor.u32 v1, v13;
	[tilespmem:v8+s14+$0x0] =	vst.idx.add.f32.msk $0xffff, v2  }
0x74: {  	v12 =	vor.u32 v1, v12;
	v8 =	vshrl.u32 v16, $0x13;
	v14 =	vor.u32 v1, v14;
	[tilespmem:v9+s14+$0x0] =	vst.idx.add.f32.msk $0xffff, v2  }
0x75: {  	v4 =	vshrl.u32 v4, $0x13;
	v9 =	vshrl.u32 v15, $0x13;
	v8 =	vand.u32 $0xFF0, v8;
	[tilespmem:v7+s14+$0x0] =	vst.idx.add.f32.msk $0xffff, v2  }
0x76: {  	v4 =	vand.u32 $0xFF0, v4;
	v7 =	vor.u32 v1, v8;
	v8 =	vand.u32 $0xFF0, v9;
	[tilespmem:v6+s14+$0x0] =	vst.idx.add.f32.msk $0xffff, v2  }
0x77: {  	v9 =	vor.u32 v1, v4;
	[tilespmem:v3+s14+$0x0] =	vst.idx.add.f32.msk $0xffff, v2;
	v6 =	vshrl.u32 v17, $0x13;
	v3 =	vor.u32 v1, v11  }
0x78: {  	v5 =	vshrl.u32 v5, $0x13;
	v4 =	vand.u32 $0xFF0, v6;
	[tilespmem:v10+s14+$0x0] =	vst.idx.add.f32.msk $0xffff, v2  }
.Ltmp1:
0x79: {  	v5 =	vand.u32 $0xFF0, v5;
	v6 =	vor.u32 v1, v8;
	v4 =	vor.u32 v1, v4;
	[tilespmem:v13+s14+$0x0] =	vst.idx.add.f32.msk $0xffff, v2;
	(pc) =	sbr.rel @p2 .LBB2_4-.Ltmp1, $4  }
0x7a: {  	v5 =	vor.u32 v1, v5;
	[tilespmem:v14+s14+$0x0] =	vst.idx.add.f32.msk $0xffff, v2  }
0x7b: {  	[tilespmem:v12+s14+$0x0] =	vst.idx.add.f32.msk $0xffff, v2  }
0x7c: {  	[tilespmem:v7+s14+$0x0] =	vst.idx.add.f32.msk $0xffff, v2  }
0x7d: {  	[tilespmem:v9+s14+$0x0] =	vst.idx.add.f32.msk $0xffff, v2  }
0x7e: {  	_ =	sdelay $0x3  }
0x7f: {  	[tilespmem:v6+s14+$0x0] =	vst.idx.add.f32.msk $0xffff, v2  }
0x80: {  	[tilespmem:v5+s14+$0x0] =	vst.idx.add.f32.msk $0xffff, v2  }
0x81: {  	[tilespmem:v4+s14+$0x0] =	vst.idx.add.f32.msk $0xffff, v2  }
0x82: {  	[tilespmem:v3+s14+$0x0] =	vst.idx.add.f32.msk $0xffff, v2  }
0x83: {  	[spmem:s4] =	stream.linear.scatter [tilespmem:s14], [sflag:$0x1], $0x1000, $0x38;
	[tilespmem:$0x15210] =	vst v63  }
.Ltmp2:
0x84: {  	_ =	swait.ge [sflag:s13], $0x1000;
	(pc) =	sbr.rel @!p1 .LBB2_6-.Ltmp2, $3  }
0x85: {  	[sflag:s13] =	ssyncset.done $0x0  }
0x86: {  	[sflag:s13] =	ssyncadd.s32 $0xFFFFF000  }
0x87: {  	[bflag:$0x0] =	sbarrier.arrive $0xFFFF;
	_ =	sdelay $0x1  }
0x88: {  	[tilespmem:s15], [sflag:$0x1] =	stream.linear.gather [spmem:s8], $0x1000, $0x38;
	[tilespmem:$0x15210] =	vst v63  }
0x89: {  	_ =	swait.ge [sflag:s13], $0x1000  }
0x8a: {  	[sflag:s13] =	ssyncset.done $0x0  }
0x8b: {  	s1 =	simm.s32 $0x12FF0;
	[sflag:s13] =	ssyncadd.s32 $0xFFFFF000  }
0x8c: {  	s20 =	simm.s32 $0x13FF0;
	v3 =	vld [tilespmem:s1+$0x0]  }
0x8d: {  	v4 =	vld [tilespmem:s20+$0x0];
	_ =	sdelay $0x3  }
0x8e: {  	(xrf2) =	vadd.scan.msk.f32 $0xffff, v3  }
0x8f: {  	(xrf2) =	vadd.scan.msk.f32 $0xffff, v4;
	_ =	sdelay $0x3  }
0x90: {  	v3 =	vld [tilespmem:$0x14080]  }
0x91: {  	v4 =	vld [tilespmem:s1+$0xFFFFFFF0]  }
0x92: {  	v5 =	vld [tilespmem:s20+$0xFFFFFFF0];
	_ =	sdelay $0x2  }
0x93: {  	(v2sf) =	vpush v3, $0x0;
	v3, _, _ =	vpop (xrf2)  }
0x94: {  	(xrf2) =	vadd.scan.msk.f32 $0xffff, v4;
	(v2sf) =	vpush v3, $0xF;
	v3, _, _ =	vpop (xrf2)  }
0x95: {  	(xrf2) =	vadd.scan.msk.f32 $0xffff, v5;
	(v2sf) =	vpush v3, $0xF  }
0x96: {  	v3 =	vld [tilespmem:s1+$0xFFFFFFE0]  }
0x97: {  	v4 =	vld [tilespmem:s20+$0xFFFFFFE0];
	_ =	sdelay $0x3  }
0x98: {  	(xrf2) =	vadd.scan.msk.f32 $0xffff, v3  }
0x99: {  	(xrf2) =	vadd.scan.msk.f32 $0xffff, v4;
	_ =	sdelay $0x1  }
0x9a: {  	v3, _, _ =	vpop (xrf2)  }
0x9b: {  	(v2sf) =	vpush v3, $0xF;
	v3, _, _ =	vpop (xrf2)  }
0x9c: {  	(v2sf) =	vpush v3, $0xF;
	v3 =	vld [tilespmem:s1+$0xFFFFFFD0]  }
0x9d: {  	v4 =	vld [tilespmem:s20+$0xFFFFFFD0]  }
0x9e: {  	s19 =	spop (v2sf)  }
0x9f: {  	s22 =	spop (v2sf)  }
0xa0: {  	s26 =	simm.s32 $0x12FB0;
	s23 =	spop (v2sf)  }
0xa1: {  	(xrf2) =	vadd.scan.msk.f32 $0xffff, v3;
	v3 =	vld [tilespmem:s26+$0x0];
	v5, _, _ =	vpop (xrf2);
	s1 =	sadd.f32 s23, s22;
	s23 =	simm.s32 $0x13FB0  }
0xa2: {  	(xrf2) =	vadd.scan.msk.f32 $0xffff, v4;
	(v2sf) =	vpush v5, $0xF;
	v5, _, _ =	vpop (xrf2);
	v4 =	vld [tilespmem:s23+$0x0]  }
0xa3: {  	(v2sf) =	vpush v5, $0xF;
	_ =	sdelay $0x2  }
0xa4: {  	(xrf2) =	vadd.scan.msk.f32 $0xffff, v3  }
0xa5: {  	s21 =	simm.f32 $0.0e+00;
	(xrf2) =	vadd.scan.msk.f32 $0xffff, v4  }
0xa6: {  	s1 =	sadd.f32 s1, s21;
	_ =	sdelay $0x1  }
0xa7: {  	p2 =	sgt.f32 s1, s19  }
0xa8: {  	p3 =	por $0x1, $0x1  }
0xa9: {  	p2 =	por !p3, !p2  }
0xaa: {  	s20 =	simm.s32 $0x0;
	s22 =	spop (v2sf);
	p2 =	por !p2, !p2  }
0xab: {  	s24 =	spop (v2sf);
	s20 =	simm.s32 @p2 $0x1;
	v3, _, _ =	vpop (xrf2)  }
0xac: {  	s22 =	sadd.f32 s24, s22;
	p3 =	sgt.s32 s20, $0x0;
	(v2sf) =	vpush v3, $0xF;
	v3, _, _ =	vpop (xrf2)  }
0xad: {  	v4 =	vld [tilespmem:s26+$0xFFFFFFF0];
	s1 =	smov.u32 @p3 s21;
	(v2sf) =	vpush v3, $0xF;
	v3, _, _ =	vpop (xrf2)  }
0xae: {  	v5 =	vld [tilespmem:s23+$0xFFFFFFF0];
	s30 =	sadd.f32 s1, s22;
	s24 =	spop (v2sf);
	(v2sf) =	vpush v3, $0xF;
	v3, _, _ =	vpop (xrf2)  }
0xaf: {  	s25 =	spop (v2sf);
	(v2sf) =	vpush v3, $0xF  }
0xb0: {  	p5 =	sgt.f32 s30, s19  }
0xb1: {  	p4 =	seq.s32 s20, $0x0  }
0xb2: {  	(xrf2) =	vadd.scan.msk.f32 $0xffff, v4;
	p3 =	por !p4, !p5  }
0xb3: {  	(xrf2) =	vadd.scan.msk.f32 $0xffff, v5;
	p3 =	por !p3, !p3;
	v3 =	vld [tilespmem:s26+$0xFFFFFFE0]  }
0xb4: {  	s20 =	simm.s32 @p3 $0x1  }
0xb5: {  	s22 =	sadd.f32 s25, s24;
	p4 =	sgt.s32 s20, $0x0  }
0xb6: {  	s30 =	smov.u32 @p4 s1  }
0xb7: {  	s29 =	sadd.f32 s30, s22  }
0xb8: {  	s25 =	ssub.f32 s19, s21;
	(xrf2) =	vadd.scan.msk.f32 $0xffff, v3;
	v3 =	vld [tilespmem:s23+$0xFFFFFFE0]  }
0xb9: {  	s1 =	ssub.f32 s19, s1;
	s22 =	simm.f32 $0.0e+00;
	p6 =	sgt.f32 s29, s19  }
0xba: {  	p5 =	seq.s32 s20, $0x0;
	s22 =	smov.u32 @p2 s25  }
0xbb: {  	s22 =	smov.u32 @p3 s1;
	p4 =	por !p5, !p6;
	s0 =	spop (v2sf)  }
0xbc: {  	s1 =	ssub.f32 s19, s30;
	v6, _, _ =	vpop (xrf2);
	p4 =	por !p4, !p4;
	s28 =	spop (v2sf)  }
0xbd: {  	s20 =	simm.s32 @p4 $0x1;
	s28 =	sadd.f32 s28, s0;
	(xrf2) =	vadd.scan.msk.f32 $0xffff, v3;
	v3, _, _ =	vpop (xrf2);
	s31 =	spop (v2sf);
	(v2sf) =	vpush v6, $0xF  }
0xbe: {  	v4 =	vld [tilespmem:s26+$0xFFFFFFD0];
	s22 =	smov.u32 @p4 s1;
	p5 =	sgt.s32 s20, $0x0;
	s1 =	spop (v2sf);
	(v2sf) =	vpush v3, $0xF  }
0xbf: {  	s29 =	smov.u32 @p5 s30  }
0xc0: {  	s28 =	sadd.f32 s29, s28  }
0xc1: {  	v5 =	vld [tilespmem:s23+$0xFFFFFFD0];
	s21 =	simm.s32 $0x0;
	s24 =	simm.s32 $0xFF  }
0xc2: {  	s26 =	simm.s32 $0xFE;
	s21 =	smov.u32 @p2 s24;
	p5 =	sgt.f32 s28, s19  }
0xc3: {  	s21 =	smov.u32 @p3 s26;
	s26 =	simm.s32 $0xFD;
	p6 =	seq.s32 s20, $0x0;
	(xrf2) =	vadd.scan.msk.f32 $0xffff, v4  }
0xc4: {  	s25 =	simm.s32 $0x4;
	s0 =	ssub.f32 s19, s29;
	p2 =	por !p6, !p5  }
0xc5: {  	s21 =	smov.u32 @p4 s26;
	s26 =	simm.s32 $0x12F70;
	p3 =	por !p2, !p2  }
0xc6: {  	s30 =	simm.s32 $0xFC;
	(xrf2) =	vadd.scan.msk.f32 $0xffff, v5;
	v3, _, _ =	vpop (xrf2);
	s22 =	smov.u32 @p3 s0;
	s20 =	simm.s32 @p3 $0x1  }
.LBB2_8:
0xc7: {  	v4 =	vld [tilespmem:s26+$0x0];
	s0 =	sadd.f32 s1, s31;
	(v2sf) =	vpush v3, $0xF;
	v3, _, _ =	vpop (xrf2);
	s21 =	smov.u32 @p3 s30;
	p2 =	sgt.s32 s20, $0x0  }
0xc8: {  	(v2sf) =	vpush v3, $0xF;
	s28 =	smov.u32 @p2 s29  }
0xc9: {  	s23 =	sadd.s32 $0xFFFFFFC0, s23;
	s29 =	sadd.f32 s0, s28  }
0xca: {  	s0 =	ssub.f32 s19, s28;
	v3 =	vld [tilespmem:s23+$0x0]  }
0xcb: {  	s25 =	sadd.s32 $0x4, s25;
	p3 =	sgt.f32 s29, s19  }
0xcc: {  	p4 =	seq.s32 s20, $0x0;
	p2 =	slt.u32 s25, $0xFC;
	(xrf2) =	vadd.scan.msk.f32 $0xffff, v4;
	s1 =	spop (v2sf)  }
0xcd: {  	p3 =	por !p4, !p3;
	s30 =	spop (v2sf);
	v4, _, _ =	vpop (xrf2)  }
0xce: {  	p3 =	por !p3, !p3;
	s1 =	sadd.f32 s30, s1  }
0xcf: {  	s24 =	sadd.s32 $0xFFFFFFFC, s24;
	v5 =	vld [tilespmem:s26+$0xFFFFFFF0];
	(xrf2) =	vadd.scan.msk.f32 $0xffff, v3;
	s22 =	smov.u32 @p3 s0;
	s20 =	simm.s32 @p3 $0x1  }
0xd0: {  	s21 =	smov.u32 @p3 s24;
	p4 =	sgt.s32 s20, $0x0;
	p3 =	seq.s32 s20, $0x0;
	(v2sf) =	vpush v4, $0xF;
	v3, _, _ =	vpop (xrf2)  }
0xd1: {  	s29 =	smov.u32 @p4 s28;
	(v2sf) =	vpush v3, $0xF  }
0xd2: {  	v3 =	vld [tilespmem:s23+$0xFFFFFFF0];
	s0 =	sadd.f32 s29, s1  }
0xd3: {  	s1 =	ssub.f32 s19, s29  }
0xd4: {  	(xrf2) =	vadd.scan.msk.f32 $0xffff, v5;
	p4 =	sgt.f32 s0, s19;
	_ =	sdelay $0x1  }
0xd5: {  	v4, _, _ =	vpop (xrf2);
	p3 =	por !p3, !p4;
	s28 =	spop (v2sf)  }
0xd6: {  	(xrf2) =	vadd.scan.msk.f32 $0xffff, v3;
	p3 =	por !p3, !p3;
	s30 =	spop (v2sf)  }
0xd7: {  	s31 =	sadd.s32 $0xFFFFFFFF, s24;
	s22 =	smov.u32 @p3 s1;
	s20 =	simm.s32 @p3 $0x1  }
0xd8: {  	s21 =	smov.u32 @p3 s31;
	s1 =	sadd.f32 s30, s28;
	v3 =	vld [tilespmem:s26+$0xFFFFFFE0];
	(v2sf) =	vpush v4, $0xF;
	v4, _, _ =	vpop (xrf2);
	p3 =	sgt.s32 s20, $0x0  }
0xd9: {  	(v2sf) =	vpush v4, $0xF;
	s0 =	smov.u32 @p3 s29  }
0xda: {  	s29 =	sadd.f32 s0, s1  }
0xdb: {  	s1 =	ssub.f32 s19, s0;
	v4 =	vld [tilespmem:s23+$0xFFFFFFE0]  }
0xdc: {  	p3 =	sgt.f32 s29, s19  }
0xdd: {  	p4 =	seq.s32 s20, $0x0;
	v5, _, _ =	vpop (xrf2);
	(xrf2) =	vadd.scan.msk.f32 $0xffff, v3  }
0xde: {  	p3 =	por !p4, !p3;
	s28 =	spop (v2sf)  }
0xdf: {  	p3 =	por !p3, !p3;
	s30 =	spop (v2sf)  }
0xe0: {  	s31 =	sadd.s32 $0xFFFFFFFE, s24;
	(v2sf) =	vpush v5, $0xF;
	v3, _, _ =	vpop (xrf2);
	(xrf2) =	vadd.scan.msk.f32 $0xffff, v4;
	s22 =	smov.u32 @p3 s1;
	s20 =	simm.s32 @p3 $0x1  }
0xe1: {  	s21 =	smov.u32 @p3 s31;
	s1 =	sadd.f32 s30, s28;
	v4 =	vld [tilespmem:s26+$0xFFFFFFD0];
	(v2sf) =	vpush v3, $0xF;
	p3 =	sgt.s32 s20, $0x0  }
0xe2: {  	s29 =	smov.u32 @p3 s0  }
0xe3: {  	s28 =	sadd.f32 s29, s1  }
0xe4: {  	s0 =	ssub.f32 s19, s29;
	v5 =	vld [tilespmem:s23+$0xFFFFFFD0]  }
.Ltmp3:
0xe5: {  	p3 =	sgt.f32 s28, s19;
	(pc) =	sbr.rel @p2 .LBB2_8-.Ltmp3, $4  }
0xe6: {  	p4 =	seq.s32 s20, $0x0;
	(xrf2) =	vadd.scan.msk.f32 $0xffff, v4  }
0xe7: {  	s31 =	spop (v2sf);
	v3, _, _ =	vpop (xrf2);
	p3 =	por !p4, !p3  }
0xe8: {  	s26 =	sadd.s32 $0xFFFFFFC0, s26;
	s1 =	spop (v2sf);
	p3 =	por !p3, !p3  }
0xe9: {  	s30 =	sadd.s32 $0xFFFFFFFD, s24;
	(xrf2) =	vadd.scan.msk.f32 $0xffff, v5;
	s22 =	smov.u32 @p3 s0;
	s20 =	simm.s32 @p3 $0x1  }
0xea: {  	s0 =	sadd.f32 s1, s31;
	p2 =	sgt.s32 s20, $0x0  }
0xeb: {  	(v2sf) =	vpush v3, $0xF;
	v3, _, _ =	vpop (xrf2);
	s28 =	smov.u32 @p2 s29  }
0xec: {  	(v2sf) =	vpush v3, $0xF;
	s0 =	sadd.f32 s0, s28;
	_ =	sdelay $0x1  }
0xed: {  	p5 =	sgt.f32 s0, s19  }
0xee: {  	p4 =	seq.s32 s20, $0x0  }
0xef: {  	p2 =	por !p4, !p5  }
0xf0: {  	s26 =	spop (v2sf);
	p2 =	por !p2, !p2  }
0xf1: {  	s23 =	spop (v2sf);
	s20 =	simm.s32 @p2 $0x1  }
0xf2: {  	v3, _, _ =	vpop (xrf2);
	s1 =	sadd.f32 s23, s26;
	p4 =	sgt.s32 s20, $0x0  }
0xf3: {  	(v2sf) =	vpush v3, $0xF;
	v3, _, _ =	vpop (xrf2);
	s0 =	smov.u32 @p4 s28  }
0xf4: {  	(v2sf) =	vpush v3, $0xF;
	s1 =	sadd.f32 s0, s1;
	_ =	sdelay $0x1  }
0xf5: {  	p6 =	sgt.f32 s1, s19  }
0xf6: {  	p5 =	seq.s32 s20, $0x0  }
0xf7: {  	p4 =	por !p5, !p6  }
0xf8: {  	s29 =	spop (v2sf);
	p4 =	por !p4, !p4  }
0xf9: {  	s25 =	spop (v2sf);
	s20 =	simm.s32 @p4 $0x1  }
0xfa: {  	s23 =	sadd.f32 s25, s29;
	p5 =	sgt.s32 s20, $0x0  }
0xfb: {  	s1 =	smov.u32 @p5 s0  }
0xfc: {  	s23 =	sadd.f32 s1, s23;
	_ =	sdelay $0x1  }
0xfd: {  	p5 =	sgt.f32 s23, s19  }
0xfe: {  	p6 =	seq.s32 s20, $0x0  }
0xff: {  	p5 =	por !p6, !p5  }
0x100: {  	s31 =	spop (v2sf);
	p5 =	por !p5, !p5  }
0x101: {  	s26 =	spop (v2sf);
	s20 =	simm.s32 @p5 $0x1  }
0x102: {  	s25 =	sadd.f32 s26, s31;
	p6 =	sgt.s32 s20, $0x0  }
0x103: {  	s26 =	ssub.f32 s19, s28;
	s23 =	smov.u32 @p6 s1  }
0x104: {  	s21 =	smov.u32 @p3 s30;
	s24 =	sadd.s32 $0xFFFFFFFC, s24;
	s25 =	sadd.f32 s23, s25  }
0x105: {  	s21 =	smov.u32 @p2 s24;
	s0 =	ssub.f32 s19, s0  }
0x106: {  	s22 =	smov.u32 @p2 s26;
	s26 =	sadd.s32 $0xFFFFFFFF, s24;
	p3 =	sgt.f32 s25, s19  }
0x107: {  	p6 =	seq.s32 s20, $0x0;
	s22 =	smov.u32 @p4 s0;
	s0 =	ssub.f32 s19, s1  }
0x108: {  	s21 =	smov.u32 @p4 s26;
	s1 =	ssub.f32 s19, s23;
	p2 =	por !p6, !p3  }
0x109: {  	s19 =	sadd.s32 $0xFFFFFFFE, s24;
	s22 =	smov.u32 @p5 s0;
	p2 =	por !p2, !p2  }
0x10a: {  	s0 =	sadd.s32 $0xFFFFFFFD, s24;
	s21 =	smov.u32 @p5 s19;
	s22 =	smov.u32 @p2 s1  }
0x10b: {  	s21 =	smov.u32 @p2 s0;
	v3 =	vmov s22  }
0x10c: {  	[tilespmem:$0x14080] =	vst v3;
	v3 =	vmov s21  }
0x10d: {  	[tilespmem:$0x14000] =	vst v3  }
0x10e: {  	[spmem:s5] =	stream.linear.scatter [tilespmem:s16], [sflag:$0x1], $0x10, $0x38;
	[tilespmem:$0x15210] =	vst v63  }
.Ltmp4:
0x10f: {  	_ =	swait.ge [sflag:s13], $0x10;
	(pc) =	sbr.rel .LBB2_10-.Ltmp4, $3  }
0x110: {  	[sflag:s13] =	ssyncset.done $0x0  }
0x111: {  	[sflag:s13] =	ssyncadd.s32 $0xFFFFFFF0  }
0x112: {  	[bflag:$0x0] =	sbarrier.arrive $0xFFFF;
	_ =	sdelay $0x1  }
.LBB2_6:
0x113: {  	[bflag:$0x0] =	sbarrier.arrive $0xFFFF  }
0x114: {  	[tilespmem:s16], [sflag:$0x1] =	stream.linear.gather [spmem:s7], $0x10, $0x38;
	[tilespmem:$0x15210] =	vst v63  }
0x115: {  	_ =	swait.ge [sflag:s13], $0x10  }
0x116: {  	[sflag:s13] =	ssyncset.done $0x0  }
0x117: {  	[sflag:s13] =	ssyncadd.s32 $0xFFFFFFF0  }
.LBB2_10:
0x118: {  	s19 =	simm.s32 $0x12080  }
0x119: {  	[tilespmem:s19+$0xFFFFFF80] =	vst v0  }
0x11a: {  	[tilespmem:s19+$0x70] =	vst v0  }
0x11b: {  	[tilespmem:s19+$0x60] =	vst v0  }
0x11c: {  	[tilespmem:s19+$0x50] =	vst v0  }
0x11d: {  	[tilespmem:s19+$0x40] =	vst v0  }
0x11e: {  	[tilespmem:s19+$0x30] =	vst v0  }
0x11f: {  	[tilespmem:s19+$0x20] =	vst v0  }
0x120: {  	[tilespmem:s19+$0x10] =	vst v0  }
0x121: {  	[tilespmem:s19+$0x0] =	vst v0  }
0x122: {  	[tilespmem:s19+$0xFFFFFFF0] =	vst v0  }
0x123: {  	[tilespmem:s19+$0xFFFFFFE0] =	vst v0  }
0x124: {  	[tilespmem:s19+$0xFFFFFFD0] =	vst v0  }
0x125: {  	[tilespmem:s19+$0xFFFFFFC0] =	vst v0  }
0x126: {  	[tilespmem:s19+$0xFFFFFFB0] =	vst v0  }
0x127: {  	s20 =	simm.s32 $0x0;
	[tilespmem:s19+$0xFFFFFFA0] =	vst v0  }
.LBB2_11:
0x128: {  	s20 =	sadd.s32 $0x10, s20;
	[tilespmem:s19+$0xFFFFFF90] =	vst v0;
	s19 =	sadd.s32 $0x100, s19  }
0x129: {  	[tilespmem:s19+$0xFFFFFF80] =	vst v0;
	p2 =	slt.u32 s20, $0xF0  }
0x12a: {  	[tilespmem:s19+$0x70] =	vst v0  }
0x12b: {  	[tilespmem:s19+$0x60] =	vst v0  }
0x12c: {  	[tilespmem:s19+$0x50] =	vst v0  }
0x12d: {  	[tilespmem:s19+$0x40] =	vst v0  }
0x12e: {  	[tilespmem:s19+$0x30] =	vst v0  }
0x12f: {  	[tilespmem:s19+$0x20] =	vst v0  }
0x130: {  	[tilespmem:s19+$0x10] =	vst v0  }
0x131: {  	[tilespmem:s19+$0x0] =	vst v0  }
0x132: {  	[tilespmem:s19+$0xFFFFFFF0] =	vst v0  }
.Ltmp5:
0x133: {  	[tilespmem:s19+$0xFFFFFFE0] =	vst v0;
	(pc) =	sbr.rel @p2 .LBB2_11-.Ltmp5, $4  }
0x134: {  	[tilespmem:s19+$0xFFFFFFD0] =	vst v0  }
0x135: {  	[tilespmem:s19+$0xFFFFFFC0] =	vst v0  }
0x136: {  	[tilespmem:s19+$0xFFFFFFB0] =	vst v0  }
0x137: {  	[tilespmem:s19+$0xFFFFFFA0] =	vst v0  }
0x138: {  	[tilespmem:s19+$0xFFFFFF90] =	vst v0;
	s20 =	simm.s32 $0x80  }
0x139: {  	v4 =	vld [tilespmem:s20+$0x30]  }
0x13a: {  	v3 =	vld.msk [tilespmem:$0x14000 ss:$0x0], $0xffff  }
0x13b: {  	v5 =	vld [tilespmem:s20+$0x50]  }
0x13c: {  	v15 =	vld [tilespmem:s20+$0xFFFFFFD0]  }
0x13d: {  	v19 =	vld [tilespmem:s20+$0xFFFFFFB0]  }
0x13e: {  	v11 =	vld [tilespmem:s20+$0xFFFFFFF0]  }
0x13f: {  	v6 =	vld [tilespmem:s20+$0x60]  }
0x140: {  	v9 =	vld [tilespmem:s20+$0x10]  }
0x141: {  	v7 =	vshrl.u32 v4, $0x17;
	v4 =	vshrl.u32 v4, $0xB;
	v22 =	vshrl.u32 v15, $0x17  }
0x142: {  	v12 =	vld [tilespmem:s20+$0xFFFFFFE0];
	v14 =	vshrl.u32 v19, $0xB;
	v7 =	vand.u32 $0xFF, v7;
	v4 =	vand.u32 $0xFF0, v4  }
0x143: {  	v23 =	vand.u32 $0xFF0, v14;
	v14 =	vshrl.u32 v11, $0x17;
	vm0 =	veq.s32 v7, v3  }
0x144: {  	v7 =	vshrl.u32 v5, $0xB;
	v5 =	vshrl.u32 v5, $0x17;
	v18 =	vor.u32 v1, v4  }
0x145: {  	v21 =	vld [tilespmem:s20+$0xFFFFFF90];
	v4 =	vshrl.u32 v9, $0x17;
	v10 =	vand.u32 $0xFF0, v7;
	v7 =	vshrl.u32 v6, $0x17  }
0x146: {  	v8 =	vld [tilespmem:s20+$0x0];
	v5 =	vand.u32 $0xFF, v5;
	v6 =	vshrl.u32 v6, $0xB;
	v13 =	vand.u32 $0xFF, v4  }
0x147: {  	v4 =	vshrl.u32 v12, $0xB;
	v12 =	vshrl.u32 v12, $0x17;
	v7 =	vand.u32 $0xFF, v7  }
0x148: {  	v16 =	vld [tilespmem:s20+$0xFFFFFFC0];
	vm2 =	veq.s32 v5, v3;
	v5 =	vand.u32 $0xFF0, v6;
	v6 =	vshrl.u32 v11, $0xB  }
0x149: {  	v4 =	vand.u32 $0xFF0, v4;
	vm3 =	veq.s32 v13, v3;
	v11 =	vshrl.u32 v15, $0xB  }
0x14a: {  	v20 =	vld [tilespmem:s20+$0xFFFFFFA0];
	v15 =	vshrl.u32 v21, $0xB;
	vm1 =	veq.s32 v7, v3;
	v17 =	vor.u32 v1, v5  }
0x14b: {  	v7 =	vshrl.u32 v8, $0x17;
	v5 =	vshrl.u32 v9, $0xB;
	v9 =	vor.u32 v1, v10  }
0x14c: {  	v8 =	vshrl.u32 v8, $0xB;
	v15 =	vand.u32 $0xFF0, v15;
	v62 =	vand.u32 $0xFF0, v11  }
0x14d: {  	v5 =	vand.u32 $0xFF0, v5;
	v10 =	vand.u32 $0xFF0, v8;
	v8 =	vshrl.u32 v16, $0xB  }
0x14e: {  	v11 =	vor.u32 v1, v15;
	v15 =	vld [tilespmem:s20+$0x20];
	v13 =	vand.u32 $0xFF0, v8;
	v8 =	vor.u32 v1, v5  }
0x14f: {  	v63 =	vand.u32 $0xFF, v12;
	v12 =	vand.u32 $0xFF, v22;
	v5 =	vshrl.u32 v20, $0x17;
	[tilespmem:v18+s14+$0x0] =	vst.idx.add.f32.msk vm0, v2  }
0x150: {  	v6 =	vand.u32 $0xFF0, v6;
	v4 =	vor.u32 v1, v4;
	v24 =	vand.u32 $0xFF, v5;
	[tilespmem:v9+s14+$0x0] =	vst.idx.add.f32.msk vm2, v2  }
0x151: {  	v5 =	vor.u32 v1, v23;
	v18 =	vshrl.u32 v20, $0xB;
	vm0 =	veq.s32 v12, v3;
	[tilespmem:v17+s14+$0x0] =	vst.idx.add.f32.msk vm1, v2  }
0x152: {  	v12 =	vand.u32 $0xFF0, v18;
	v9 =	vshrl.u32 v21, $0x17;
	vm2 =	veq.s32 v24, v3;
	v17 =	vld [tilespmem:s20+$0xFFFFFF80]  }
0x153: {  	v12 =	vor.u32 v1, v12;
	v9 =	vand.u32 $0xFF, v9;
	[tilespmem:v8+s14+$0x0] =	vst.idx.add.f32.msk vm3, v2;
	v8 =	vshrl.u32 v19, $0x17  }
0x154: {  	v18 =	vld [tilespmem:s20+$0x70];
	vm4 =	veq.s32 v9, v3;
	v9 =	vshrl.u32 v16, $0x17;
	v16 =	vand.u32 $0xFF, v8  }
0x155: {  	s19 =	simm.s32 $0x0;
	vm3 =	veq.s32 v63, v3;
	v8 =	vor.u32 v1, v62;
	vm1 =	veq.s32 v16, v3;
	v16 =	vld [tilespmem:s20+$0x40];
	s20 =	simm.s32 $0x180  }
.LBB2_13:
0x156: {  	v19 =	vld [tilespmem:s20+$0x30];
	s19 =	sadd.s32 $0x10, s19;
	v9 =	vand.u32 $0xFF, v9;
	v14 =	vand.u32 $0xFF, v14;
	v7 =	vand.u32 $0xFF, v7  }
0x157: {  	v13 =	vor.u32 v1, v13;
	v20 =	vld [tilespmem:s20+$0xFFFFFF90];
	p2 =	slt.u32 s19, $0x11F0;
	vm7 =	veq.s32 v9, v3;
	v21 =	vshrl.u32 v15, $0x17  }
0x158: {  	vm6 =	veq.s32 v14, v3;
	vm10 =	veq.s32 v7, v3;
	v9 =	vld [tilespmem:s20+$0xFFFFFFA0];
	v22 =	vshrl.u32 v17, $0xB  }
0x159: {  	v7 =	vshrl.u32 v17, $0x17;
	v23 =	vld [tilespmem:s20+$0xFFFFFFB0];
	v14 =	vshrl.u32 v18, $0x17;
	v17 =	vshrl.u32 v18, $0xB  }
0x15a: {  	v6 =	vor.u32 v1, v6;
	v10 =	vor.u32 v1, v10;
	v7 =	vand.u32 $0xFF, v7;
	v18 =	vld [tilespmem:s20+$0x50]  }
0x15b: {  	v15 =	vshrl.u32 v15, $0xB;
	v24 =	vld [tilespmem:s20+$0xFFFFFFC0];
	v25 =	vshrl.u32 v19, $0x17;
	v19 =	vshrl.u32 v19, $0xB  }
0x15c: {  	v27 =	vshrl.u32 v16, $0xB;
	v14 =	vand.u32 $0xFF, v14;
	v26 =	vld [tilespmem:s20+$0xFFFFFFD0];
	v19 =	vand.u32 $0xFF0, v19  }
0x15d: {  	v16 =	vshrl.u32 v16, $0x17;
	v27 =	vand.u32 $0xFF0, v27;
	v25 =	vand.u32 $0xFF, v25;
	v28 =	vld [tilespmem:s20+$0x60]  }
0x15e: {  	v17 =	vand.u32 $0xFF0, v17;
	vm5 =	veq.s32 v25, v3;
	v25 =	vor.u32 v1, v27;
	v29 =	vld [tilespmem:s20+$0xFFFFFFE0]  }
0x15f: {  	v22 =	vand.u32 $0xFF0, v22;
	vm8 =	veq.s32 v7, v3;
	vm11 =	veq.s32 v14, v3;
	v27 =	vld [tilespmem:s20+$0x0]  }
0x160: {  	v16 =	vand.u32 $0xFF, v16;
	v17 =	vor.u32 v1, v17;
	v7 =	vshrl.u32 v18, $0xB;
	v14 =	vld [tilespmem:s20+$0xFFFFFFF0]  }
0x161: {  	v18 =	vshrl.u32 v18, $0x17;
	v30 =	vand.u32 $0xFF0, v7;
	[tilespmem:v11+s14+$0x0] =	vst.idx.add.f32.msk vm4, v2;
	vm4 =	veq.s32 v16, v3  }
0x162: {  	v7 =	vand.u32 $0xFF, v18;
	v11 =	vld [tilespmem:s20+$0x10];
	v16 =	vshrl.u32 v28, $0x17;
	v18 =	vshrl.u32 v28, $0xB  }
0x163: {  	vm9 =	veq.s32 v7, v3;
	v7 =	vand.u32 $0xFF, v16;
	v16 =	vand.u32 $0xFF0, v18;
	[tilespmem:v10+s14+$0x0] =	vst.idx.add.f32.msk vm10, v2  }
0x164: {  	vm10 =	veq.s32 v7, v3;
	v16 =	vor.u32 v1, v16;
	[tilespmem:v13+s14+$0x0] =	vst.idx.add.f32.msk vm7, v2;
	v7 =	vand.u32 $0xFF, v21  }
0x165: {  	v18 =	vor.u32 v1, v19;
	v10 =	vand.u32 $0xFF0, v15;
	[tilespmem:v12+s14+$0x0] =	vst.idx.add.f32.msk vm2, v2;
	vm2 =	veq.s32 v7, v3  }
0x166: {  	v15 =	vor.u32 v1, v10;
	v7 =	vshrl.u32 v27, $0x17;
	v12 =	vor.u32 v1, v22;
	[tilespmem:v6+s14+$0x0] =	vst.idx.add.f32.msk vm6, v2  }
0x167: {  	v6 =	vshrl.u32 v11, $0x17;
	v10 =	vshrl.u32 v11, $0xB;
	v11 =	vor.u32 v1, v30;
	[tilespmem:v8+s14+$0x0] =	vst.idx.add.f32.msk vm0, v2  }
0x168: {  	v8 =	vshrl.u32 v14, $0xB;
	v13 =	vand.u32 $0xFF, v6;
	v19 =	vand.u32 $0xFF0, v10;
	[tilespmem:v4+s14+$0x0] =	vst.idx.add.f32.msk vm3, v2  }
0x169: {  	v4 =	vshrl.u32 v29, $0xB;
	v6 =	vand.u32 $0xFF0, v8;
	v8 =	vshrl.u32 v27, $0xB;
	[tilespmem:v5+s14+$0x0] =	vst.idx.add.f32.msk vm1, v2  }
0x16a: {  	v21 =	vshrl.u32 v26, $0x17;
	v4 =	vand.u32 $0xFF0, v4;
	v10 =	vand.u32 $0xFF0, v8;
	[tilespmem:v17+s14+$0x0] =	vst.idx.add.f32.msk vm11, v2  }
0x16b: {  	v5 =	vshrl.u32 v24, $0xB;
	vm0 =	veq.s32 v13, v3;
	v4 =	vor.u32 v1, v4;
	[tilespmem:v12+s14+$0x0] =	vst.idx.add.f32.msk vm8, v2  }
0x16c: {  	v8 =	vshrl.u32 v23, $0xB;
	v13 =	vand.u32 $0xFF0, v5;
	v12 =	vor.u32 v1, v19;
	[tilespmem:v15+s14+$0x0] =	vst.idx.add.f32.msk vm2, v2  }
0x16d: {  	v14 =	vshrl.u32 v14, $0x17;
	v5 =	vshrl.u32 v9, $0x17;
	v8 =	vand.u32 $0xFF0, v8;
	[tilespmem:v25+s14+$0x0] =	vst.idx.add.f32.msk vm4, v2  }
0x16e: {  	v15 =	vand.u32 $0xFF, v5;
	v5 =	vor.u32 v1, v8;
	v8 =	vshrl.u32 v26, $0xB;
	[tilespmem:v11+s14+$0x0] =	vst.idx.add.f32.msk vm9, v2  }
0x16f: {  	v17 =	vshrl.u32 v20, $0xB;
	v19 =	vshrl.u32 v29, $0x17;
	v11 =	vshrl.u32 v20, $0x17;
	[tilespmem:v16+s14+$0x0] =	vst.idx.add.f32.msk vm10, v2  }
0x170: {  	v8 =	vand.u32 $0xFF0, v8;
	v11 =	vand.u32 $0xFF, v11;
	v16 =	vand.u32 $0xFF0, v17;
	[tilespmem:v18+s14+$0x0] =	vst.idx.add.f32.msk vm5, v2  }
.Ltmp6:
0x171: {  	vm4 =	veq.s32 v11, v3;
	v11 =	vor.u32 v1, v16;
	v16 =	vand.u32 $0xFF, v19;
	[tilespmem:v12+s14+$0x0] =	vst.idx.add.f32.msk vm0, v2;
	(pc) =	sbr.rel @p2 .LBB2_13-.Ltmp6, $4  }
0x172: {  	vm2 =	veq.s32 v15, v3;
	v18 =	vand.u32 $0xFF, v21;
	v12 =	vshrl.u32 v23, $0x17;
	v15 =	vld [tilespmem:s20+$0x20]  }
0x173: {  	v19 =	vshrl.u32 v9, $0xB;
	v9 =	vshrl.u32 v24, $0x17;
	vm0 =	veq.s32 v18, v3;
	v17 =	vld [tilespmem:s20+$0xFFFFFF80]  }
0x174: {  	v8 =	vor.u32 v1, v8;
	v19 =	vand.u32 $0xFF0, v19;
	v20 =	vand.u32 $0xFF, v12;
	v18 =	vld [tilespmem:s20+$0x70]  }
0x175: {  	vm3 =	veq.s32 v16, v3;
	v12 =	vor.u32 v1, v19;
	vm1 =	veq.s32 v20, v3;
	v16 =	vld [tilespmem:s20+$0x40];
	s20 =	sadd.s32 $0x100, s20  }
0x176: {  	v7 =	vand.u32 $0xFF, v7;
	v9 =	vand.u32 $0xFF, v9  }
0x177: {  	v46 =	vor.u32 v1, v10;
	v47 =	vand.u32 $0xFF, v14;
	v48 =	vor.u32 v1, v13  }
0x178: {  	v6 =	vor.u32 v1, v6;
	vm5 =	veq.s32 v7, v3;
	vm6 =	veq.s32 v9, v3  }
0x179: {  	v49 =	vshrl.u32 v15, $0x17;
	vm7 =	veq.s32 v47, v3;
	v54 =	vshrl.u32 v15, $0xB  }
0x17a: {  	v50 =	vshrl.u32 v17, $0xB;
	v51 =	vshrl.u32 v17, $0x17;
	v61 =	vand.u32 $0xFF, v49  }
0x17b: {  	[tilespmem:v11+s14+$0x0] =	vst.idx.add.f32.msk vm4, v2;
	v62 =	vand.u32 $0xFF0, v54;
	v52 =	vshrl.u32 v18, $0x17;
	v53 =	vshrl.u32 v18, $0xB  }
0x17c: {  	[tilespmem:v12+s14+$0x0] =	vst.idx.add.f32.msk vm2, v2;
	v9 =	vand.u32 $0xFF, v51;
	v58 =	vand.u32 $0xFF0, v50;
	vm14 =	veq.s32 v61, v3  }
0x17d: {  	[tilespmem:v8+s14+$0x0] =	vst.idx.add.f32.msk vm0, v2;
	v55 =	vand.u32 $0xFF, v52;
	v56 =	vshrl.u32 v16, $0x17;
	vm12 =	veq.s32 v9, v3  }
0x17e: {  	[tilespmem:v4+s14+$0x0] =	vst.idx.add.f32.msk vm3, v2;
	v57 =	vand.u32 $0xFF0, v53;
	v7 =	vor.u32 v1, v58;
	vm13 =	veq.s32 v55, v3  }
0x17f: {  	[tilespmem:v5+s14+$0x0] =	vst.idx.add.f32.msk vm1, v2;
	v19 =	vshrl.u32 v16, $0xB;
	v59 =	vand.u32 $0xFF, v56;
	v60 =	vor.u32 v1, v57  }
0x180: {  	v63 =	vand.u32 $0xFF0, v19;
	vm15 =	veq.s32 v59, v3;
	v3 =	vor.u32 v1, v62;
	[tilespmem:v46+s14+$0x0] =	vst.idx.add.f32.msk vm5, v2  }
0x181: {  	[tilespmem:v6+s14+$0x0] =	vst.idx.add.f32.msk vm7, v2;
	v6 =	vor.u32 v1, v63  }
0x182: {  	[tilespmem:v48+s14+$0x0] =	vst.idx.add.f32.msk vm6, v2  }
0x183: {  	[tilespmem:v7+s14+$0x0] =	vst.idx.add.f32.msk vm12, v2  }
0x184: {  	[tilespmem:v60+s14+$0x0] =	vst.idx.add.f32.msk vm13, v2  }
0x185: {  	[tilespmem:v3+s14+$0x0] =	vst.idx.add.f32.msk vm14, v2  }
0x186: {  	[tilespmem:v6+s14+$0x0] =	vst.idx.add.f32.msk vm15, v2  }
0x187: {  	[spmem:s4] =	stream.linear.scatter [tilespmem:s14], [sflag:$0x1], $0x1000, $0x38;
	[tilespmem:$0x15210] =	vst v63  }
.Ltmp7:
0x188: {  	_ =	swait.ge [sflag:s13], $0x1000;
	(pc) =	sbr.rel @!p1 .LBB2_15-.Ltmp7, $3  }
0x189: {  	[sflag:s13] =	ssyncset.done $0x0  }
0x18a: {  	[sflag:s13] =	ssyncadd.s32 $0xFFFFF000  }
0x18b: {  	[bflag:$0x0] =	sbarrier.arrive $0xFFFF;
	_ =	sdelay $0x1  }
0x18c: {  	[tilespmem:s15], [sflag:$0x1] =	stream.linear.gather [spmem:s8], $0x1000, $0x38;
	[tilespmem:$0x15210] =	vst v63  }
0x18d: {  	_ =	swait.ge [sflag:s13], $0x1000  }
0x18e: {  	[sflag:s13] =	ssyncset.done $0x0  }
0x18f: {  	s0 =	simm.s32 $0x12FF0;
	[sflag:s13] =	ssyncadd.s32 $0xFFFFF000  }
0x190: {  	s1 =	simm.s32 $0x13FF0;
	v3 =	vld [tilespmem:s0+$0x0]  }
0x191: {  	v4 =	vld [tilespmem:s1+$0x0];
	_ =	sdelay $0x3  }
0x192: {  	(xrf2) =	vadd.scan.msk.f32 $0xffff, v3  }
0x193: {  	(xrf2) =	vadd.scan.msk.f32 $0xffff, v4;
	_ =	sdelay $0x3  }
0x194: {  	v3 =	vld [tilespmem:$0x14080]  }
0x195: {  	v4 =	vld [tilespmem:s0+$0xFFFFFFF0]  }
0x196: {  	v5 =	vld [tilespmem:s1+$0xFFFFFFF0];
	_ =	sdelay $0x2  }
0x197: {  	(v2sf) =	vpush v3, $0x0;
	v3, _, _ =	vpop (xrf2)  }
0x198: {  	(xrf2) =	vadd.scan.msk.f32 $0xffff, v4;
	(v2sf) =	vpush v3, $0xF;
	v3, _, _ =	vpop (xrf2)  }
0x199: {  	(xrf2) =	vadd.scan.msk.f32 $0xffff, v5;
	(v2sf) =	vpush v3, $0xF  }
0x19a: {  	v3 =	vld [tilespmem:s0+$0xFFFFFFE0]  }
0x19b: {  	v4 =	vld [tilespmem:s1+$0xFFFFFFE0];
	_ =	sdelay $0x3  }
0x19c: {  	(xrf2) =	vadd.scan.msk.f32 $0xffff, v3  }
0x19d: {  	(xrf2) =	vadd.scan.msk.f32 $0xffff, v4;
	_ =	sdelay $0x1  }
0x19e: {  	v3, _, _ =	vpop (xrf2)  }
0x19f: {  	(v2sf) =	vpush v3, $0xF;
	v3, _, _ =	vpop (xrf2)  }
0x1a0: {  	(v2sf) =	vpush v3, $0xF;
	v3 =	vld [tilespmem:s0+$0xFFFFFFD0]  }
0x1a1: {  	v4 =	vld [tilespmem:s1+$0xFFFFFFD0]  }
0x1a2: {  	s19 =	spop (v2sf)  }
0x1a3: {  	s22 =	spop (v2sf)  }
0x1a4: {  	s26 =	simm.s32 $0x12FB0;
	s23 =	spop (v2sf)  }
0x1a5: {  	(xrf2) =	vadd.scan.msk.f32 $0xffff, v3;
	v3 =	vld [tilespmem:s26+$0x0];
	v5, _, _ =	vpop (xrf2);
	s0 =	sadd.f32 s23, s22;
	s23 =	simm.s32 $0x13FB0  }
0x1a6: {  	(xrf2) =	vadd.scan.msk.f32 $0xffff, v4;
	(v2sf) =	vpush v5, $0xF;
	v5, _, _ =	vpop (xrf2);
	v4 =	vld [tilespmem:s23+$0x0]  }
0x1a7: {  	(v2sf) =	vpush v5, $0xF;
	_ =	sdelay $0x2  }
0x1a8: {  	s1 =	simm.f32 $0.0e+00;
	(xrf2) =	vadd.scan.msk.f32 $0xffff, v3  }
0x1a9: {  	s0 =	sadd.f32 s0, s1;
	(xrf2) =	vadd.scan.msk.f32 $0xffff, v4;
	_ =	sdelay $0x1  }
0x1aa: {  	p2 =	sgt.f32 s0, s19  }
0x1ab: {  	p3 =	por $0x1, $0x1  }
0x1ac: {  	p2 =	por !p3, !p2  }
0x1ad: {  	s20 =	simm.s32 $0x0;
	s21 =	spop (v2sf);
	p2 =	por !p2, !p2;
	v3, _, _ =	vpop (xrf2)  }
0x1ae: {  	s22 =	spop (v2sf);
	s20 =	simm.s32 @p2 $0x1;
	(v2sf) =	vpush v3, $0xF;
	v3, _, _ =	vpop (xrf2)  }
0x1af: {  	s21 =	sadd.f32 s22, s21;
	p3 =	sgt.s32 s20, $0x0;
	(v2sf) =	vpush v3, $0xF  }
0x1b0: {  	s0 =	smov.u32 @p3 s1  }
0x1b1: {  	v4 =	vld [tilespmem:s26+$0xFFFFFFF0];
	s30 =	sadd.f32 s0, s21;
	v3, _, _ =	vpop (xrf2)  }
0x1b2: {  	v5 =	vld [tilespmem:s23+$0xFFFFFFF0];
	s24 =	spop (v2sf);
	(v2sf) =	vpush v3, $0xF;
	v3, _, _ =	vpop (xrf2)  }
0x1b3: {  	p5 =	sgt.f32 s30, s19;
	s25 =	spop (v2sf);
	(v2sf) =	vpush v3, $0xF  }
0x1b4: {  	p4 =	seq.s32 s20, $0x0  }
0x1b5: {  	p3 =	por !p4, !p5  }
0x1b6: {  	(xrf2) =	vadd.scan.msk.f32 $0xffff, v4;
	p3 =	por !p3, !p3  }
0x1b7: {  	(xrf2) =	vadd.scan.msk.f32 $0xffff, v5;
	s20 =	simm.s32 @p3 $0x1;
	v3 =	vld [tilespmem:s26+$0xFFFFFFE0]  }
0x1b8: {  	s21 =	sadd.f32 s25, s24;
	p4 =	sgt.s32 s20, $0x0  }
0x1b9: {  	s30 =	smov.u32 @p4 s0  }
0x1ba: {  	s29 =	sadd.f32 s30, s21  }
0x1bb: {  	s1 =	ssub.f32 s19, s1  }
0x1bc: {  	s22 =	simm.f32 $0.0e+00;
	p6 =	sgt.f32 s29, s19;
	(xrf2) =	vadd.scan.msk.f32 $0xffff, v3;
	v3 =	vld [tilespmem:s23+$0xFFFFFFE0]  }
0x1bd: {  	s22 =	smov.u32 @p2 s1;
	p5 =	seq.s32 s20, $0x0;
	s24 =	spop (v2sf)  }
0x1be: {  	s21 =	simm.s32 $0x0;
	p4 =	por !p5, !p6;
	s25 =	spop (v2sf)  }
0x1bf: {  	p4 =	por !p4, !p4;
	s28 =	sadd.f32 s25, s24;
	s24 =	simm.s32 $0xFF  }
0x1c0: {  	s1 =	simm.s32 $0xFE;
	v6, _, _ =	vpop (xrf2);
	s20 =	simm.s32 @p4 $0x1;
	s21 =	smov.u32 @p2 s24  }
0x1c1: {  	(xrf2) =	vadd.scan.msk.f32 $0xffff, v3;
	v3, _, _ =	vpop (xrf2);
	s21 =	smov.u32 @p3 s1;
	s1 =	simm.s32 $0xFD;
	s31 =	spop (v2sf);
	(v2sf) =	vpush v6, $0xF  }
0x1c2: {  	v4 =	vld [tilespmem:s26+$0xFFFFFFD0];
	p5 =	sgt.s32 s20, $0x0;
	s21 =	smov.u32 @p4 s1;
	s1 =	spop (v2sf);
	(v2sf) =	vpush v3, $0xF  }
0x1c3: {  	s0 =	ssub.f32 s19, s0;
	s29 =	smov.u32 @p5 s30  }
0x1c4: {  	s28 =	sadd.f32 s29, s28  }
0x1c5: {  	v5 =	vld [tilespmem:s23+$0xFFFFFFD0]  }
0x1c6: {  	s22 =	smov.u32 @p3 s0;
	s0 =	ssub.f32 s19, s30;
	p5 =	sgt.f32 s28, s19  }
0x1c7: {  	p6 =	seq.s32 s20, $0x0;
	(xrf2) =	vadd.scan.msk.f32 $0xffff, v4  }
0x1c8: {  	s22 =	smov.u32 @p4 s0;
	s0 =	ssub.f32 s19, s29;
	p2 =	por !p6, !p5  }
0x1c9: {  	s26 =	simm.s32 $0x12F70;
	s25 =	simm.s32 $0x4;
	p3 =	por !p2, !p2  }
0x1ca: {  	s30 =	simm.s32 $0xFC;
	(xrf2) =	vadd.scan.msk.f32 $0xffff, v5;
	v3, _, _ =	vpop (xrf2);
	s22 =	smov.u32 @p3 s0;
	s20 =	simm.s32 @p3 $0x1  }
.LBB2_17:
0x1cb: {  	v4 =	vld [tilespmem:s26+$0x0];
	s0 =	sadd.f32 s1, s31;
	(v2sf) =	vpush v3, $0xF;
	v3, _, _ =	vpop (xrf2);
	s21 =	smov.u32 @p3 s30;
	p2 =	sgt.s32 s20, $0x0  }
0x1cc: {  	(v2sf) =	vpush v3, $0xF;
	s28 =	smov.u32 @p2 s29  }
0x1cd: {  	s23 =	sadd.s32 $0xFFFFFFC0, s23;
	s29 =	sadd.f32 s0, s28  }
0x1ce: {  	s0 =	ssub.f32 s19, s28;
	v3 =	vld [tilespmem:s23+$0x0]  }
0x1cf: {  	s25 =	sadd.s32 $0x4, s25;
	p3 =	sgt.f32 s29, s19  }
0x1d0: {  	p4 =	seq.s32 s20, $0x0;
	p2 =	slt.u32 s25, $0xFC;
	(xrf2) =	vadd.scan.msk.f32 $0xffff, v4;
	s1 =	spop (v2sf)  }
0x1d1: {  	p3 =	por !p4, !p3;
	s30 =	spop (v2sf);
	v4, _, _ =	vpop (xrf2)  }
0x1d2: {  	p3 =	por !p3, !p3;
	s1 =	sadd.f32 s30, s1  }
0x1d3: {  	s24 =	sadd.s32 $0xFFFFFFFC, s24;
	v5 =	vld [tilespmem:s26+$0xFFFFFFF0];
	(xrf2) =	vadd.scan.msk.f32 $0xffff, v3;
	s22 =	smov.u32 @p3 s0;
	s20 =	simm.s32 @p3 $0x1  }
0x1d4: {  	s21 =	smov.u32 @p3 s24;
	p4 =	sgt.s32 s20, $0x0;
	p3 =	seq.s32 s20, $0x0;
	(v2sf) =	vpush v4, $0xF;
	v3, _, _ =	vpop (xrf2)  }
0x1d5: {  	s29 =	smov.u32 @p4 s28;
	(v2sf) =	vpush v3, $0xF  }
0x1d6: {  	v3 =	vld [tilespmem:s23+$0xFFFFFFF0];
	s0 =	sadd.f32 s29, s1  }
0x1d7: {  	s1 =	ssub.f32 s19, s29  }
0x1d8: {  	(xrf2) =	vadd.scan.msk.f32 $0xffff, v5;
	p4 =	sgt.f32 s0, s19;
	_ =	sdelay $0x1  }
0x1d9: {  	v4, _, _ =	vpop (xrf2);
	p3 =	por !p3, !p4;
	s28 =	spop (v2sf)  }
0x1da: {  	(xrf2) =	vadd.scan.msk.f32 $0xffff, v3;
	p3 =	por !p3, !p3;
	s30 =	spop (v2sf)  }
0x1db: {  	s31 =	sadd.s32 $0xFFFFFFFF, s24;
	s22 =	smov.u32 @p3 s1;
	s20 =	simm.s32 @p3 $0x1  }
0x1dc: {  	s21 =	smov.u32 @p3 s31;
	s1 =	sadd.f32 s30, s28;
	v3 =	vld [tilespmem:s26+$0xFFFFFFE0];
	(v2sf) =	vpush v4, $0xF;
	v4, _, _ =	vpop (xrf2);
	p3 =	sgt.s32 s20, $0x0  }
0x1dd: {  	(v2sf) =	vpush v4, $0xF;
	s0 =	smov.u32 @p3 s29  }
0x1de: {  	s29 =	sadd.f32 s0, s1  }
0x1df: {  	s1 =	ssub.f32 s19, s0;
	v4 =	vld [tilespmem:s23+$0xFFFFFFE0]  }
0x1e0: {  	p3 =	sgt.f32 s29, s19  }
0x1e1: {  	p4 =	seq.s32 s20, $0x0;
	v5, _, _ =	vpop (xrf2);
	(xrf2) =	vadd.scan.msk.f32 $0xffff, v3  }
0x1e2: {  	p3 =	por !p4, !p3;
	s28 =	spop (v2sf)  }
0x1e3: {  	p3 =	por !p3, !p3;
	s30 =	spop (v2sf)  }
0x1e4: {  	s31 =	sadd.s32 $0xFFFFFFFE, s24;
	(v2sf) =	vpush v5, $0xF;
	v3, _, _ =	vpop (xrf2);
	(xrf2) =	vadd.scan.msk.f32 $0xffff, v4;
	s22 =	smov.u32 @p3 s1;
	s20 =	simm.s32 @p3 $0x1  }
0x1e5: {  	s21 =	smov.u32 @p3 s31;
	s1 =	sadd.f32 s30, s28;
	v4 =	vld [tilespmem:s26+$0xFFFFFFD0];
	(v2sf) =	vpush v3, $0xF;
	p3 =	sgt.s32 s20, $0x0  }
0x1e6: {  	s29 =	smov.u32 @p3 s0  }
0x1e7: {  	s28 =	sadd.f32 s29, s1  }
0x1e8: {  	s0 =	ssub.f32 s19, s29;
	v5 =	vld [tilespmem:s23+$0xFFFFFFD0]  }
.Ltmp8:
0x1e9: {  	p3 =	sgt.f32 s28, s19;
	(pc) =	sbr.rel @p2 .LBB2_17-.Ltmp8, $4  }
0x1ea: {  	p4 =	seq.s32 s20, $0x0;
	(xrf2) =	vadd.scan.msk.f32 $0xffff, v4  }
0x1eb: {  	s31 =	spop (v2sf);
	v3, _, _ =	vpop (xrf2);
	p3 =	por !p4, !p3  }
0x1ec: {  	s26 =	sadd.s32 $0xFFFFFFC0, s26;
	s1 =	spop (v2sf);
	p3 =	por !p3, !p3  }
0x1ed: {  	s30 =	sadd.s32 $0xFFFFFFFD, s24;
	(xrf2) =	vadd.scan.msk.f32 $0xffff, v5;
	s22 =	smov.u32 @p3 s0;
	s20 =	simm.s32 @p3 $0x1  }
0x1ee: {  	s0 =	sadd.f32 s1, s31;
	p2 =	sgt.s32 s20, $0x0  }
0x1ef: {  	(v2sf) =	vpush v3, $0xF;
	v3, _, _ =	vpop (xrf2);
	s28 =	smov.u32 @p2 s29  }
0x1f0: {  	(v2sf) =	vpush v3, $0xF;
	s0 =	sadd.f32 s0, s28;
	_ =	sdelay $0x1  }
0x1f1: {  	p5 =	sgt.f32 s0, s19  }
0x1f2: {  	p4 =	seq.s32 s20, $0x0  }
0x1f3: {  	p2 =	por !p4, !p5  }
0x1f4: {  	s26 =	spop (v2sf);
	p2 =	por !p2, !p2  }
0x1f5: {  	s23 =	spop (v2sf);
	s20 =	simm.s32 @p2 $0x1  }
0x1f6: {  	v3, _, _ =	vpop (xrf2);
	s1 =	sadd.f32 s23, s26;
	p4 =	sgt.s32 s20, $0x0  }
0x1f7: {  	(v2sf) =	vpush v3, $0xF;
	v3, _, _ =	vpop (xrf2);
	s0 =	smov.u32 @p4 s28  }
0x1f8: {  	(v2sf) =	vpush v3, $0xF;
	s1 =	sadd.f32 s0, s1;
	_ =	sdelay $0x1  }
0x1f9: {  	p6 =	sgt.f32 s1, s19  }
0x1fa: {  	p5 =	seq.s32 s20, $0x0;
	v3 =	vld [tilespmem:$0x14000]  }
0x1fb: {  	p4 =	por !p5, !p6  }
0x1fc: {  	s29 =	spop (v2sf);
	p4 =	por !p4, !p4  }
0x1fd: {  	s25 =	spop (v2sf);
	s20 =	simm.s32 @p4 $0x1  }
0x1fe: {  	s23 =	sadd.f32 s25, s29;
	p5 =	sgt.s32 s20, $0x0  }
0x1ff: {  	(v2sf) =	vpush v3, $0x0;
	s1 =	smov.u32 @p5 s0  }
0x200: {  	s23 =	sadd.f32 s1, s23;
	_ =	sdelay $0x1  }
0x201: {  	p5 =	sgt.f32 s23, s19  }
0x202: {  	p6 =	seq.s32 s20, $0x0  }
0x203: {  	p5 =	por !p6, !p5  }
0x204: {  	s21 =	smov.u32 @p3 s30;
	s31 =	spop (v2sf);
	p3 =	por !p5, !p5  }
0x205: {  	s26 =	ssub.f32 s19, s28;
	s29 =	spop (v2sf);
	s20 =	simm.s32 @p3 $0x1  }
0x206: {  	s25 =	sadd.f32 s29, s31;
	p5 =	sgt.s32 s20, $0x0  }
0x207: {  	s24 =	sadd.s32 $0xFFFFFFFC, s24;
	s0 =	ssub.f32 s19, s0;
	s23 =	smov.u32 @p5 s1  }
0x208: {  	s21 =	smov.u32 @p2 s24;
	s22 =	smov.u32 @p2 s26;
	s25 =	sadd.f32 s23, s25  }
0x209: {  	s26 =	sadd.s32 $0xFFFFFFFF, s24;
	s22 =	smov.u32 @p4 s0;
	s0 =	ssub.f32 s19, s1  }
0x20a: {  	s21 =	smov.u32 @p4 s26;
	p5 =	sgt.f32 s25, s19  }
0x20b: {  	s22 =	smov.u32 @p3 s0;
	p6 =	seq.s32 s20, $0x0;
	s1 =	sadd.s32 $0xFFFFFFFE, s24  }
0x20c: {  	s21 =	smov.u32 @p3 s1;
	s0 =	ssub.f32 s19, s23;
	p2 =	por !p6, !p5  }
0x20d: {  	s1 =	sadd.s32 $0xFFFFFFFD, s24;
	s30 =	spop (v2sf);
	p2 =	por !p2, !p2  }
0x20e: {  	s31 =	sshll.u32 s30, $0x8;
	s22 =	smov.u32 @p2 s0;
	s21 =	smov.u32 @p2 s1  }
0x20f: {  	v3 =	vmov s22;
	s0 =	sadd.s32 s21, s31  }
0x210: {  	[tilespmem:$0x14080] =	vst v3;
	v3 =	vmov s0  }
0x211: {  	[tilespmem:$0x14000] =	vst v3  }
0x212: {  	[spmem:s5] =	stream.linear.scatter [tilespmem:s16], [sflag:$0x1], $0x10, $0x38;
	[tilespmem:$0x15210] =	vst v63  }
.Ltmp9:
0x213: {  	_ =	swait.ge [sflag:s13], $0x10;
	(pc) =	sbr.rel .LBB2_19-.Ltmp9, $3  }
0x214: {  	[sflag:s13] =	ssyncset.done $0x0  }
0x215: {  	[sflag:s13] =	ssyncadd.s32 $0xFFFFFFF0  }
0x216: {  	[bflag:$0x0] =	sbarrier.arrive $0xFFFF;
	_ =	sdelay $0x1  }
.LBB2_15:
0x217: {  	[bflag:$0x0] =	sbarrier.arrive $0xFFFF  }
0x218: {  	[tilespmem:s16], [sflag:$0x1] =	stream.linear.gather [spmem:s7], $0x10, $0x38;
	[tilespmem:$0x15210] =	vst v63  }
0x219: {  	_ =	swait.ge [sflag:s13], $0x10  }
0x21a: {  	[sflag:s13] =	ssyncset.done $0x0  }
0x21b: {  	[sflag:s13] =	ssyncadd.s32 $0xFFFFFFF0  }
.LBB2_19:
0x21c: {  	s19 =	simm.s32 $0x12080  }
0x21d: {  	[tilespmem:s19+$0xFFFFFF80] =	vst v0  }
0x21e: {  	[tilespmem:s19+$0x70] =	vst v0  }
0x21f: {  	[tilespmem:s19+$0x60] =	vst v0  }
0x220: {  	[tilespmem:s19+$0x50] =	vst v0  }
0x221: {  	[tilespmem:s19+$0x40] =	vst v0  }
0x222: {  	[tilespmem:s19+$0x30] =	vst v0  }
0x223: {  	[tilespmem:s19+$0x20] =	vst v0  }
0x224: {  	[tilespmem:s19+$0x10] =	vst v0  }
0x225: {  	[tilespmem:s19+$0x0] =	vst v0  }
0x226: {  	[tilespmem:s19+$0xFFFFFFF0] =	vst v0  }
0x227: {  	[tilespmem:s19+$0xFFFFFFE0] =	vst v0  }
0x228: {  	[tilespmem:s19+$0xFFFFFFD0] =	vst v0  }
0x229: {  	[tilespmem:s19+$0xFFFFFFC0] =	vst v0  }
0x22a: {  	[tilespmem:s19+$0xFFFFFFB0] =	vst v0  }
0x22b: {  	s20 =	simm.s32 $0x0;
	[tilespmem:s19+$0xFFFFFFA0] =	vst v0  }
.LBB2_20:
0x22c: {  	s20 =	sadd.s32 $0x10, s20;
	[tilespmem:s19+$0xFFFFFF90] =	vst v0;
	s19 =	sadd.s32 $0x100, s19  }
0x22d: {  	[tilespmem:s19+$0xFFFFFF80] =	vst v0;
	p2 =	slt.u32 s20, $0xF0  }
0x22e: {  	[tilespmem:s19+$0x70] =	vst v0  }
0x22f: {  	[tilespmem:s19+$0x60] =	vst v0  }
0x230: {  	[tilespmem:s19+$0x50] =	vst v0  }
0x231: {  	[tilespmem:s19+$0x40] =	vst v0  }
0x232: {  	[tilespmem:s19+$0x30] =	vst v0  }
0x233: {  	[tilespmem:s19+$0x20] =	vst v0  }
0x234: {  	[tilespmem:s19+$0x10] =	vst v0  }
0x235: {  	[tilespmem:s19+$0x0] =	vst v0  }
0x236: {  	[tilespmem:s19+$0xFFFFFFF0] =	vst v0  }
.Ltmp10:
0x237: {  	[tilespmem:s19+$0xFFFFFFE0] =	vst v0;
	(pc) =	sbr.rel @p2 .LBB2_20-.Ltmp10, $4  }
0x238: {  	[tilespmem:s19+$0xFFFFFFD0] =	vst v0  }
0x239: {  	[tilespmem:s19+$0xFFFFFFC0] =	vst v0  }
0x23a: {  	[tilespmem:s19+$0xFFFFFFB0] =	vst v0  }
0x23b: {  	[tilespmem:s19+$0xFFFFFFA0] =	vst v0  }
0x23c: {  	[tilespmem:s19+$0xFFFFFF90] =	vst v0;
	s20 =	simm.s32 $0x80  }
0x23d: {  	v4 =	vld [tilespmem:s20+$0x30]  }
0x23e: {  	v3 =	vld.msk [tilespmem:$0x14000 ss:$0x0], $0xffff  }
0x23f: {  	v5 =	vld [tilespmem:s20+$0x50]  }
0x240: {  	v15 =	vld [tilespmem:s20+$0xFFFFFFD0]  }
0x241: {  	v19 =	vld [tilespmem:s20+$0xFFFFFFB0]  }
0x242: {  	v11 =	vld [tilespmem:s20+$0xFFFFFFF0]  }
0x243: {  	v6 =	vld [tilespmem:s20+$0x60]  }
0x244: {  	v9 =	vld [tilespmem:s20+$0x10]  }
0x245: {  	v7 =	vshrl.u32 v4, $0xF;
	v4 =	vshrl.u32 v4, $0x3;
	v22 =	vshrl.u32 v15, $0xF  }
0x246: {  	v12 =	vld [tilespmem:s20+$0xFFFFFFE0];
	v14 =	vshrl.u32 v19, $0x3;
	v7 =	vand.u32 $0xFFFF, v7;
	v4 =	vand.u32 $0xFF0, v4  }
0x247: {  	v23 =	vand.u32 $0xFF0, v14;
	v14 =	vshrl.u32 v11, $0xF;
	vm0 =	veq.s32 v7, v3  }
0x248: {  	v7 =	vshrl.u32 v5, $0x3;
	v5 =	vshrl.u32 v5, $0xF;
	v18 =	vor.u32 v1, v4  }
0x249: {  	v21 =	vld [tilespmem:s20+$0xFFFFFF90];
	v4 =	vshrl.u32 v9, $0xF;
	v10 =	vand.u32 $0xFF0, v7;
	v7 =	vshrl.u32 v6, $0xF  }
0x24a: {  	v8 =	vld [tilespmem:s20+$0x0];
	v5 =	vand.u32 $0xFFFF, v5;
	v6 =	vshrl.u32 v6, $0x3;
	v13 =	vand.u32 $0xFFFF, v4  }
0x24b: {  	v4 =	vshrl.u32 v12, $0x3;
	v12 =	vshrl.u32 v12, $0xF;
	v7 =	vand.u32 $0xFFFF, v7  }
0x24c: {  	v16 =	vld [tilespmem:s20+$0xFFFFFFC0];
	vm2 =	veq.s32 v5, v3;
	v5 =	vand.u32 $0xFF0, v6;
	v6 =	vshrl.u32 v11, $0x3  }
0x24d: {  	v4 =	vand.u32 $0xFF0, v4;
	vm3 =	veq.s32 v13, v3;
	v11 =	vshrl.u32 v15, $0x3  }
0x24e: {  	v20 =	vld [tilespmem:s20+$0xFFFFFFA0];
	v15 =	vshrl.u32 v21, $0x3;
	vm1 =	veq.s32 v7, v3;
	v17 =	vor.u32 v1, v5  }
0x24f: {  	v7 =	vshrl.u32 v8, $0xF;
	v5 =	vshrl.u32 v9, $0x3;
	v9 =	vor.u32 v1, v10  }
0x250: {  	v8 =	vshrl.u32 v8, $0x3;
	v15 =	vand.u32 $0xFF0, v15;
	v62 =	vand.u32 $0xFF0, v11  }
0x251: {  	v5 =	vand.u32 $0xFF0, v5;
	v10 =	vand.u32 $0xFF0, v8;
	v8 =	vshrl.u32 v16, $0x3  }
0x252: {  	v11 =	vor.u32 v1, v15;
	v15 =	vld [tilespmem:s20+$0x20];
	v13 =	vand.u32 $0xFF0, v8;
	v8 =	vor.u32 v1, v5  }
0x253: {  	v63 =	vand.u32 $0xFFFF, v12;
	v12 =	vand.u32 $0xFFFF, v22;
	v5 =	vshrl.u32 v20, $0xF;
	[tilespmem:v18+s14+$0x0] =	vst.idx.add.f32.msk vm0, v2  }
0x254: {  	v6 =	vand.u32 $0xFF0, v6;
	v4 =	vor.u32 v1, v4;
	v24 =	vand.u32 $0xFFFF, v5;
	[tilespmem:v9+s14+$0x0] =	vst.idx.add.f32.msk vm2, v2  }
0x255: {  	v5 =	vor.u32 v1, v23;
	v18 =	vshrl.u32 v20, $0x3;
	vm0 =	veq.s32 v12, v3;
	[tilespmem:v17+s14+$0x0] =	vst.idx.add.f32.msk vm1, v2  }
0x256: {  	v12 =	vand.u32 $0xFF0, v18;
	v9 =	vshrl.u32 v21, $0xF;
	vm2 =	veq.s32 v24, v3;
	v17 =	vld [tilespmem:s20+$0xFFFFFF80]  }
0x257: {  	v12 =	vor.u32 v1, v12;
	v9 =	vand.u32 $0xFFFF, v9;
	[tilespmem:v8+s14+$0x0] =	vst.idx.add.f32.msk vm3, v2;
	v8 =	vshrl.u32 v19, $0xF  }
0x258: {  	v18 =	vld [tilespmem:s20+$0x70];
	vm4 =	veq.s32 v9, v3;
	v9 =	vshrl.u32 v16, $0xF;
	v16 =	vand.u32 $0xFFFF, v8  }
0x259: {  	s19 =	simm.s32 $0x0;
	vm3 =	veq.s32 v63, v3;
	v8 =	vor.u32 v1, v62;
	vm1 =	veq.s32 v16, v3;
	v16 =	vld [tilespmem:s20+$0x40];
	s20 =	simm.s32 $0x180  }
.LBB2_22:
0x25a: {  	v19 =	vld [tilespmem:s20+$0x30];
	s19 =	sadd.s32 $0x10, s19;
	v9 =	vand.u32 $0xFFFF, v9;
	v14 =	vand.u32 $0xFFFF, v14;
	v7 =	vand.u32 $0xFFFF, v7  }
0x25b: {  	v13 =	vor.u32 v1, v13;
	v20 =	vld [tilespmem:s20+$0xFFFFFF90];
	p2 =	slt.u32 s19, $0x11F0;
	vm7 =	veq.s32 v9, v3;
	v21 =	vshrl.u32 v15, $0xF  }
0x25c: {  	vm6 =	veq.s32 v14, v3;
	vm10 =	veq.s32 v7, v3;
	v9 =	vld [tilespmem:s20+$0xFFFFFFA0];
	v22 =	vshrl.u32 v17, $0x3  }
0x25d: {  	v7 =	vshrl.u32 v17, $0xF;
	v23 =	vld [tilespmem:s20+$0xFFFFFFB0];
	v14 =	vshrl.u32 v18, $0xF;
	v17 =	vshrl.u32 v18, $0x3  }
0x25e: {  	v6 =	vor.u32 v1, v6;
	v10 =	vor.u32 v1, v10;
	v7 =	vand.u32 $0xFFFF, v7;
	v18 =	vld [tilespmem:s20+$0x50]  }
0x25f: {  	v15 =	vshrl.u32 v15, $0x3;
	v24 =	vld [tilespmem:s20+$0xFFFFFFC0];
	v25 =	vshrl.u32 v19, $0xF;
	v19 =	vshrl.u32 v19, $0x3  }
0x260: {  	v27 =	vshrl.u32 v16, $0x3;
	v14 =	vand.u32 $0xFFFF, v14;
	v26 =	vld [tilespmem:s20+$0xFFFFFFD0];
	v19 =	vand.u32 $0xFF0, v19  }
0x261: {  	v16 =	vshrl.u32 v16, $0xF;
	v27 =	vand.u32 $0xFF0, v27;
	v25 =	vand.u32 $0xFFFF, v25;
	v28 =	vld [tilespmem:s20+$0x60]  }
0x262: {  	v17 =	vand.u32 $0xFF0, v17;
	vm5 =	veq.s32 v25, v3;
	v25 =	vor.u32 v1, v27;
	v29 =	vld [tilespmem:s20+$0xFFFFFFE0]  }
0x263: {  	v22 =	vand.u32 $0xFF0, v22;
	vm8 =	veq.s32 v7, v3;
	vm11 =	veq.s32 v14, v3;
	v27 =	vld [tilespmem:s20+$0x0]  }
0x264: {  	v16 =	vand.u32 $0xFFFF, v16;
	v17 =	vor.u32 v1, v17;
	v7 =	vshrl.u32 v18, $0x3;
	v14 =	vld [tilespmem:s20+$0xFFFFFFF0]  }
0x265: {  	v18 =	vshrl.u32 v18, $0xF;
	v30 =	vand.u32 $0xFF0, v7;
	[tilespmem:v11+s14+$0x0] =	vst.idx.add.f32.msk vm4, v2;
	vm4 =	veq.s32 v16, v3  }
0x266: {  	v7 =	vand.u32 $0xFFFF, v18;
	v11 =	vld [tilespmem:s20+$0x10];
	v16 =	vshrl.u32 v28, $0xF;
	v18 =	vshrl.u32 v28, $0x3  }
0x267: {  	vm9 =	veq.s32 v7, v3;
	v7 =	vand.u32 $0xFFFF, v16;
	v16 =	vand.u32 $0xFF0, v18;
	[tilespmem:v10+s14+$0x0] =	vst.idx.add.f32.msk vm10, v2  }
0x268: {  	vm10 =	veq.s32 v7, v3;
	v16 =	vor.u32 v1, v16;
	[tilespmem:v13+s14+$0x0] =	vst.idx.add.f32.msk vm7, v2;
	v7 =	vand.u32 $0xFFFF, v21  }
0x269: {  	v18 =	vor.u32 v1, v19;
	v10 =	vand.u32 $0xFF0, v15;
	[tilespmem:v12+s14+$0x0] =	vst.idx.add.f32.msk vm2, v2;
	vm2 =	veq.s32 v7, v3  }
0x26a: {  	v15 =	vor.u32 v1, v10;
	v7 =	vshrl.u32 v27, $0xF;
	v12 =	vor.u32 v1, v22;
	[tilespmem:v6+s14+$0x0] =	vst.idx.add.f32.msk vm6, v2  }
0x26b: {  	v6 =	vshrl.u32 v11, $0xF;
	v10 =	vshrl.u32 v11, $0x3;
	v11 =	vor.u32 v1, v30;
	[tilespmem:v8+s14+$0x0] =	vst.idx.add.f32.msk vm0, v2  }
0x26c: {  	v8 =	vshrl.u32 v14, $0x3;
	v13 =	vand.u32 $0xFFFF, v6;
	v19 =	vand.u32 $0xFF0, v10;
	[tilespmem:v4+s14+$0x0] =	vst.idx.add.f32.msk vm3, v2  }
0x26d: {  	v4 =	vshrl.u32 v29, $0x3;
	v6 =	vand.u32 $0xFF0, v8;
	v8 =	vshrl.u32 v27, $0x3;
	[tilespmem:v5+s14+$0x0] =	vst.idx.add.f32.msk vm1, v2  }
0x26e: {  	v21 =	vshrl.u32 v26, $0xF;
	v4 =	vand.u32 $0xFF0, v4;
	v10 =	vand.u32 $0xFF0, v8;
	[tilespmem:v17+s14+$0x0] =	vst.idx.add.f32.msk vm11, v2  }
0x26f: {  	v5 =	vshrl.u32 v24, $0x3;
	vm0 =	veq.s32 v13, v3;
	v4 =	vor.u32 v1, v4;
	[tilespmem:v12+s14+$0x0] =	vst.idx.add.f32.msk vm8, v2  }
0x270: {  	v8 =	vshrl.u32 v23, $0x3;
	v13 =	vand.u32 $0xFF0, v5;
	v12 =	vor.u32 v1, v19;
	[tilespmem:v15+s14+$0x0] =	vst.idx.add.f32.msk vm2, v2  }
0x271: {  	v14 =	vshrl.u32 v14, $0xF;
	v5 =	vshrl.u32 v9, $0xF;
	v8 =	vand.u32 $0xFF0, v8;
	[tilespmem:v25+s14+$0x0] =	vst.idx.add.f32.msk vm4, v2  }
0x272: {  	v15 =	vand.u32 $0xFFFF, v5;
	v5 =	vor.u32 v1, v8;
	v8 =	vshrl.u32 v26, $0x3;
	[tilespmem:v11+s14+$0x0] =	vst.idx.add.f32.msk vm9, v2  }
0x273: {  	v17 =	vshrl.u32 v20, $0x3;
	v19 =	vshrl.u32 v29, $0xF;
	v11 =	vshrl.u32 v20, $0xF;
	[tilespmem:v16+s14+$0x0] =	vst.idx.add.f32.msk vm10, v2  }
0x274: {  	v8 =	vand.u32 $0xFF0, v8;
	v11 =	vand.u32 $0xFFFF, v11;
	v16 =	vand.u32 $0xFF0, v17;
	[tilespmem:v18+s14+$0x0] =	vst.idx.add.f32.msk vm5, v2  }
.Ltmp11:
0x275: {  	vm4 =	veq.s32 v11, v3;
	v11 =	vor.u32 v1, v16;
	v16 =	vand.u32 $0xFFFF, v19;
	[tilespmem:v12+s14+$0x0] =	vst.idx.add.f32.msk vm0, v2;
	(pc) =	sbr.rel @p2 .LBB2_22-.Ltmp11, $4  }
0x276: {  	vm2 =	veq.s32 v15, v3;
	v18 =	vand.u32 $0xFFFF, v21;
	v12 =	vshrl.u32 v23, $0xF;
	v15 =	vld [tilespmem:s20+$0x20]  }
0x277: {  	v19 =	vshrl.u32 v9, $0x3;
	v9 =	vshrl.u32 v24, $0xF;
	vm0 =	veq.s32 v18, v3;
	v17 =	vld [tilespmem:s20+$0xFFFFFF80]  }
0x278: {  	v8 =	vor.u32 v1, v8;
	v19 =	vand.u32 $0xFF0, v19;
	v20 =	vand.u32 $0xFFFF, v12;
	v18 =	vld [tilespmem:s20+$0x70]  }
0x279: {  	vm3 =	veq.s32 v16, v3;
	v12 =	vor.u32 v1, v19;
	vm1 =	veq.s32 v20, v3;
	v16 =	vld [tilespmem:s20+$0x40];
	s20 =	sadd.s32 $0x100, s20  }
0x27a: {  	v7 =	vand.u32 $0xFFFF, v7;
	v9 =	vand.u32 $0xFFFF, v9  }
0x27b: {  	v46 =	vor.u32 v1, v10;
	v47 =	vand.u32 $0xFFFF, v14;
	v48 =	vor.u32 v1, v13  }
0x27c: {  	v6 =	vor.u32 v1, v6;
	vm5 =	veq.s32 v7, v3;
	vm6 =	veq.s32 v9, v3  }
0x27d: {  	v49 =	vshrl.u32 v15, $0xF;
	vm7 =	veq.s32 v47, v3;
	v54 =	vshrl.u32 v15, $0x3  }
0x27e: {  	v50 =	vshrl.u32 v17, $0x3;
	v51 =	vshrl.u32 v17, $0xF;
	v61 =	vand.u32 $0xFFFF, v49  }
0x27f: {  	[tilespmem:v11+s14+$0x0] =	vst.idx.add.f32.msk vm4, v2;
	v62 =	vand.u32 $0xFF0, v54;
	v52 =	vshrl.u32 v18, $0xF;
	v53 =	vshrl.u32 v18, $0x3  }
0x280: {  	[tilespmem:v12+s14+$0x0] =	vst.idx.add.f32.msk vm2, v2;
	v9 =	vand.u32 $0xFFFF, v51;
	v58 =	vand.u32 $0xFF0, v50;
	vm14 =	veq.s32 v61, v3  }
0x281: {  	[tilespmem:v8+s14+$0x0] =	vst.idx.add.f32.msk vm0, v2;
	v55 =	vand.u32 $0xFFFF, v52;
	v56 =	vshrl.u32 v16, $0xF;
	vm12 =	veq.s32 v9, v3  }
0x282: {  	[tilespmem:v4+s14+$0x0] =	vst.idx.add.f32.msk vm3, v2;
	v57 =	vand.u32 $0xFF0, v53;
	v7 =	vor.u32 v1, v58;
	vm13 =	veq.s32 v55, v3  }
0x283: {  	[tilespmem:v5+s14+$0x0] =	vst.idx.add.f32.msk vm1, v2;
	v19 =	vshrl.u32 v16, $0x3;
	v59 =	vand.u32 $0xFFFF, v56;
	v60 =	vor.u32 v1, v57  }
0x284: {  	v63 =	vand.u32 $0xFF0, v19;
	vm15 =	veq.s32 v59, v3;
	v3 =	vor.u32 v1, v62;
	[tilespmem:v46+s14+$0x0] =	vst.idx.add.f32.msk vm5, v2  }
0x285: {  	[tilespmem:v6+s14+$0x0] =	vst.idx.add.f32.msk vm7, v2;
	v6 =	vor.u32 v1, v63  }
0x286: {  	[tilespmem:v48+s14+$0x0] =	vst.idx.add.f32.msk vm6, v2  }
0x287: {  	[tilespmem:v7+s14+$0x0] =	vst.idx.add.f32.msk vm12, v2  }
0x288: {  	[tilespmem:v60+s14+$0x0] =	vst.idx.add.f32.msk vm13, v2  }
0x289: {  	[tilespmem:v3+s14+$0x0] =	vst.idx.add.f32.msk vm14, v2  }
0x28a: {  	[tilespmem:v6+s14+$0x0] =	vst.idx.add.f32.msk vm15, v2  }
0x28b: {  	[spmem:s4] =	stream.linear.scatter [tilespmem:s14], [sflag:$0x1], $0x1000, $0x38;
	[tilespmem:$0x15210] =	vst v63  }
.Ltmp12:
0x28c: {  	_ =	swait.ge [sflag:s13], $0x1000;
	(pc) =	sbr.rel @!p1 .LBB2_24-.Ltmp12, $3  }
0x28d: {  	[sflag:s13] =	ssyncset.done $0x0  }
0x28e: {  	[sflag:s13] =	ssyncadd.s32 $0xFFFFF000  }
0x28f: {  	[bflag:$0x0] =	sbarrier.arrive $0xFFFF;
	_ =	sdelay $0x1  }
0x290: {  	[tilespmem:s15], [sflag:$0x1] =	stream.linear.gather [spmem:s8], $0x1000, $0x38;
	[tilespmem:$0x15210] =	vst v63  }
0x291: {  	_ =	swait.ge [sflag:s13], $0x1000  }
0x292: {  	[sflag:s13] =	ssyncset.done $0x0  }
0x293: {  	s0 =	simm.s32 $0x12FF0;
	[sflag:s13] =	ssyncadd.s32 $0xFFFFF000  }
0x294: {  	s1 =	simm.s32 $0x13FF0;
	v3 =	vld [tilespmem:s0+$0x0]  }
0x295: {  	v4 =	vld [tilespmem:s1+$0x0];
	_ =	sdelay $0x3  }
0x296: {  	(xrf2) =	vadd.scan.msk.f32 $0xffff, v3  }
0x297: {  	(xrf2) =	vadd.scan.msk.f32 $0xffff, v4;
	_ =	sdelay $0x3  }
0x298: {  	v3 =	vld [tilespmem:$0x14080]  }
0x299: {  	v4 =	vld [tilespmem:s0+$0xFFFFFFF0]  }
0x29a: {  	v5 =	vld [tilespmem:s1+$0xFFFFFFF0];
	_ =	sdelay $0x2  }
0x29b: {  	(v2sf) =	vpush v3, $0x0;
	v3, _, _ =	vpop (xrf2)  }
0x29c: {  	(xrf2) =	vadd.scan.msk.f32 $0xffff, v4;
	(v2sf) =	vpush v3, $0xF;
	v3, _, _ =	vpop (xrf2)  }
0x29d: {  	(xrf2) =	vadd.scan.msk.f32 $0xffff, v5;
	(v2sf) =	vpush v3, $0xF  }
0x29e: {  	v3 =	vld [tilespmem:s0+$0xFFFFFFE0]  }
0x29f: {  	v4 =	vld [tilespmem:s1+$0xFFFFFFE0];
	_ =	sdelay $0x3  }
0x2a0: {  	(xrf2) =	vadd.scan.msk.f32 $0xffff, v3  }
0x2a1: {  	(xrf2) =	vadd.scan.msk.f32 $0xffff, v4;
	_ =	sdelay $0x1  }
0x2a2: {  	v3, _, _ =	vpop (xrf2)  }
0x2a3: {  	(v2sf) =	vpush v3, $0xF;
	v3, _, _ =	vpop (xrf2)  }
0x2a4: {  	(v2sf) =	vpush v3, $0xF;
	v3 =	vld [tilespmem:s0+$0xFFFFFFD0]  }
0x2a5: {  	v4 =	vld [tilespmem:s1+$0xFFFFFFD0]  }
0x2a6: {  	s19 =	spop (v2sf)  }
0x2a7: {  	s22 =	spop (v2sf)  }
0x2a8: {  	s26 =	simm.s32 $0x12FB0;
	s23 =	spop (v2sf)  }
0x2a9: {  	(xrf2) =	vadd.scan.msk.f32 $0xffff, v3;
	v3 =	vld [tilespmem:s26+$0x0];
	v5, _, _ =	vpop (xrf2);
	s0 =	sadd.f32 s23, s22;
	s23 =	simm.s32 $0x13FB0  }
0x2aa: {  	(xrf2) =	vadd.scan.msk.f32 $0xffff, v4;
	(v2sf) =	vpush v5, $0xF;
	v5, _, _ =	vpop (xrf2);
	v4 =	vld [tilespmem:s23+$0x0]  }
0x2ab: {  	(v2sf) =	vpush v5, $0xF;
	_ =	sdelay $0x2  }
0x2ac: {  	s1 =	simm.f32 $0.0e+00;
	(xrf2) =	vadd.scan.msk.f32 $0xffff, v3  }
0x2ad: {  	s0 =	sadd.f32 s0, s1;
	(xrf2) =	vadd.scan.msk.f32 $0xffff, v4;
	_ =	sdelay $0x1  }
0x2ae: {  	p2 =	sgt.f32 s0, s19  }
0x2af: {  	p3 =	por $0x1, $0x1  }
0x2b0: {  	p2 =	por !p3, !p2  }
0x2b1: {  	s20 =	simm.s32 $0x0;
	s21 =	spop (v2sf);
	p2 =	por !p2, !p2;
	v3, _, _ =	vpop (xrf2)  }
0x2b2: {  	s22 =	spop (v2sf);
	s20 =	simm.s32 @p2 $0x1;
	(v2sf) =	vpush v3, $0xF;
	v3, _, _ =	vpop (xrf2)  }
0x2b3: {  	s21 =	sadd.f32 s22, s21;
	p3 =	sgt.s32 s20, $0x0;
	(v2sf) =	vpush v3, $0xF  }
0x2b4: {  	s0 =	smov.u32 @p3 s1  }
0x2b5: {  	v4 =	vld [tilespmem:s26+$0xFFFFFFF0];
	s30 =	sadd.f32 s0, s21;
	v3, _, _ =	vpop (xrf2)  }
0x2b6: {  	v5 =	vld [tilespmem:s23+$0xFFFFFFF0];
	s24 =	spop (v2sf);
	(v2sf) =	vpush v3, $0xF;
	v3, _, _ =	vpop (xrf2)  }
0x2b7: {  	p5 =	sgt.f32 s30, s19;
	s25 =	spop (v2sf);
	(v2sf) =	vpush v3, $0xF  }
0x2b8: {  	p4 =	seq.s32 s20, $0x0  }
0x2b9: {  	p3 =	por !p4, !p5  }
0x2ba: {  	(xrf2) =	vadd.scan.msk.f32 $0xffff, v4;
	p3 =	por !p3, !p3  }
0x2bb: {  	(xrf2) =	vadd.scan.msk.f32 $0xffff, v5;
	s20 =	simm.s32 @p3 $0x1;
	v3 =	vld [tilespmem:s26+$0xFFFFFFE0]  }
0x2bc: {  	s21 =	sadd.f32 s25, s24;
	p4 =	sgt.s32 s20, $0x0  }
0x2bd: {  	s30 =	smov.u32 @p4 s0  }
0x2be: {  	s29 =	sadd.f32 s30, s21  }
0x2bf: {  	s1 =	ssub.f32 s19, s1  }
0x2c0: {  	s22 =	simm.f32 $0.0e+00;
	p6 =	sgt.f32 s29, s19;
	(xrf2) =	vadd.scan.msk.f32 $0xffff, v3;
	v3 =	vld [tilespmem:s23+$0xFFFFFFE0]  }
0x2c1: {  	s22 =	smov.u32 @p2 s1;
	p5 =	seq.s32 s20, $0x0;
	s24 =	spop (v2sf)  }
0x2c2: {  	s21 =	simm.s32 $0x0;
	p4 =	por !p5, !p6;
	s25 =	spop (v2sf)  }
0x2c3: {  	p4 =	por !p4, !p4;
	s28 =	sadd.f32 s25, s24;
	s24 =	simm.s32 $0xFF  }
0x2c4: {  	s1 =	simm.s32 $0xFE;
	v6, _, _ =	vpop (xrf2);
	s20 =	simm.s32 @p4 $0x1;
	s21 =	smov.u32 @p2 s24  }
0x2c5: {  	(xrf2) =	vadd.scan.msk.f32 $0xffff, v3;
	v3, _, _ =	vpop (xrf2);
	s21 =	smov.u32 @p3 s1;
	s1 =	simm.s32 $0xFD;
	s31 =	spop (v2sf);
	(v2sf) =	vpush v6, $0xF  }
0x2c6: {  	v4 =	vld [tilespmem:s26+$0xFFFFFFD0];
	p5 =	sgt.s32 s20, $0x0;
	s21 =	smov.u32 @p4 s1;
	s1 =	spop (v2sf);
	(v2sf) =	vpush v3, $0xF  }
0x2c7: {  	s0 =	ssub.f32 s19, s0;
	s29 =	smov.u32 @p5 s30  }
0x2c8: {  	s28 =	sadd.f32 s29, s28  }
0x2c9: {  	v5 =	vld [tilespmem:s23+$0xFFFFFFD0]  }
0x2ca: {  	s22 =	smov.u32 @p3 s0;
	s0 =	ssub.f32 s19, s30;
	p5 =	sgt.f32 s28, s19  }
0x2cb: {  	p6 =	seq.s32 s20, $0x0;
	(xrf2) =	vadd.scan.msk.f32 $0xffff, v4  }
0x2cc: {  	s22 =	smov.u32 @p4 s0;
	s0 =	ssub.f32 s19, s29;
	p2 =	por !p6, !p5  }
0x2cd: {  	s26 =	simm.s32 $0x12F70;
	s25 =	simm.s32 $0x4;
	p3 =	por !p2, !p2  }
0x2ce: {  	s30 =	simm.s32 $0xFC;
	(xrf2) =	vadd.scan.msk.f32 $0xffff, v5;
	v3, _, _ =	vpop (xrf2);
	s22 =	smov.u32 @p3 s0;
	s20 =	simm.s32 @p3 $0x1  }
.LBB2_26:
0x2cf: {  	v4 =	vld [tilespmem:s26+$0x0];
	s0 =	sadd.f32 s1, s31;
	(v2sf) =	vpush v3, $0xF;
	v3, _, _ =	vpop (xrf2);
	s21 =	smov.u32 @p3 s30;
	p2 =	sgt.s32 s20, $0x0  }
0x2d0: {  	(v2sf) =	vpush v3, $0xF;
	s28 =	smov.u32 @p2 s29  }
0x2d1: {  	s23 =	sadd.s32 $0xFFFFFFC0, s23;
	s29 =	sadd.f32 s0, s28  }
0x2d2: {  	s0 =	ssub.f32 s19, s28;
	v3 =	vld [tilespmem:s23+$0x0]  }
0x2d3: {  	s25 =	sadd.s32 $0x4, s25;
	p3 =	sgt.f32 s29, s19  }
0x2d4: {  	p4 =	seq.s32 s20, $0x0;
	p2 =	slt.u32 s25, $0xFC;
	(xrf2) =	vadd.scan.msk.f32 $0xffff, v4;
	s1 =	spop (v2sf)  }
0x2d5: {  	p3 =	por !p4, !p3;
	s30 =	spop (v2sf);
	v4, _, _ =	vpop (xrf2)  }
0x2d6: {  	p3 =	por !p3, !p3;
	s1 =	sadd.f32 s30, s1  }
0x2d7: {  	s24 =	sadd.s32 $0xFFFFFFFC, s24;
	v5 =	vld [tilespmem:s26+$0xFFFFFFF0];
	(xrf2) =	vadd.scan.msk.f32 $0xffff, v3;
	s22 =	smov.u32 @p3 s0;
	s20 =	simm.s32 @p3 $0x1  }
0x2d8: {  	s21 =	smov.u32 @p3 s24;
	p4 =	sgt.s32 s20, $0x0;
	p3 =	seq.s32 s20, $0x0;
	(v2sf) =	vpush v4, $0xF;
	v3, _, _ =	vpop (xrf2)  }
0x2d9: {  	s29 =	smov.u32 @p4 s28;
	(v2sf) =	vpush v3, $0xF  }
0x2da: {  	v3 =	vld [tilespmem:s23+$0xFFFFFFF0];
	s0 =	sadd.f32 s29, s1  }
0x2db: {  	s1 =	ssub.f32 s19, s29  }
0x2dc: {  	(xrf2) =	vadd.scan.msk.f32 $0xffff, v5;
	p4 =	sgt.f32 s0, s19;
	_ =	sdelay $0x1  }
0x2dd: {  	v4, _, _ =	vpop (xrf2);
	p3 =	por !p3, !p4;
	s28 =	spop (v2sf)  }
0x2de: {  	(xrf2) =	vadd.scan.msk.f32 $0xffff, v3;
	p3 =	por !p3, !p3;
	s30 =	spop (v2sf)  }
0x2df: {  	s31 =	sadd.s32 $0xFFFFFFFF, s24;
	s22 =	smov.u32 @p3 s1;
	s20 =	simm.s32 @p3 $0x1  }
0x2e0: {  	s21 =	smov.u32 @p3 s31;
	s1 =	sadd.f32 s30, s28;
	v3 =	vld [tilespmem:s26+$0xFFFFFFE0];
	(v2sf) =	vpush v4, $0xF;
	v4, _, _ =	vpop (xrf2);
	p3 =	sgt.s32 s20, $0x0  }
0x2e1: {  	(v2sf) =	vpush v4, $0xF;
	s0 =	smov.u32 @p3 s29  }
0x2e2: {  	s29 =	sadd.f32 s0, s1  }
0x2e3: {  	s1 =	ssub.f32 s19, s0;
	v4 =	vld [tilespmem:s23+$0xFFFFFFE0]  }
0x2e4: {  	p3 =	sgt.f32 s29, s19  }
0x2e5: {  	p4 =	seq.s32 s20, $0x0;
	v5, _, _ =	vpop (xrf2);
	(xrf2) =	vadd.scan.msk.f32 $0xffff, v3  }
0x2e6: {  	p3 =	por !p4, !p3;
	s28 =	spop (v2sf)  }
0x2e7: {  	p3 =	por !p3, !p3;
	s30 =	spop (v2sf)  }
0x2e8: {  	s31 =	sadd.s32 $0xFFFFFFFE, s24;
	(v2sf) =	vpush v5, $0xF;
	v3, _, _ =	vpop (xrf2);
	(xrf2) =	vadd.scan.msk.f32 $0xffff, v4;
	s22 =	smov.u32 @p3 s1;
	s20 =	simm.s32 @p3 $0x1  }
0x2e9: {  	s21 =	smov.u32 @p3 s31;
	s1 =	sadd.f32 s30, s28;
	v4 =	vld [tilespmem:s26+$0xFFFFFFD0];
	(v2sf) =	vpush v3, $0xF;
	p3 =	sgt.s32 s20, $0x0  }
0x2ea: {  	s29 =	smov.u32 @p3 s0  }
0x2eb: {  	s28 =	sadd.f32 s29, s1  }
0x2ec: {  	s0 =	ssub.f32 s19, s29;
	v5 =	vld [tilespmem:s23+$0xFFFFFFD0]  }
.Ltmp13:
0x2ed: {  	p3 =	sgt.f32 s28, s19;
	(pc) =	sbr.rel @p2 .LBB2_26-.Ltmp13, $4  }
0x2ee: {  	p4 =	seq.s32 s20, $0x0;
	(xrf2) =	vadd.scan.msk.f32 $0xffff, v4  }
0x2ef: {  	s31 =	spop (v2sf);
	v3, _, _ =	vpop (xrf2);
	p3 =	por !p4, !p3  }
0x2f0: {  	s26 =	sadd.s32 $0xFFFFFFC0, s26;
	s1 =	spop (v2sf);
	p3 =	por !p3, !p3  }
0x2f1: {  	s30 =	sadd.s32 $0xFFFFFFFD, s24;
	(xrf2) =	vadd.scan.msk.f32 $0xffff, v5;
	s22 =	smov.u32 @p3 s0;
	s20 =	simm.s32 @p3 $0x1  }
0x2f2: {  	s0 =	sadd.f32 s1, s31;
	p2 =	sgt.s32 s20, $0x0  }
0x2f3: {  	(v2sf) =	vpush v3, $0xF;
	v3, _, _ =	vpop (xrf2);
	s28 =	smov.u32 @p2 s29  }
0x2f4: {  	(v2sf) =	vpush v3, $0xF;
	s0 =	sadd.f32 s0, s28;
	_ =	sdelay $0x1  }
0x2f5: {  	p5 =	sgt.f32 s0, s19  }
0x2f6: {  	p4 =	seq.s32 s20, $0x0  }
0x2f7: {  	p2 =	por !p4, !p5  }
0x2f8: {  	s26 =	spop (v2sf);
	p2 =	por !p2, !p2  }
0x2f9: {  	s23 =	spop (v2sf);
	s20 =	simm.s32 @p2 $0x1  }
0x2fa: {  	v3, _, _ =	vpop (xrf2);
	s1 =	sadd.f32 s23, s26;
	p4 =	sgt.s32 s20, $0x0  }
0x2fb: {  	(v2sf) =	vpush v3, $0xF;
	v3, _, _ =	vpop (xrf2);
	s0 =	smov.u32 @p4 s28  }
0x2fc: {  	(v2sf) =	vpush v3, $0xF;
	s1 =	sadd.f32 s0, s1;
	_ =	sdelay $0x1  }
0x2fd: {  	p6 =	sgt.f32 s1, s19  }
0x2fe: {  	p5 =	seq.s32 s20, $0x0;
	v3 =	vld [tilespmem:$0x14000]  }
0x2ff: {  	p4 =	por !p5, !p6  }
0x300: {  	s29 =	spop (v2sf);
	p4 =	por !p4, !p4  }
0x301: {  	s25 =	spop (v2sf);
	s20 =	simm.s32 @p4 $0x1  }
0x302: {  	s23 =	sadd.f32 s25, s29;
	p5 =	sgt.s32 s20, $0x0  }
0x303: {  	(v2sf) =	vpush v3, $0x0;
	s1 =	smov.u32 @p5 s0  }
0x304: {  	s23 =	sadd.f32 s1, s23;
	_ =	sdelay $0x1  }
0x305: {  	p5 =	sgt.f32 s23, s19  }
0x306: {  	p6 =	seq.s32 s20, $0x0  }
0x307: {  	p5 =	por !p6, !p5  }
0x308: {  	s21 =	smov.u32 @p3 s30;
	s31 =	spop (v2sf);
	p3 =	por !p5, !p5  }
0x309: {  	s26 =	ssub.f32 s19, s28;
	s29 =	spop (v2sf);
	s20 =	simm.s32 @p3 $0x1  }
0x30a: {  	s25 =	sadd.f32 s29, s31;
	p5 =	sgt.s32 s20, $0x0  }
0x30b: {  	s24 =	sadd.s32 $0xFFFFFFFC, s24;
	s0 =	ssub.f32 s19, s0;
	s23 =	smov.u32 @p5 s1  }
0x30c: {  	s21 =	smov.u32 @p2 s24;
	s22 =	smov.u32 @p2 s26;
	s25 =	sadd.f32 s23, s25  }
0x30d: {  	s26 =	sadd.s32 $0xFFFFFFFF, s24;
	s22 =	smov.u32 @p4 s0;
	s0 =	ssub.f32 s19, s1  }
0x30e: {  	s21 =	smov.u32 @p4 s26;
	p5 =	sgt.f32 s25, s19  }
0x30f: {  	s22 =	smov.u32 @p3 s0;
	p6 =	seq.s32 s20, $0x0;
	s1 =	sadd.s32 $0xFFFFFFFE, s24  }
0x310: {  	s21 =	smov.u32 @p3 s1;
	s0 =	ssub.f32 s19, s23;
	p2 =	por !p6, !p5  }
0x311: {  	s1 =	sadd.s32 $0xFFFFFFFD, s24;
	s30 =	spop (v2sf);
	p2 =	por !p2, !p2  }
0x312: {  	s31 =	sshll.u32 s30, $0x8;
	s22 =	smov.u32 @p2 s0;
	s21 =	smov.u32 @p2 s1  }
0x313: {  	v3 =	vmov s22;
	s0 =	sadd.s32 s21, s31  }
0x314: {  	[tilespmem:$0x14080] =	vst v3;
	v3 =	vmov s0  }
0x315: {  	[tilespmem:$0x14000] =	vst v3  }
0x316: {  	[spmem:s5] =	stream.linear.scatter [tilespmem:s16], [sflag:$0x1], $0x10, $0x38;
	[tilespmem:$0x15210] =	vst v63  }
.Ltmp14:
0x317: {  	_ =	swait.ge [sflag:s13], $0x10;
	(pc) =	sbr.rel .LBB2_28-.Ltmp14, $3  }
0x318: {  	[sflag:s13] =	ssyncset.done $0x0  }
0x319: {  	[sflag:s13] =	ssyncadd.s32 $0xFFFFFFF0  }
0x31a: {  	[bflag:$0x0] =	sbarrier.arrive $0xFFFF;
	_ =	sdelay $0x1  }
.LBB2_24:
0x31b: {  	[bflag:$0x0] =	sbarrier.arrive $0xFFFF  }
0x31c: {  	[tilespmem:s16], [sflag:$0x1] =	stream.linear.gather [spmem:s7], $0x10, $0x38;
	[tilespmem:$0x15210] =	vst v63  }
0x31d: {  	_ =	swait.ge [sflag:s13], $0x10  }
0x31e: {  	[sflag:s13] =	ssyncset.done $0x0  }
0x31f: {  	[sflag:s13] =	ssyncadd.s32 $0xFFFFFFF0  }
.LBB2_28:
0x320: {  	s19 =	simm.s32 $0x12080  }
0x321: {  	[tilespmem:s19+$0xFFFFFF80] =	vst v0  }
0x322: {  	[tilespmem:s19+$0x70] =	vst v0  }
0x323: {  	[tilespmem:s19+$0x60] =	vst v0  }
0x324: {  	[tilespmem:s19+$0x50] =	vst v0  }
0x325: {  	[tilespmem:s19+$0x40] =	vst v0  }
0x326: {  	[tilespmem:s19+$0x30] =	vst v0  }
0x327: {  	[tilespmem:s19+$0x20] =	vst v0  }
0x328: {  	[tilespmem:s19+$0x10] =	vst v0  }
0x329: {  	[tilespmem:s19+$0x0] =	vst v0  }
0x32a: {  	[tilespmem:s19+$0xFFFFFFF0] =	vst v0  }
0x32b: {  	[tilespmem:s19+$0xFFFFFFE0] =	vst v0  }
0x32c: {  	[tilespmem:s19+$0xFFFFFFD0] =	vst v0  }
0x32d: {  	[tilespmem:s19+$0xFFFFFFC0] =	vst v0  }
0x32e: {  	[tilespmem:s19+$0xFFFFFFB0] =	vst v0  }
0x32f: {  	s20 =	simm.s32 $0x0;
	[tilespmem:s19+$0xFFFFFFA0] =	vst v0  }
.LBB2_29:
0x330: {  	s20 =	sadd.s32 $0x10, s20;
	[tilespmem:s19+$0xFFFFFF90] =	vst v0;
	s19 =	sadd.s32 $0x100, s19  }
0x331: {  	[tilespmem:s19+$0xFFFFFF80] =	vst v0;
	p2 =	slt.u32 s20, $0xF0  }
0x332: {  	[tilespmem:s19+$0x70] =	vst v0  }
0x333: {  	[tilespmem:s19+$0x60] =	vst v0  }
0x334: {  	[tilespmem:s19+$0x50] =	vst v0  }
0x335: {  	[tilespmem:s19+$0x40] =	vst v0  }
0x336: {  	[tilespmem:s19+$0x30] =	vst v0  }
0x337: {  	[tilespmem:s19+$0x20] =	vst v0  }
0x338: {  	[tilespmem:s19+$0x10] =	vst v0  }
0x339: {  	[tilespmem:s19+$0x0] =	vst v0  }
0x33a: {  	[tilespmem:s19+$0xFFFFFFF0] =	vst v0  }
.Ltmp15:
0x33b: {  	[tilespmem:s19+$0xFFFFFFE0] =	vst v0;
	(pc) =	sbr.rel @p2 .LBB2_29-.Ltmp15, $4  }
0x33c: {  	[tilespmem:s19+$0xFFFFFFD0] =	vst v0  }
0x33d: {  	[tilespmem:s19+$0xFFFFFFC0] =	vst v0  }
0x33e: {  	[tilespmem:s19+$0xFFFFFFB0] =	vst v0  }
0x33f: {  	[tilespmem:s19+$0xFFFFFFA0] =	vst v0  }
0x340: {  	[tilespmem:s19+$0xFFFFFF90] =	vst v0;
	s20 =	simm.s32 $0x80  }
0x341: {  	v4 =	vld [tilespmem:s20+$0x30]  }
0x342: {  	v3 =	vld.msk [tilespmem:$0x14000 ss:$0x0], $0xffff  }
0x343: {  	v5 =	vld [tilespmem:s20+$0x50]  }
0x344: {  	v14 =	vld [tilespmem:s20+$0xFFFFFFD0]  }
0x345: {  	v19 =	vld [tilespmem:s20+$0xFFFFFFB0]  }
0x346: {  	v11 =	vld [tilespmem:s20+$0xFFFFFFF0]  }
0x347: {  	v6 =	vld [tilespmem:s20+$0x60]  }
0x348: {  	v9 =	vld [tilespmem:s20+$0x10]  }
0x349: {  	v7 =	vshrl.u32 v4, $0x7;
	v4 =	vshll.u32 v4, $0x4;
	v22 =	vshrl.u32 v14, $0x7  }
0x34a: {  	v12 =	vld [tilespmem:s20+$0xFFFFFFE0];
	v15 =	vshll.u32 v19, $0x4;
	v7 =	vand.u32 $0xFFFFFF, v7;
	v4 =	vor.u32 v1, v4  }
0x34b: {  	v23 =	vor.u32 v1, v15;
	v15 =	vshrl.u32 v11, $0x7;
	vm0 =	veq.s32 v7, v3  }
0x34c: {  	v7 =	vshll.u32 v5, $0x4;
	v5 =	vshrl.u32 v5, $0x7;
	v18 =	vand.u32 $0x7FF, v4  }
0x34d: {  	v21 =	vld [tilespmem:s20+$0xFFFFFF90];
	v4 =	vshrl.u32 v9, $0x7;
	v10 =	vor.u32 v1, v7;
	v7 =	vshrl.u32 v6, $0x7  }
0x34e: {  	v8 =	vld [tilespmem:s20+$0x0];
	v5 =	vand.u32 $0xFFFFFF, v5;
	v6 =	vshll.u32 v6, $0x4;
	v13 =	vand.u32 $0xFFFFFF, v4  }
0x34f: {  	v4 =	vshll.u32 v12, $0x4;
	v12 =	vshrl.u32 v12, $0x7;
	v7 =	vand.u32 $0xFFFFFF, v7  }
0x350: {  	v16 =	vld [tilespmem:s20+$0xFFFFFFC0];
	vm2 =	veq.s32 v5, v3;
	v5 =	vor.u32 v1, v6;
	v6 =	vshll.u32 v11, $0x4  }
0x351: {  	v4 =	vor.u32 v1, v4;
	vm3 =	veq.s32 v13, v3;
	v11 =	vshll.u32 v14, $0x4  }
0x352: {  	v20 =	vld [tilespmem:s20+$0xFFFFFFA0];
	v14 =	vshll.u32 v21, $0x4;
	vm1 =	veq.s32 v7, v3;
	v17 =	vand.u32 $0x7FF, v5  }
0x353: {  	v7 =	vshrl.u32 v8, $0x7;
	v5 =	vshll.u32 v9, $0x4;
	v9 =	vand.u32 $0x7FF, v10  }
0x354: {  	v8 =	vshll.u32 v8, $0x4;
	v14 =	vor.u32 v1, v14;
	v62 =	vor.u32 v1, v11  }
0x355: {  	v5 =	vor.u32 v1, v5;
	v10 =	vor.u32 v1, v8;
	v8 =	vshll.u32 v16, $0x4  }
0x356: {  	v11 =	vand.u32 $0x7FF, v14;
	v14 =	vld [tilespmem:s20+$0x20];
	v13 =	vor.u32 v1, v8;
	v8 =	vand.u32 $0x7FF, v5  }
0x357: {  	v63 =	vand.u32 $0xFFFFFF, v12;
	v12 =	vand.u32 $0xFFFFFF, v22;
	v5 =	vshrl.u32 v20, $0x7;
	[tilespmem:v18+s14+$0x0] =	vst.idx.add.f32.msk vm0, v2  }
0x358: {  	v6 =	vor.u32 v1, v6;
	v4 =	vand.u32 $0x7FF, v4;
	v24 =	vand.u32 $0xFFFFFF, v5;
	[tilespmem:v9+s14+$0x0] =	vst.idx.add.f32.msk vm2, v2  }
0x359: {  	v5 =	vand.u32 $0x7FF, v23;
	v18 =	vshll.u32 v20, $0x4;
	vm0 =	veq.s32 v12, v3;
	[tilespmem:v17+s14+$0x0] =	vst.idx.add.f32.msk vm1, v2  }
0x35a: {  	v12 =	vor.u32 v1, v18;
	v9 =	vshrl.u32 v21, $0x7;
	vm2 =	veq.s32 v24, v3;
	v17 =	vld [tilespmem:s20+$0xFFFFFF80]  }
0x35b: {  	v12 =	vand.u32 $0x7FF, v12;
	v9 =	vand.u32 $0xFFFFFF, v9;
	[tilespmem:v8+s14+$0x0] =	vst.idx.add.f32.msk vm3, v2;
	v8 =	vshrl.u32 v19, $0x7  }
0x35c: {  	v18 =	vld [tilespmem:s20+$0x70];
	vm4 =	veq.s32 v9, v3;
	v9 =	vshrl.u32 v16, $0x7;
	v16 =	vand.u32 $0xFFFFFF, v8  }
0x35d: {  	s19 =	simm.s32 $0x0;
	vm3 =	veq.s32 v63, v3;
	v8 =	vand.u32 $0x7FF, v62;
	vm1 =	veq.s32 v16, v3;
	v16 =	vld [tilespmem:s20+$0x40];
	s20 =	simm.s32 $0x180  }
.LBB2_31:
0x35e: {  	v19 =	vld [tilespmem:s20+$0x30];
	s19 =	sadd.s32 $0x10, s19;
	v20 =	vand.u32 $0xFFFFFF, v9;
	v9 =	vand.u32 $0xFFFFFF, v15;
	v7 =	vand.u32 $0xFFFFFF, v7  }
0x35f: {  	v13 =	vand.u32 $0x7FF, v13;
	v21 =	vld [tilespmem:s20+$0xFFFFFF90];
	p2 =	slt.u32 s19, $0x11F0;
	vm7 =	veq.s32 v9, v3;
	v15 =	vshrl.u32 v14, $0x7  }
0x360: {  	vm9 =	veq.s32 v7, v3;
	v9 =	vld [tilespmem:s20+$0xFFFFFFA0];
	v22 =	vshrl.u32 v17, $0x7;
	v17 =	vshll.u32 v17, $0x4  }
0x361: {  	v23 =	vld [tilespmem:s20+$0xFFFFFFB0];
	v7 =	vand.u32 $0xFFFFFF, v22;
	v22 =	vshrl.u32 v18, $0x7;
	v18 =	vshll.u32 v18, $0x4  }
0x362: {  	v6 =	vand.u32 $0x7FF, v6;
	v10 =	vand.u32 $0x7FF, v10;
	v24 =	vld [tilespmem:s20+$0x50];
	v18 =	vor.u32 v1, v18  }
0x363: {  	vm6 =	veq.s32 v7, v3;
	v25 =	vld [tilespmem:s20+$0xFFFFFFC0];
	v26 =	vshrl.u32 v19, $0x7;
	v19 =	vshll.u32 v19, $0x4  }
0x364: {  	vm10 =	veq.s32 v20, v3;
	v27 =	vld [tilespmem:s20+$0xFFFFFFD0];
	v7 =	vor.u32 v1, v19;
	v19 =	vshll.u32 v16, $0x4  }
0x365: {  	v14 =	vshll.u32 v14, $0x4;
	v20 =	vand.u32 $0xFFFFFF, v26;
	v26 =	vld [tilespmem:s20+$0x60];
	v19 =	vor.u32 v1, v19  }
0x366: {  	v14 =	vor.u32 v1, v14;
	vm5 =	veq.s32 v20, v3;
	v28 =	vld [tilespmem:s20+$0xFFFFFFE0];
	v19 =	vand.u32 $0x7FF, v19  }
0x367: {  	v17 =	vor.u32 v1, v17;
	v22 =	vand.u32 $0xFFFFFF, v22;
	v16 =	vshrl.u32 v16, $0x7;
	v20 =	vld [tilespmem:s20+$0x0]  }
0x368: {  	v18 =	vand.u32 $0x7FF, v18;
	v16 =	vand.u32 $0xFFFFFF, v16;
	v30 =	vshll.u32 v24, $0x4;
	v29 =	vld [tilespmem:s20+$0xFFFFFFF0]  }
0x369: {  	v24 =	vshrl.u32 v24, $0x7;
	v30 =	vor.u32 v1, v30;
	[tilespmem:v11+s14+$0x0] =	vst.idx.add.f32.msk vm4, v2;
	vm4 =	veq.s32 v16, v3  }
0x36a: {  	v16 =	vand.u32 $0xFFFFFF, v24;
	v11 =	vld [tilespmem:s20+$0x10];
	v24 =	vshrl.u32 v26, $0x7;
	v26 =	vshll.u32 v26, $0x4  }
0x36b: {  	vm8 =	veq.s32 v16, v3;
	v16 =	vand.u32 $0xFFFFFF, v24;
	v24 =	vor.u32 v1, v26;
	[tilespmem:v10+s14+$0x0] =	vst.idx.add.f32.msk vm9, v2  }
0x36c: {  	v10 =	vand.u32 $0xFFFFFF, v15;
	vm9 =	veq.s32 v16, v3;
	v16 =	vand.u32 $0x7FF, v24;
	[tilespmem:v13+s14+$0x0] =	vst.idx.add.f32.msk vm10, v2  }
0x36d: {  	v24 =	vand.u32 $0x7FF, v7;
	v13 =	vand.u32 $0x7FF, v17;
	[tilespmem:v12+s14+$0x0] =	vst.idx.add.f32.msk vm2, v2;
	vm2 =	veq.s32 v10, v3  }
0x36e: {  	v7 =	vshrl.u32 v20, $0x7;
	v12 =	vand.u32 $0x7FF, v14;
	[tilespmem:v6+s14+$0x0] =	vst.idx.add.f32.msk vm7, v2;
	vm7 =	veq.s32 v22, v3  }
0x36f: {  	v6 =	vshrl.u32 v11, $0x7;
	v10 =	vshll.u32 v11, $0x4;
	v11 =	vand.u32 $0x7FF, v30;
	[tilespmem:v8+s14+$0x0] =	vst.idx.add.f32.msk vm0, v2  }
0x370: {  	v8 =	vshll.u32 v29, $0x4;
	v14 =	vand.u32 $0xFFFFFF, v6;
	v15 =	vor.u32 v1, v10;
	[tilespmem:v4+s14+$0x0] =	vst.idx.add.f32.msk vm3, v2  }
0x371: {  	v4 =	vshll.u32 v28, $0x4;
	v6 =	vor.u32 v1, v8;
	v8 =	vshll.u32 v20, $0x4;
	[tilespmem:v5+s14+$0x0] =	vst.idx.add.f32.msk vm1, v2  }
0x372: {  	v17 =	vshrl.u32 v27, $0x7;
	v4 =	vor.u32 v1, v4;
	v10 =	vor.u32 v1, v8;
	[tilespmem:v13+s14+$0x0] =	vst.idx.add.f32.msk vm6, v2  }
0x373: {  	v5 =	vshll.u32 v25, $0x4;
	vm0 =	veq.s32 v14, v3;
	v4 =	vand.u32 $0x7FF, v4;
	[tilespmem:v12+s14+$0x0] =	vst.idx.add.f32.msk vm2, v2  }
0x374: {  	v8 =	vshll.u32 v23, $0x4;
	v13 =	vor.u32 v1, v5;
	v12 =	vand.u32 $0x7FF, v15;
	[tilespmem:v18+s14+$0x0] =	vst.idx.add.f32.msk vm7, v2  }
0x375: {  	v5 =	vshrl.u32 v9, $0x7;
	v8 =	vor.u32 v1, v8;
	v15 =	vshrl.u32 v29, $0x7;
	[tilespmem:v19+s14+$0x0] =	vst.idx.add.f32.msk vm4, v2  }
0x376: {  	v14 =	vand.u32 $0xFFFFFF, v5;
	v5 =	vand.u32 $0x7FF, v8;
	v8 =	vshll.u32 v27, $0x4;
	[tilespmem:v11+s14+$0x0] =	vst.idx.add.f32.msk vm8, v2  }
0x377: {  	v18 =	vshll.u32 v21, $0x4;
	v19 =	vshrl.u32 v28, $0x7;
	v11 =	vshrl.u32 v21, $0x7;
	[tilespmem:v16+s14+$0x0] =	vst.idx.add.f32.msk vm9, v2  }
0x378: {  	v8 =	vor.u32 v1, v8;
	v11 =	vand.u32 $0xFFFFFF, v11;
	v16 =	vor.u32 v1, v18;
	[tilespmem:v24+s14+$0x0] =	vst.idx.add.f32.msk vm5, v2  }
.Ltmp16:
0x379: {  	vm4 =	veq.s32 v11, v3;
	v11 =	vand.u32 $0x7FF, v16;
	v16 =	vand.u32 $0xFFFFFF, v19;
	[tilespmem:v12+s14+$0x0] =	vst.idx.add.f32.msk vm0, v2;
	(pc) =	sbr.rel @p2 .LBB2_31-.Ltmp16, $4  }
0x37a: {  	vm2 =	veq.s32 v14, v3;
	v18 =	vand.u32 $0xFFFFFF, v17;
	v12 =	vshrl.u32 v23, $0x7;
	v14 =	vld [tilespmem:s20+$0x20]  }
0x37b: {  	v19 =	vshll.u32 v9, $0x4;
	v9 =	vshrl.u32 v25, $0x7;
	vm0 =	veq.s32 v18, v3;
	v17 =	vld [tilespmem:s20+$0xFFFFFF80]  }
0x37c: {  	v8 =	vand.u32 $0x7FF, v8;
	v19 =	vor.u32 v1, v19;
	v20 =	vand.u32 $0xFFFFFF, v12;
	v18 =	vld [tilespmem:s20+$0x70]  }
0x37d: {  	vm3 =	veq.s32 v16, v3;
	v12 =	vand.u32 $0x7FF, v19;
	vm1 =	veq.s32 v20, v3;
	v16 =	vld [tilespmem:s20+$0x40];
	s20 =	sadd.s32 $0x100, s20  }
0x37e: {  	v7 =	vand.u32 $0xFFFFFF, v7;
	v9 =	vand.u32 $0xFFFFFF, v9  }
0x37f: {  	v47 =	vand.u32 $0xFFFFFF, v15;
	v10 =	vand.u32 $0x7FF, v10;
	v48 =	vand.u32 $0x7FF, v13  }
0x380: {  	v6 =	vand.u32 $0x7FF, v6;
	vm5 =	veq.s32 v7, v3;
	vm6 =	veq.s32 v9, v3  }
0x381: {  	vm7 =	veq.s32 v47, v3;
	v49 =	vshrl.u32 v14, $0x7;
	v54 =	vshll.u32 v14, $0x4  }
0x382: {  	v50 =	vshrl.u32 v17, $0x7;
	v51 =	vshll.u32 v17, $0x4;
	v56 =	vor.u32 v1, v54  }
0x383: {  	[tilespmem:v11+s14+$0x0] =	vst.idx.add.f32.msk vm4, v2;
	v7 =	vand.u32 $0xFFFFFF, v49;
	v13 =	vand.u32 $0xFFFFFF, v50;
	v52 =	vshll.u32 v18, $0x4  }
0x384: {  	[tilespmem:v12+s14+$0x0] =	vst.idx.add.f32.msk vm2, v2;
	v53 =	vshrl.u32 v18, $0x7;
	v57 =	vor.u32 v1, v51;
	vm13 =	veq.s32 v7, v3  }
0x385: {  	[tilespmem:v8+s14+$0x0] =	vst.idx.add.f32.msk vm0, v2;
	v61 =	vand.u32 $0x7FF, v56;
	v17 =	vor.u32 v1, v52;
	v59 =	vand.u32 $0xFFFFFF, v53  }
0x386: {  	[tilespmem:v4+s14+$0x0] =	vst.idx.add.f32.msk vm3, v2;
	vm12 =	veq.s32 v13, v3;
	v58 =	vshrl.u32 v16, $0x7;
	vm14 =	veq.s32 v59, v3  }
0x387: {  	[tilespmem:v5+s14+$0x0] =	vst.idx.add.f32.msk vm1, v2;
	v55 =	vshll.u32 v16, $0x4;
	v60 =	vand.u32 $0xFFFFFF, v58;
	v63 =	vand.u32 $0x7FF, v17  }
0x388: {  	v62 =	vor.u32 v1, v55;
	vm15 =	veq.s32 v60, v3;
	[tilespmem:v10+s14+$0x0] =	vst.idx.add.f32.msk vm5, v2;
	v10 =	vand.u32 $0x7FF, v57  }
0x389: {  	v3 =	vand.u32 $0x7FF, v62;
	[tilespmem:v48+s14+$0x0] =	vst.idx.add.f32.msk vm6, v2  }
0x38a: {  	[tilespmem:v6+s14+$0x0] =	vst.idx.add.f32.msk vm7, v2  }
0x38b: {  	[tilespmem:v61+s14+$0x0] =	vst.idx.add.f32.msk vm13, v2  }
0x38c: {  	[tilespmem:v63+s14+$0x0] =	vst.idx.add.f32.msk vm14, v2  }
0x38d: {  	[tilespmem:v10+s14+$0x0] =	vst.idx.add.f32.msk vm12, v2  }
0x38e: {  	[tilespmem:v3+s14+$0x0] =	vst.idx.add.f32.msk vm15, v2  }
0x38f: {  	[spmem:s4] =	stream.linear.scatter [tilespmem:s14], [sflag:$0x1], $0x1000, $0x38;
	[tilespmem:$0x15210] =	vst v63  }
.Ltmp17:
0x390: {  	_ =	swait.ge [sflag:s13], $0x1000;
	(pc) =	sbr.rel @!p1 .LBB2_33-.Ltmp17, $3  }
0x391: {  	[sflag:s13] =	ssyncset.done $0x0  }
0x392: {  	[sflag:s13] =	ssyncadd.s32 $0xFFFFF000  }
0x393: {  	[bflag:$0x0] =	sbarrier.arrive $0xFFFF;
	_ =	sdelay $0x1  }
0x394: {  	[tilespmem:s15], [sflag:$0x1] =	stream.linear.gather [spmem:s8], $0x1000, $0x38;
	[tilespmem:$0x15210] =	vst v63  }
0x395: {  	_ =	swait.ge [sflag:s13], $0x1000  }
0x396: {  	[sflag:s13] =	ssyncset.done $0x0  }
0x397: {  	s0 =	simm.s32 $0x127F0;
	[sflag:s13] =	ssyncadd.s32 $0xFFFFF000  }
0x398: {  	s1 =	simm.s32 $0x137F0;
	v3 =	vld [tilespmem:s0+$0x0]  }
0x399: {  	v4 =	vld [tilespmem:s1+$0x0];
	_ =	sdelay $0x3  }
0x39a: {  	(xrf2) =	vadd.scan.msk.f32 $0xffff, v3  }
0x39b: {  	(xrf2) =	vadd.scan.msk.f32 $0xffff, v4;
	_ =	sdelay $0x3  }
0x39c: {  	v3 =	vld [tilespmem:$0x14080]  }
0x39d: {  	v4 =	vld [tilespmem:s0+$0xFFFFFFF0]  }
0x39e: {  	v5 =	vld [tilespmem:s1+$0xFFFFFFF0];
	_ =	sdelay $0x2  }
0x39f: {  	(v2sf) =	vpush v3, $0x0;
	v3, _, _ =	vpop (xrf2)  }
0x3a0: {  	(xrf2) =	vadd.scan.msk.f32 $0xffff, v4;
	(v2sf) =	vpush v3, $0xF;
	v3, _, _ =	vpop (xrf2)  }
0x3a1: {  	(xrf2) =	vadd.scan.msk.f32 $0xffff, v5;
	(v2sf) =	vpush v3, $0xF  }
0x3a2: {  	v3 =	vld [tilespmem:s0+$0xFFFFFFE0]  }
0x3a3: {  	v4 =	vld [tilespmem:s1+$0xFFFFFFE0];
	_ =	sdelay $0x3  }
0x3a4: {  	(xrf2) =	vadd.scan.msk.f32 $0xffff, v3  }
0x3a5: {  	(xrf2) =	vadd.scan.msk.f32 $0xffff, v4;
	_ =	sdelay $0x1  }
0x3a6: {  	v3, _, _ =	vpop (xrf2)  }
0x3a7: {  	(v2sf) =	vpush v3, $0xF;
	v3, _, _ =	vpop (xrf2)  }
0x3a8: {  	(v2sf) =	vpush v3, $0xF;
	v3 =	vld [tilespmem:s0+$0xFFFFFFD0]  }
0x3a9: {  	v4 =	vld [tilespmem:s1+$0xFFFFFFD0]  }
0x3aa: {  	s19 =	spop (v2sf)  }
0x3ab: {  	s22 =	spop (v2sf)  }
0x3ac: {  	s26 =	simm.s32 $0x127B0;
	s23 =	spop (v2sf)  }
0x3ad: {  	(xrf2) =	vadd.scan.msk.f32 $0xffff, v3;
	v3 =	vld [tilespmem:s26+$0x0];
	v5, _, _ =	vpop (xrf2);
	s0 =	sadd.f32 s23, s22;
	s23 =	simm.s32 $0x137B0  }
0x3ae: {  	(xrf2) =	vadd.scan.msk.f32 $0xffff, v4;
	(v2sf) =	vpush v5, $0xF;
	v5, _, _ =	vpop (xrf2);
	v4 =	vld [tilespmem:s23+$0x0]  }
0x3af: {  	(v2sf) =	vpush v5, $0xF;
	_ =	sdelay $0x2  }
0x3b0: {  	s1 =	simm.f32 $0.0e+00;
	(xrf2) =	vadd.scan.msk.f32 $0xffff, v3  }
0x3b1: {  	s0 =	sadd.f32 s0, s1;
	(xrf2) =	vadd.scan.msk.f32 $0xffff, v4;
	_ =	sdelay $0x1  }
0x3b2: {  	p2 =	sgt.f32 s0, s19  }
0x3b3: {  	p3 =	por $0x1, $0x1  }
0x3b4: {  	p2 =	por !p3, !p2  }
0x3b5: {  	s20 =	simm.s32 $0x0;
	s21 =	spop (v2sf);
	p2 =	por !p2, !p2;
	v3, _, _ =	vpop (xrf2)  }
0x3b6: {  	s22 =	spop (v2sf);
	s20 =	simm.s32 @p2 $0x1;
	(v2sf) =	vpush v3, $0xF;
	v3, _, _ =	vpop (xrf2)  }
0x3b7: {  	s21 =	sadd.f32 s22, s21;
	p3 =	sgt.s32 s20, $0x0;
	(v2sf) =	vpush v3, $0xF  }
0x3b8: {  	s0 =	smov.u32 @p3 s1  }
0x3b9: {  	v4 =	vld [tilespmem:s26+$0xFFFFFFF0];
	s30 =	sadd.f32 s0, s21;
	v3, _, _ =	vpop (xrf2)  }
0x3ba: {  	v5 =	vld [tilespmem:s23+$0xFFFFFFF0];
	s24 =	spop (v2sf);
	(v2sf) =	vpush v3, $0xF;
	v3, _, _ =	vpop (xrf2)  }
0x3bb: {  	p5 =	sgt.f32 s30, s19;
	s25 =	spop (v2sf);
	(v2sf) =	vpush v3, $0xF  }
0x3bc: {  	p4 =	seq.s32 s20, $0x0  }
0x3bd: {  	p3 =	por !p4, !p5  }
0x3be: {  	(xrf2) =	vadd.scan.msk.f32 $0xffff, v4;
	p3 =	por !p3, !p3  }
0x3bf: {  	(xrf2) =	vadd.scan.msk.f32 $0xffff, v5;
	s20 =	simm.s32 @p3 $0x1;
	v3 =	vld [tilespmem:s26+$0xFFFFFFE0]  }
0x3c0: {  	s21 =	sadd.f32 s25, s24;
	p4 =	sgt.s32 s20, $0x0  }
0x3c1: {  	s30 =	smov.u32 @p4 s0  }
0x3c2: {  	s29 =	sadd.f32 s30, s21  }
0x3c3: {  	s1 =	ssub.f32 s19, s1  }
0x3c4: {  	s22 =	simm.f32 $0.0e+00;
	p6 =	sgt.f32 s29, s19;
	(xrf2) =	vadd.scan.msk.f32 $0xffff, v3;
	v3 =	vld [tilespmem:s23+$0xFFFFFFE0]  }
0x3c5: {  	s22 =	smov.u32 @p2 s1;
	p5 =	seq.s32 s20, $0x0;
	s24 =	spop (v2sf)  }
0x3c6: {  	s21 =	simm.s32 $0x0;
	p4 =	por !p5, !p6;
	s25 =	spop (v2sf)  }
0x3c7: {  	p4 =	por !p4, !p4;
	s28 =	sadd.f32 s25, s24;
	s24 =	simm.s32 $0x7F  }
0x3c8: {  	s1 =	simm.s32 $0x7E;
	v6, _, _ =	vpop (xrf2);
	s20 =	simm.s32 @p4 $0x1;
	s21 =	smov.u32 @p2 s24  }
0x3c9: {  	(xrf2) =	vadd.scan.msk.f32 $0xffff, v3;
	v3, _, _ =	vpop (xrf2);
	s21 =	smov.u32 @p3 s1;
	s1 =	simm.s32 $0x7D;
	s31 =	spop (v2sf);
	(v2sf) =	vpush v6, $0xF  }
0x3ca: {  	v4 =	vld [tilespmem:s26+$0xFFFFFFD0];
	p5 =	sgt.s32 s20, $0x0;
	s21 =	smov.u32 @p4 s1;
	s1 =	spop (v2sf);
	(v2sf) =	vpush v3, $0xF  }
0x3cb: {  	s0 =	ssub.f32 s19, s0;
	s29 =	smov.u32 @p5 s30  }
0x3cc: {  	s28 =	sadd.f32 s29, s28  }
0x3cd: {  	v5 =	vld [tilespmem:s23+$0xFFFFFFD0]  }
0x3ce: {  	s22 =	smov.u32 @p3 s0;
	s0 =	ssub.f32 s19, s30;
	p5 =	sgt.f32 s28, s19  }
0x3cf: {  	p6 =	seq.s32 s20, $0x0;
	(xrf2) =	vadd.scan.msk.f32 $0xffff, v4  }
0x3d0: {  	s22 =	smov.u32 @p4 s0;
	s0 =	ssub.f32 s19, s29;
	p2 =	por !p6, !p5  }
0x3d1: {  	s26 =	simm.s32 $0x12770;
	s25 =	simm.s32 $0x4;
	p3 =	por !p2, !p2  }
0x3d2: {  	s30 =	simm.s32 $0x7C;
	(xrf2) =	vadd.scan.msk.f32 $0xffff, v5;
	v3, _, _ =	vpop (xrf2);
	s22 =	smov.u32 @p3 s0;
	s20 =	simm.s32 @p3 $0x1  }
.LBB2_35:
0x3d3: {  	v4 =	vld [tilespmem:s26+$0x0];
	s0 =	sadd.f32 s1, s31;
	(v2sf) =	vpush v3, $0xF;
	v3, _, _ =	vpop (xrf2);
	s21 =	smov.u32 @p3 s30;
	p2 =	sgt.s32 s20, $0x0  }
0x3d4: {  	(v2sf) =	vpush v3, $0xF;
	s28 =	smov.u32 @p2 s29  }
0x3d5: {  	s23 =	sadd.s32 $0xFFFFFFC0, s23;
	s29 =	sadd.f32 s0, s28  }
0x3d6: {  	s0 =	ssub.f32 s19, s28;
	v3 =	vld [tilespmem:s23+$0x0]  }
0x3d7: {  	s25 =	sadd.s32 $0x4, s25;
	p3 =	sgt.f32 s29, s19  }
0x3d8: {  	p4 =	seq.s32 s20, $0x0;
	p2 =	slt.u32 s25, $0x7C;
	(xrf2) =	vadd.scan.msk.f32 $0xffff, v4;
	s1 =	spop (v2sf)  }
0x3d9: {  	p3 =	por !p4, !p3;
	s30 =	spop (v2sf);
	v4, _, _ =	vpop (xrf2)  }
0x3da: {  	p3 =	por !p3, !p3;
	s1 =	sadd.f32 s30, s1  }
0x3db: {  	s24 =	sadd.s32 $0xFFFFFFFC, s24;
	v5 =	vld [tilespmem:s26+$0xFFFFFFF0];
	(xrf2) =	vadd.scan.msk.f32 $0xffff, v3;
	s22 =	smov.u32 @p3 s0;
	s20 =	simm.s32 @p3 $0x1  }
0x3dc: {  	s21 =	smov.u32 @p3 s24;
	p4 =	sgt.s32 s20, $0x0;
	p3 =	seq.s32 s20, $0x0;
	(v2sf) =	vpush v4, $0xF;
	v3, _, _ =	vpop (xrf2)  }
0x3dd: {  	s29 =	smov.u32 @p4 s28;
	(v2sf) =	vpush v3, $0xF  }
0x3de: {  	v3 =	vld [tilespmem:s23+$0xFFFFFFF0];
	s0 =	sadd.f32 s29, s1  }
0x3df: {  	s1 =	ssub.f32 s19, s29  }
0x3e0: {  	(xrf2) =	vadd.scan.msk.f32 $0xffff, v5;
	p4 =	sgt.f32 s0, s19;
	_ =	sdelay $0x1  }
0x3e1: {  	v4, _, _ =	vpop (xrf2);
	p3 =	por !p3, !p4;
	s28 =	spop (v2sf)  }
0x3e2: {  	(xrf2) =	vadd.scan.msk.f32 $0xffff, v3;
	p3 =	por !p3, !p3;
	s30 =	spop (v2sf)  }
0x3e3: {  	s31 =	sadd.s32 $0xFFFFFFFF, s24;
	s22 =	smov.u32 @p3 s1;
	s20 =	simm.s32 @p3 $0x1  }
0x3e4: {  	s21 =	smov.u32 @p3 s31;
	s1 =	sadd.f32 s30, s28;
	v3 =	vld [tilespmem:s26+$0xFFFFFFE0];
	(v2sf) =	vpush v4, $0xF;
	v4, _, _ =	vpop (xrf2);
	p3 =	sgt.s32 s20, $0x0  }
0x3e5: {  	(v2sf) =	vpush v4, $0xF;
	s0 =	smov.u32 @p3 s29  }
0x3e6: {  	s29 =	sadd.f32 s0, s1  }
0x3e7: {  	s1 =	ssub.f32 s19, s0;
	v4 =	vld [tilespmem:s23+$0xFFFFFFE0]  }
0x3e8: {  	p3 =	sgt.f32 s29, s19  }
0x3e9: {  	p4 =	seq.s32 s20, $0x0;
	v5, _, _ =	vpop (xrf2);
	(xrf2) =	vadd.scan.msk.f32 $0xffff, v3  }
0x3ea: {  	p3 =	por !p4, !p3;
	s28 =	spop (v2sf)  }
0x3eb: {  	p3 =	por !p3, !p3;
	s30 =	spop (v2sf)  }
0x3ec: {  	s31 =	sadd.s32 $0xFFFFFFFE, s24;
	(v2sf) =	vpush v5, $0xF;
	v3, _, _ =	vpop (xrf2);
	(xrf2) =	vadd.scan.msk.f32 $0xffff, v4;
	s22 =	smov.u32 @p3 s1;
	s20 =	simm.s32 @p3 $0x1  }
0x3ed: {  	s21 =	smov.u32 @p3 s31;
	s1 =	sadd.f32 s30, s28;
	v4 =	vld [tilespmem:s26+$0xFFFFFFD0];
	(v2sf) =	vpush v3, $0xF;
	p3 =	sgt.s32 s20, $0x0  }
0x3ee: {  	s29 =	smov.u32 @p3 s0  }
0x3ef: {  	s28 =	sadd.f32 s29, s1  }
0x3f0: {  	s0 =	ssub.f32 s19, s29;
	v5 =	vld [tilespmem:s23+$0xFFFFFFD0]  }
.Ltmp18:
0x3f1: {  	p3 =	sgt.f32 s28, s19;
	(pc) =	sbr.rel @p2 .LBB2_35-.Ltmp18, $4  }
0x3f2: {  	p4 =	seq.s32 s20, $0x0;
	(xrf2) =	vadd.scan.msk.f32 $0xffff, v4  }
0x3f3: {  	s31 =	spop (v2sf);
	v3, _, _ =	vpop (xrf2);
	p3 =	por !p4, !p3  }
0x3f4: {  	s26 =	sadd.s32 $0xFFFFFFC0, s26;
	s1 =	spop (v2sf);
	p3 =	por !p3, !p3  }
0x3f5: {  	s30 =	sadd.s32 $0xFFFFFFFD, s24;
	(xrf2) =	vadd.scan.msk.f32 $0xffff, v5;
	s22 =	smov.u32 @p3 s0;
	s20 =	simm.s32 @p3 $0x1  }
0x3f6: {  	s0 =	sadd.f32 s1, s31;
	p2 =	sgt.s32 s20, $0x0  }
0x3f7: {  	(v2sf) =	vpush v3, $0xF;
	v3, _, _ =	vpop (xrf2);
	s28 =	smov.u32 @p2 s29  }
0x3f8: {  	(v2sf) =	vpush v3, $0xF;
	s0 =	sadd.f32 s0, s28;
	_ =	sdelay $0x1  }
0x3f9: {  	p5 =	sgt.f32 s0, s19  }
0x3fa: {  	p4 =	seq.s32 s20, $0x0  }
0x3fb: {  	p2 =	por !p4, !p5  }
0x3fc: {  	s26 =	spop (v2sf);
	p2 =	por !p2, !p2  }
0x3fd: {  	s23 =	spop (v2sf);
	s20 =	simm.s32 @p2 $0x1  }
0x3fe: {  	v3, _, _ =	vpop (xrf2);
	s1 =	sadd.f32 s23, s26;
	p4 =	sgt.s32 s20, $0x0  }
0x3ff: {  	(v2sf) =	vpush v3, $0xF;
	v3, _, _ =	vpop (xrf2);
	s0 =	smov.u32 @p4 s28  }
0x400: {  	(v2sf) =	vpush v3, $0xF;
	s1 =	sadd.f32 s0, s1;
	_ =	sdelay $0x1  }
0x401: {  	p6 =	sgt.f32 s1, s19  }
0x402: {  	p5 =	seq.s32 s20, $0x0;
	v3 =	vld [tilespmem:$0x14000]  }
0x403: {  	p4 =	por !p5, !p6  }
0x404: {  	s29 =	spop (v2sf);
	p4 =	por !p4, !p4  }
0x405: {  	s25 =	spop (v2sf);
	s20 =	simm.s32 @p4 $0x1  }
0x406: {  	s23 =	sadd.f32 s25, s29;
	p5 =	sgt.s32 s20, $0x0  }
0x407: {  	(v2sf) =	vpush v3, $0x0;
	s1 =	smov.u32 @p5 s0  }
0x408: {  	s23 =	sadd.f32 s1, s23;
	_ =	sdelay $0x1  }
0x409: {  	p5 =	sgt.f32 s23, s19  }
0x40a: {  	p6 =	seq.s32 s20, $0x0  }
0x40b: {  	p5 =	por !p6, !p5  }
0x40c: {  	s21 =	smov.u32 @p3 s30;
	s31 =	spop (v2sf);
	p3 =	por !p5, !p5  }
0x40d: {  	s26 =	ssub.f32 s19, s28;
	s29 =	spop (v2sf);
	s20 =	simm.s32 @p3 $0x1  }
0x40e: {  	s25 =	sadd.f32 s29, s31;
	p5 =	sgt.s32 s20, $0x0  }
0x40f: {  	s24 =	sadd.s32 $0xFFFFFFFC, s24;
	s0 =	ssub.f32 s19, s0;
	s23 =	smov.u32 @p5 s1  }
0x410: {  	s21 =	smov.u32 @p2 s24;
	s22 =	smov.u32 @p2 s26;
	s25 =	sadd.f32 s23, s25  }
0x411: {  	s26 =	sadd.s32 $0xFFFFFFFF, s24;
	s22 =	smov.u32 @p4 s0;
	s0 =	ssub.f32 s19, s1  }
0x412: {  	s21 =	smov.u32 @p4 s26;
	p5 =	sgt.f32 s25, s19  }
0x413: {  	s22 =	smov.u32 @p3 s0;
	p6 =	seq.s32 s20, $0x0;
	s1 =	sadd.s32 $0xFFFFFFFE, s24  }
0x414: {  	s21 =	smov.u32 @p3 s1;
	s0 =	ssub.f32 s19, s23;
	p2 =	por !p6, !p5  }
0x415: {  	s1 =	sadd.s32 $0xFFFFFFFD, s24;
	s30 =	spop (v2sf);
	p2 =	por !p2, !p2  }
0x416: {  	s31 =	sshll.u32 s30, $0x7;
	s22 =	smov.u32 @p2 s0;
	s21 =	smov.u32 @p2 s1  }
0x417: {  	v3 =	vmov s22;
	s0 =	sadd.s32 s21, s31  }
0x418: {  	[tilespmem:$0x14080] =	vst v3;
	v3 =	vmov s0  }
0x419: {  	[tilespmem:$0x14000] =	vst v3  }
0x41a: {  	[spmem:s5] =	stream.linear.scatter [tilespmem:s16], [sflag:$0x1], $0x10, $0x38;
	[tilespmem:$0x15210] =	vst v63  }
.Ltmp19:
0x41b: {  	_ =	swait.ge [sflag:s13], $0x10;
	(pc) =	sbr.rel .LBB2_37-.Ltmp19, $3  }
0x41c: {  	[sflag:s13] =	ssyncset.done $0x0  }
0x41d: {  	[sflag:s13] =	ssyncadd.s32 $0xFFFFFFF0  }
0x41e: {  	[bflag:$0x0] =	sbarrier.arrive $0xFFFF;
	_ =	sdelay $0x1  }
.LBB2_33:
0x41f: {  	[bflag:$0x0] =	sbarrier.arrive $0xFFFF  }
0x420: {  	[tilespmem:s16], [sflag:$0x1] =	stream.linear.gather [spmem:s7], $0x10, $0x38;
	[tilespmem:$0x15210] =	vst v63  }
0x421: {  	_ =	swait.ge [sflag:s13], $0x10  }
0x422: {  	[sflag:s13] =	ssyncset.done $0x0  }
0x423: {  	[sflag:s13] =	ssyncadd.s32 $0xFFFFFFF0  }
.LBB2_37:
0x424: {  	s0 =	simm.s32 $0x80  }
0x425: {  	v3 =	vld [tilespmem:s0+$0x70]  }
0x426: {  	v4 =	vld [tilespmem:s0+$0x60]  }
0x427: {  	v5 =	vld [tilespmem:s0+$0x50]  }
0x428: {  	v7 =	vld [tilespmem:s0+$0x40]  }
0x429: {  	v6 =	vld [tilespmem:s0+$0x30]  }
0x42a: {  	v8 =	vld [tilespmem:s0+$0x20]  }
0x42b: {  	v10 =	vld [tilespmem:s0+$0x10]  }
0x42c: {  	v11 =	vld [tilespmem:s0+$0x0]  }
0x42d: {  	v12 =	vld [tilespmem:s0+$0xFFFFFFF0]  }
0x42e: {  	v13 =	vld [tilespmem:s0+$0xFFFFFFE0]  }
0x42f: {  	v14 =	vld [tilespmem:s0+$0xFFFFFFD0]  }
0x430: {  	v15 =	vld [tilespmem:s0+$0xFFFFFFC0]  }
0x431: {  	v16 =	vld [tilespmem:s0+$0xFFFFFFB0]  }
0x432: {  	v17 =	vld [tilespmem:s0+$0xFFFFFFA0]  }
0x433: {  	v18 =	vld [tilespmem:s0+$0xFFFFFF90]  }
0x434: {  	v19 =	vimm.f32 $0.0e+00;
	v20 =	vld [tilespmem:s0+$0xFFFFFF80];
	v21 =	vand.u32 $0x7FFFFFFF, v3  }
0x435: {  	v9 =	vld.msk [tilespmem:$0x14000 ss:$0x0], $0xffff;
	v22 =	vand.u32 $0x7FFFFFFF, v7;
	v23 =	vand.u32 $0x7FFFFFFF, v5;
	v24 =	vand.u32 $0x7FFFFFFF, v4  }
0x436: {  	v25 =	vand.u32 $0x7FFFFFFF, v10;
	v26 =	vand.u32 $0x7FFFFFFF, v8;
	v27 =	vand.u32 $0x7FFFFFFF, v6  }
0x437: {  	v28 =	vand.u32 $0x7FFFFFFF, v13;
	v29 =	vand.u32 $0x7FFFFFFF, v12;
	v30 =	vand.u32 $0x7FFFFFFF, v11  }
0x438: {  	v31 =	vand.u32 $0x7FFFFFFF, v16;
	v32 =	vand.u32 $0x7FFFFFFF, v15;
	v33 =	vand.u32 $0x7FFFFFFF, v14  }
0x439: {  	v34 =	vand.u32 $0x7FFFFFFF, v20;
	v35 =	vand.u32 $0x7FFFFFFF, v18;
	v36 =	vand.u32 $0x7FFFFFFF, v17  }
0x43a: {  	vm2 =	vgt.s32 v9, v23;
	vm1 =	vgt.s32 v9, v24;
	vm0 =	vgt.s32 v9, v21  }
0x43b: {  	vm5 =	vgt.s32 v9, v26;
	vm4 =	vgt.s32 v9, v27;
	vm3 =	vgt.s32 v9, v22  }
0x43c: {  	vm8 =	vgt.s32 v9, v29;
	vm7 =	vgt.s32 v9, v30;
	vm6 =	vgt.s32 v9, v25  }
0x43d: {  	vm11 =	vgt.s32 v9, v34;
	vm10 =	vgt.s32 v9, v33;
	vm9 =	vgt.s32 v9, v28  }
0x43e: {  	vm12 =	vgt.s32 v9, v31;
	vm13 =	vgt.s32 v9, v32;
	v20 =	vnsel vm11, $0x0, v20  }
0x43f: {  	vm14 =	vgt.s32 v9, v35;
	vm15 =	vgt.s32 v9, v36;
	v55 =	vmul.f32 v20, v20  }
0x440: {  	v56 =	vsel vm11, $0x0, v2;
	v18 =	vnsel vm14, $0x0, v18;
	v20 =	vadd.f32 v20, v19  }
0x441: {  	v57 =	vmul.f32 v18, v18;
	v21 =	vadd.f32 v55, v19;
	v19 =	vadd.f32 v56, v19  }
0x442: {  	v58 =	vsel vm14, $0x0, v2;
	v17 =	vnsel vm15, $0x0, v17;
	v18 =	vadd.f32 v18, v20  }
0x443: {  	v59 =	vmul.f32 v17, v17;
	v21 =	vadd.f32 v57, v21;
	v19 =	vadd.f32 v58, v19  }
0x444: {  	v60 =	vsel vm15, $0x0, v2;
	v16 =	vnsel vm12, $0x0, v16;
	v17 =	vadd.f32 v17, v18  }
0x445: {  	v61 =	vmul.f32 v16, v16;
	v20 =	vadd.f32 v59, v21;
	v18 =	vadd.f32 v60, v19  }
0x446: {  	v15 =	vnsel vm13, $0x0, v15;
	v16 =	vadd.f32 v16, v17;
	v17 =	vsel vm12, $0x0, v2  }
0x447: {  	v62 =	vmul.f32 v15, v15;
	v19 =	vadd.f32 v61, v20;
	v17 =	vadd.f32 v17, v18  }
0x448: {  	v14 =	vnsel vm10, $0x0, v14;
	v15 =	vadd.f32 v15, v16;
	v16 =	vsel vm13, $0x0, v2  }
0x449: {  	v18 =	vadd.f32 v62, v19;
	v16 =	vadd.f32 v16, v17;
	v17 =	vmul.f32 v14, v14  }
0x44a: {  	v13 =	vnsel vm9, $0x0, v13;
	v14 =	vadd.f32 v14, v15;
	v15 =	vsel vm10, $0x0, v2  }
0x44b: {  	v17 =	vadd.f32 v17, v18;
	v15 =	vadd.f32 v15, v16;
	v16 =	vmul.f32 v13, v13  }
0x44c: {  	v12 =	vnsel vm8, $0x0, v12;
	v13 =	vadd.f32 v13, v14;
	v14 =	vsel vm9, $0x0, v2  }
0x44d: {  	v16 =	vadd.f32 v16, v17;
	v15 =	vadd.f32 v14, v15;
	v17 =	vmul.f32 v12, v12  }
0x44e: {  	v63 =	vsel vm8, $0x0, v2;
	v12 =	vadd.f32 v12, v13;
	v14 =	vnsel vm7, $0x0, v11  }
0x44f: {  	s19 =	simm.s32 $0x0;
	s20 =	simm.s32 $0x180;
	v13 =	vadd.f32 v17, v16;
	v11 =	vadd.f32 v63, v15;
	v15 =	vmul.f32 v14, v14  }
.LBB2_38:
0x450: {  	v16 =	vld [tilespmem:s20+$0x70];
	v12 =	vadd.f32 v14, v12;
	v14 =	vsel vm7, $0x0, v2;
	v10 =	vnsel vm6, $0x0, v10  }
0x451: {  	v17 =	vld [tilespmem:s20+$0x60];
	v13 =	vadd.f32 v15, v13;
	v11 =	vadd.f32 v14, v11;
	v14 =	vmul.f32 v10, v10  }
0x452: {  	v8 =	vnsel vm5, $0x0, v8;
	v15 =	vld [tilespmem:s20+$0x50];
	v10 =	vadd.f32 v10, v12;
	v12 =	vsel vm6, $0x0, v2  }
0x453: {  	v18 =	vld [tilespmem:s20+$0x40];
	v13 =	vadd.f32 v14, v13;
	v11 =	vadd.f32 v12, v11;
	v12 =	vmul.f32 v8, v8  }
0x454: {  	v19 =	vnsel vm4, $0x0, v6;
	v14 =	vadd.f32 v8, v10;
	v10 =	vsel vm5, $0x0, v2;
	v6 =	vld [tilespmem:s20+$0x30]  }
0x455: {  	v20 =	vmul.f32 v19, v19;
	v8 =	vld [tilespmem:s20+$0x20];
	v12 =	vadd.f32 v12, v13;
	v13 =	vadd.f32 v10, v11  }
0x456: {  	v23 =	vnsel vm3, $0x0, v7;
	v10 =	vld [tilespmem:s20+$0x10];
	v14 =	vadd.f32 v19, v14;
	v19 =	vsel vm4, $0x0, v2  }
0x457: {  	v11 =	vld [tilespmem:s20+$0x0];
	v20 =	vadd.f32 v20, v12;
	v13 =	vadd.f32 v19, v13;
	v19 =	vmul.f32 v23, v23  }
0x458: {  	v21 =	vsel vm3, $0x0, v2;
	v22 =	vnsel vm2, $0x0, v5;
	v5 =	vmovc v15;
	v12 =	vld [tilespmem:s20+$0xFFFFFFF0];
	v14 =	vadd.f32 v23, v14;
	v7 =	vmovc v18  }
0x459: {  	v15 =	vld [tilespmem:s20+$0xFFFFFFE0];
	v18 =	vadd.f32 v19, v20;
	v13 =	vadd.f32 v21, v13;
	v19 =	vmul.f32 v22, v22  }
0x45a: {  	v21 =	vsel vm2, $0x0, v2;
	v20 =	vld [tilespmem:s20+$0xFFFFFFD0];
	v14 =	vadd.f32 v22, v14;
	v22 =	vnsel vm1, $0x0, v4;
	v4 =	vmovc v17  }
0x45b: {  	v17 =	vld [tilespmem:s20+$0xFFFFFFC0];
	v18 =	vadd.f32 v19, v18;
	v13 =	vadd.f32 v21, v13;
	v19 =	vmul.f32 v22, v22  }
0x45c: {  	v23 =	vnsel vm0, $0x0, v3;
	v3 =	vmovc v16;
	v21 =	vld [tilespmem:s20+$0xFFFFFFB0];
	v14 =	vadd.f32 v22, v14;
	v22 =	vsel vm1, $0x0, v2  }
0x45d: {  	v16 =	vld [tilespmem:s20+$0xFFFFFFA0];
	v18 =	vadd.f32 v19, v18;
	v13 =	vadd.f32 v22, v13;
	v19 =	vmul.f32 v23, v23  }
0x45e: {  	v22 =	vld [tilespmem:s20+$0xFFFFFF90];
	v14 =	vadd.f32 v23, v14;
	v23 =	vsel vm0, $0x0, v2  }
0x45f: {  	v25 =	vand.u32 $0x7FFFFFFF, v3;
	v24 =	vld [tilespmem:s20+$0xFFFFFF80];
	v18 =	vadd.f32 v19, v18;
	v13 =	vadd.f32 v23, v13  }
0x460: {  	v26 =	vand.u32 $0x7FFFFFFF, v4;
	v19 =	vand.u32 $0x7FFFFFFF, v7;
	v23 =	vand.u32 $0x7FFFFFFF, v5  }
0x461: {  	v29 =	vand.u32 $0x7FFFFFFF, v6;
	v28 =	vand.u32 $0x7FFFFFFF, v8;
	v27 =	vand.u32 $0x7FFFFFFF, v10  }
0x462: {  	s19 =	sadd.s32 $0x10, s19;
	v32 =	vand.u32 $0x7FFFFFFF, v11;
	v31 =	vand.u32 $0x7FFFFFFF, v12;
	v30 =	vand.u32 $0x7FFFFFFF, v15  }
0x463: {  	p2 =	slt.u32 s19, $0x11F0;
	v35 =	vand.u32 $0x7FFFFFFF, v20;
	v34 =	vand.u32 $0x7FFFFFFF, v17;
	v33 =	vand.u32 $0x7FFFFFFF, v21  }
0x464: {  	v38 =	vand.u32 $0x7FFFFFFF, v16;
	v37 =	vand.u32 $0x7FFFFFFF, v22;
	v36 =	vand.u32 $0x7FFFFFFF, v24  }
0x465: {  	vm1 =	vgt.s32 v9, v26;
	vm0 =	vgt.s32 v9, v25;
	vm2 =	vgt.s32 v9, v23  }
0x466: {  	vm4 =	vgt.s32 v9, v29;
	vm5 =	vgt.s32 v9, v28;
	vm3 =	vgt.s32 v9, v19  }
0x467: {  	vm6 =	vgt.s32 v9, v27;
	vm7 =	vgt.s32 v9, v32;
	vm8 =	vgt.s32 v9, v31  }
0x468: {  	vm9 =	vgt.s32 v9, v30;
	vm10 =	vgt.s32 v9, v35;
	vm12 =	vgt.s32 v9, v36  }
0x469: {  	vm11 =	vgt.s32 v9, v34;
	vm13 =	vgt.s32 v9, v33;
	v19 =	vnsel vm12, $0x0, v24  }
0x46a: {  	vm15 =	vgt.s32 v9, v38;
	vm14 =	vgt.s32 v9, v37;
	v23 =	vmul.f32 v19, v19  }
0x46b: {  	v22 =	vnsel vm14, $0x0, v22;
	v14 =	vadd.f32 v19, v14;
	v19 =	vsel vm12, $0x0, v2  }
0x46c: {  	v13 =	vadd.f32 v19, v13;
	v19 =	vmul.f32 v22, v22;
	v18 =	vadd.f32 v23, v18  }
0x46d: {  	v16 =	vnsel vm15, $0x0, v16;
	v14 =	vadd.f32 v22, v14;
	v22 =	vsel vm14, $0x0, v2  }
0x46e: {  	v13 =	vadd.f32 v22, v13;
	v18 =	vadd.f32 v19, v18;
	v19 =	vmul.f32 v16, v16  }
0x46f: {  	v21 =	vnsel vm13, $0x0, v21;
	v14 =	vadd.f32 v16, v14;
	v16 =	vsel vm15, $0x0, v2  }
0x470: {  	v13 =	vadd.f32 v16, v13;
	v16 =	vmul.f32 v21, v21;
	v18 =	vadd.f32 v19, v18  }
0x471: {  	v17 =	vnsel vm11, $0x0, v17;
	v14 =	vadd.f32 v21, v14;
	v19 =	vsel vm13, $0x0, v2  }
0x472: {  	v13 =	vadd.f32 v19, v13;
	v16 =	vadd.f32 v16, v18;
	v18 =	vmul.f32 v17, v17  }
0x473: {  	v19 =	vnsel vm10, $0x0, v20;
	v14 =	vadd.f32 v17, v14;
	v17 =	vsel vm11, $0x0, v2  }
0x474: {  	v13 =	vadd.f32 v17, v13;
	v17 =	vmul.f32 v19, v19;
	v16 =	vadd.f32 v18, v16  }
0x475: {  	v15 =	vnsel vm9, $0x0, v15;
	v14 =	vadd.f32 v19, v14;
	v18 =	vsel vm10, $0x0, v2  }
.Ltmp20:
0x476: {  	v13 =	vadd.f32 v18, v13;
	v16 =	vadd.f32 v17, v16;
	v17 =	vmul.f32 v15, v15;
	(pc) =	sbr.rel @p2 .LBB2_38-.Ltmp20, $4  }
0x477: {  	v12 =	vnsel vm8, $0x0, v12;
	v14 =	vadd.f32 v15, v14;
	v15 =	vsel vm9, $0x0, v2  }
0x478: {  	v15 =	vadd.f32 v15, v13;
	v13 =	vmul.f32 v12, v12;
	v16 =	vadd.f32 v17, v16  }
0x479: {  	v12 =	vadd.f32 v12, v14;
	v17 =	vsel vm8, $0x0, v2;
	v14 =	vnsel vm7, $0x0, v11  }
0x47a: {  	s20 =	sadd.s32 $0x100, s20;
	v11 =	vadd.f32 v17, v15;
	v15 =	vmul.f32 v14, v14;
	v13 =	vadd.f32 v13, v16  }
0x47b: {  	v9 =	vadd.f32 v14, v12;
	v10 =	vnsel vm6, $0x0, v10  }
0x47c: {  	v42 =	vsel vm7, $0x0, v2;
	v13 =	vadd.f32 v15, v13;
	v43 =	vmul.f32 v10, v10  }
0x47d: {  	v8 =	vnsel vm5, $0x0, v8;
	v11 =	vadd.f32 v42, v11;
	v9 =	vadd.f32 v10, v9  }
0x47e: {  	v44 =	vsel vm6, $0x0, v2;
	v46 =	vmul.f32 v8, v8;
	v45 =	vadd.f32 v43, v13  }
0x47f: {  	v6 =	vnsel vm4, $0x0, v6;
	v10 =	vadd.f32 v44, v11;
	v8 =	vadd.f32 v8, v9  }
0x480: {  	v47 =	vsel vm5, $0x0, v2;
	v49 =	vmul.f32 v6, v6;
	v48 =	vadd.f32 v46, v45  }
0x481: {  	v7 =	vnsel vm3, $0x0, v7;
	v9 =	vadd.f32 v47, v10;
	v6 =	vadd.f32 v6, v8  }
0x482: {  	v50 =	vsel vm4, $0x0, v2;
	v52 =	vmul.f32 v7, v7;
	v51 =	vadd.f32 v49, v48  }
0x483: {  	v5 =	vnsel vm2, $0x0, v5;
	v8 =	vadd.f32 v50, v9;
	v6 =	vadd.f32 v7, v6  }
0x484: {  	v53 =	vsel vm3, $0x0, v2;
	v55 =	vmul.f32 v5, v5;
	v54 =	vadd.f32 v52, v51  }
0x485: {  	v4 =	vnsel vm1, $0x0, v4;
	v7 =	vadd.f32 v53, v8;
	v5 =	vadd.f32 v5, v6  }
0x486: {  	v56 =	vsel vm2, $0x0, v2;
	v58 =	vmul.f32 v4, v4;
	v57 =	vadd.f32 v55, v54  }
0x487: {  	v3 =	vnsel vm0, $0x0, v3;
	v6 =	vadd.f32 v56, v7;
	v4 =	vadd.f32 v4, v5  }
0x488: {  	v59 =	vsel vm1, $0x0, v2;
	v61 =	vmul.f32 v3, v3;
	v60 =	vadd.f32 v58, v57  }
0x489: {  	v5 =	vadd.f32 v59, v6;
	v3 =	vadd.f32 v3, v4  }
0x48a: {  	v62 =	vsel vm0, $0x0, v2;
	v63 =	vadd.f32 v61, v60  }
0x48b: {  	s18 =	sadd.s32 $0x1, s18;
	v4 =	vadd.f32 v62, v5;
	[tilespmem:$0x14180] =	vst v3  }
0x48c: {  	p2 =	sne.s32 s18, s10;
	[tilespmem:$0x14190] =	vst v63  }
.Ltmp21:
0x48d: {  	[tilespmem:$0x141A0] =	vst v4;
	(pc) =	sbr.rel @p2 .LBB2_1-.Ltmp21, $4  }
0x48e: {  	[hbm4b:s9+s2] =	stream.linear.scatter [tilespmem:s17], [sflag:$0x1], $0x80, $0x38;
	[tilespmem:$0x15210] =	vst v63  }
0x48f: {  	_ =	swait.ge [sflag:s13], $0x80  }
0x490: {  	[sflag:s13] =	ssyncset.done $0x0  }
0x491: {  	[sflag:s13] =	ssyncadd.s32 $0xFFFFFF80  }
0x492: {  	_ =	sfence.sel $0x180000  }
0x493: {  	[bflag:$0x0] =	sbarrier.arrive $0xFFFF  }
0x494: {  	_ =	strace $0x90000047  }
0x495: {  	s0 =	stileid.u32;
	[bflag:$0x2] =	sbarrier.arrive $0xFFFF  }
0x496: {  	p0 =	sne.s32 s0, $0x0;
	s0 =	rddreg [dreg:$0x3]  }
0x497: {  	s0 =	sadd.s32 @!p0 $0x100000, s0  }
0x498: {  	[sflag:s0] =	ssyncadd.tile.s32 @!p0 $0x1;
	_ =	shalt  }
.Lfunc_end2:
_tile_overlayer_lowered:
.L_overlay_start_2:
0x499: {  	(tag) =	ssettag $0x2  }
0x49a: {  	s0 =	rddreg [dreg:$0x0];
	s2 =	stileid.u32  }
0x49b: {  	s1 =	rddreg [dreg:$0x1];
	p0 =	sne.s32 s2, $0x0  }
0x49c: {  	s3 =	rddreg [dreg:$0x2];
	[bflag:$0x3] =	sbarrier.arrive $0xFFFF;
	s2 =	simm.s32 @!p0 $0x1C01  }
0x49d: {  	[timem:s3], [sflag:s2] =	dma.local @!p0 [hbm:s0], s1  }
0x49e: {  	s0 =	simm.s32 @!p0 $0x1  }
0x49f: {  	_ =	swait.ge @!p0 [sflag:s0], s1  }
0x4a0: {  	s1 =	ssub.s32 @!p0 $0x0, s1;
	[sflag:s0] =	ssyncset.done @!p0 $0x0  }
0x4a1: {  	[sflag:s0] =	ssyncadd.s32 @!p0 s1  }
0x4a2: {  	[bflag:$0x3] =	sbarrier.arrive $0xFFFF  }
0x4a3: {  	_ =	shalt  }

</sc_bundles>
